<compile_context>
chip_gen: v7x
topology: tpu7x:2x2x1
jax: 0.10.2.dev20260603
libtpu: 0.0.44.dev20260713+nightly
codegen_flags: <defaults>
</compile_context>

<pallas_src>
import jax
import jax.numpy as jnp
from jax import lax
from jax.experimental import pallas as pl
from jax.experimental.pallas import tpu as pltpu

N = 10000
E = 160000
IN_F = 256
HID_F = 256
OUT_F = 128
G = 64

NPAD = 10240
FH = HID_F // 2



def _matmul_scale_body(x_ref, w_ref, deg_ref, o_ref):
    h = jnp.dot(x_ref[...], w_ref[...], preferred_element_type=jnp.float32)
    o_ref[...] = h * lax.rsqrt(deg_ref[...])


def _matmul_scale(xp, W, deg2d):
    bm = 512
    return pl.pallas_call(
        _matmul_scale_body,
        grid=(NPAD // bm,),
        in_specs=[
            pl.BlockSpec((bm, IN_F), lambda j: (j, 0)),
            pl.BlockSpec((IN_F, HID_F), lambda j: (0, 0)),
            pl.BlockSpec((bm, 1), lambda j: (j, 0)),
        ],
        out_specs=pl.BlockSpec((bm, HID_F), lambda j: (j, 0)),
        out_shape=jax.ShapeDtypeStruct((NPAD, HID_F), jnp.float32),
    )(xp, W, deg2d)



def _final_body(acc_ref, g_ref, batch_ref, deg_ref,
                b_ref, wl_ref, blin_ref,
                emb_ref, sums, cnts):
    i = pl.program_id(0)
    bm = batch_ref.shape[1]

    @pl.when(i == 0)
    def _():
        sums[...] = jnp.zeros_like(sums)
        cnts[...] = jnp.zeros_like(cnts)

    dinv = lax.rsqrt(deg_ref[...])
    acc = acc_ref[...].astype(jnp.float32)
    out = jnp.maximum(dinv * (acc + g_ref[...]) + b_ref[...], 0.0)
    seg = lax.broadcasted_iota(jnp.int32, (G, bm), 0)
    pp = (seg == batch_ref[...]).astype(jnp.float32)
    sums[...] += jnp.dot(pp, out, preferred_element_type=jnp.float32)
    cnts[...] += jnp.sum(pp, axis=1, keepdims=True)

    @pl.when(i == pl.num_programs(0) - 1)
    def _():
        inv = 1.0 / jnp.maximum(cnts[...], 1.0)
        emb = jnp.dot(sums[...] * inv, wl_ref[...],
                      preferred_element_type=jnp.float32) + blin_ref[...]
        emb_ref[...] = jnp.maximum(emb, 0.0)


def _finalize(acc, g, batch1, deg2d, b_conv1, W_lin1, b_lin1):
    bm = 1024
    return pl.pallas_call(
        _final_body,
        grid=(NPAD // bm,),
        in_specs=[
            pl.BlockSpec((bm, HID_F), lambda i: (i, 0)),
            pl.BlockSpec((bm, HID_F), lambda i: (i, 0)),
            pl.BlockSpec((1, bm), lambda i: (0, i)),
            pl.BlockSpec((bm, 1), lambda i: (i, 0)),
            pl.BlockSpec((1, HID_F), lambda i: (0, 0)),
            pl.BlockSpec((HID_F, OUT_F), lambda i: (0, 0)),
            pl.BlockSpec((1, OUT_F), lambda i: (0, 0)),
        ],
        out_specs=pl.BlockSpec((G, OUT_F), lambda i: (0, 0)),
        out_shape=jax.ShapeDtypeStruct((G, OUT_F), jnp.float32),
        scratch_shapes=[
            pltpu.VMEM((G, HID_F), jnp.float32),
            pltpu.VMEM((G, 1), jnp.float32),
        ],
    )(acc, g, batch1, deg2d,
      b_conv1.reshape(1, HID_F), W_lin1, b_lin1.reshape(1, OUT_F))



def kernel(x, edge_index, batch, W_conv1, b_conv1, W_lin1, b_lin1):
    src = edge_index[0]
    dst = edge_index[1]
    batch1 = jnp.pad(batch, (0, NPAD - N), constant_values=G).reshape(1, NPAD)

    deg = jnp.ones((NPAD,), jnp.float32).at[dst].add(1.0)
    deg2d = deg.reshape(NPAD, 1)

    xp = jnp.pad(x, ((0, NPAD - N), (0, 0)))
    g = _matmul_scale(xp, W_conv1, deg2d)

    gb = g.astype(jnp.bfloat16)
    acc = jnp.zeros((NPAD, HID_F), jnp.bfloat16).at[dst].add(gb[src])

    return _finalize(acc, g, batch1, deg2d, b_conv1, W_lin1, b_lin1)

# --- scband reference (transcript-rebuilt; emitter-appended) ---
"""Pipeline reference for scband-graph-encoder-gcn-2869038154302 (READ-ONLY COPY).

The authoritative reference and input builder live on the scoring server;
editing this copy changes nothing except your own understanding.
"""

import jax, jax.numpy as jnp
import numpy as np

N = 10000
E = 160000
IN_F = 256
HID_F = 256
OUT_F = 128
G = 64


def gcn_conv(x, edge_index, W, b, num_nodes):
    # GCNConv: x' = D^{-1/2} (A + I) D^{-1/2} X W + b  (add self-loops, symmetric norm)
    src = edge_index[0]
    dst = edge_index[1]
    loop = jnp.arange(num_nodes, dtype=src.dtype)
    src = jnp.concatenate([src, loop])
    dst = jnp.concatenate([dst, loop])
    deg = jnp.zeros((num_nodes,), dtype=x.dtype).at[dst].add(1.0)
    dinv = jnp.where(deg > 0, deg ** -0.5, 0.0)
    norm = dinv[src] * dinv[dst]
    h = x @ W
    msg = h[src] * norm[:, None]
    out = jnp.zeros((num_nodes, W.shape[1]), dtype=x.dtype).at[dst].add(msg)
    return out + b


def global_mean_pool(x, batch, num_graphs):
    sums = jax.ops.segment_sum(x, batch, num_segments=num_graphs)
    counts = jax.ops.segment_sum(jnp.ones((x.shape[0],), dtype=x.dtype), batch, num_segments=num_graphs)
    return sums / jnp.clip(counts, 1.0)[:, None]


def setup_inputs(seed: int = 0) -> dict:
    key = jax.random.key(seed)
    ks = jax.random.split(key, 8)
    x = jax.random.normal(ks[0], (N, IN_F), dtype=jnp.float32)
    edge_index = jax.random.randint(ks[1], (2, E), 0, N, dtype=jnp.int32)
    batch = jnp.sort(jax.random.randint(ks[2], (N,), 0, G, dtype=jnp.int32))
    W_conv1 = jax.random.normal(ks[3], (IN_F, HID_F), dtype=jnp.float32) * (1.0 / np.sqrt(IN_F))
    b_conv1 = jnp.zeros((HID_F,), dtype=jnp.float32)
    W_lin1 = jax.random.normal(ks[4], (HID_F, OUT_F), dtype=jnp.float32) * (1.0 / np.sqrt(HID_F))
    b_lin1 = jnp.zeros((OUT_F,), dtype=jnp.float32)
    return {"x": x, "edge_index": edge_index, "batch": batch,
            "W_conv1": W_conv1, "b_conv1": b_conv1,
            "W_lin1": W_lin1, "b_lin1": b_lin1}


def reference(x, edge_index, batch, W_conv1, b_conv1, W_lin1, b_lin1):
    h = gcn_conv(x, edge_index, W_conv1, b_conv1, N)
    h = jax.nn.relu(h)
    emb = global_mean_pool(h, batch, G)
    emb = emb @ W_lin1 + b_lin1
    emb = jax.nn.relu(emb)
    return jax.nn.relu(emb)

if __name__ == "__main__":
    import jax
    _d = setup_inputs()
    print(jax.jit(kernel)(*tuple(_d.values())))

</pallas_src>

<mosaic_0001>
module attributes {stable_mosaic.version = 14 : i64} {
  func.func @_matmul_scale_body(%arg0: i32, %arg1: memref<512x256xf32, #tpu.memory_space<vmem>>, %arg2: memref<256x256xf32, #tpu.memory_space<vmem>>, %arg3: memref<512x1xf32, #tpu.memory_space<vmem>>, %arg4: memref<512x256xf32, #tpu.memory_space<vmem>>) attributes {dimension_semantics = [#tpu.dimension_semantics<arbitrary>], iteration_bounds = array<i64: 20>, scalar_prefetch = 0 : i64, scratch_operands = 0 : i64, tpu.core_type = #tpu.core_type<tc>, window_params = [{transform_indices = @transform_0, window_bounds = array<i64: 512, 256>}, {pipeline_mode = #tpu.pipeline_mode<synchronous>, transform_indices = @transform_1, window_bounds = array<i64: 256, 256>}, {transform_indices = @transform_2, window_bounds = array<i64: 512, 1>}, {transform_indices = @transform_3, window_bounds = array<i64: 512, 256>}]} {
    %get3A = arith.constant 0 : index
    %get3A_0 = arith.constant 0 : index
    %get3A_1 = vector.load %arg1[%get3A, %get3A_0] : memref<512x256xf32, #tpu.memory_space<vmem>>, vector<512x256xf32>
    %get3A_2 = arith.constant 0 : index
    %get3A_3 = arith.constant 0 : index
    %get3A_4 = vector.load %arg2[%get3A_2, %get3A_3] : memref<256x256xf32, #tpu.memory_space<vmem>>, vector<256x256xf32>
    %dot_general3A = arith.constant dense<0.000000e+00> : vector<512x256xf32>
    %dot_general3A_5 = tpu.matmul %get3A_1, %get3A_4, %dot_general3A {dimension_numbers = #tpu.dot_dimension_numbers<[1], [0], [0], [1], [0, 0, 1, 1], [], []>, transpose_lhs_hint = false} : vector<512x256xf32>, vector<256x256xf32>, vector<512x256xf32> -> vector<512x256xf32>
    %get3A_6 = arith.constant 0 : index
    %get3A_7 = arith.constant 0 : index
    %get3A_8 = vector.load %arg3[%get3A_6, %get3A_7] : memref<512x1xf32, #tpu.memory_space<vmem>>, vector<512x1xf32>
    %rsqrt3A = math.rsqrt %get3A_8 : vector<512x1xf32>
    %mul3A = vector.broadcast %rsqrt3A : vector<512x1xf32> to vector<512x256xf32>
    %mul3A_9 = arith.mulf %dot_general3A_5, %mul3A : vector<512x256xf32>
    %swap3A = arith.constant 0 : index
    %swap3A_10 = arith.constant 0 : index
    %swap3A_11 = vector.load %arg4[%swap3A, %swap3A_10] : memref<512x256xf32, #tpu.memory_space<vmem>>, vector<512x256xf32>
    tpu.vector_store %arg4[%swap3A, %swap3A_10], %mul3A_9 {strides = array<i32>} : memref<512x256xf32, #tpu.memory_space<vmem>>, vector<512x256xf32>,
    return
  }
  func.func @transform_0(%arg0: i32) -> (i32, i32) {
    %c0_i32 = arith.constant 0 : i32
    %c0_i32_0 = arith.constant 0 : i32
    return %arg0, %c0_i32 : i32, i32
  }
  func.func @transform_1(%arg0: i32) -> (i32, i32) {
    %c0_i32 = arith.constant 0 : i32
    %c0_i32_0 = arith.constant 0 : i32
    %c0_i32_1 = arith.constant 0 : i32
    return %c0_i32, %c0_i32_0 : i32, i32
  }
  func.func @transform_2(%arg0: i32) -> (i32, i32) {
    %c0_i32 = arith.constant 0 : i32
    %c0_i32_0 = arith.constant 0 : i32
    return %arg0, %c0_i32 : i32, i32
  }
  func.func @transform_3(%arg0: i32) -> (i32, i32) {
    %c0_i32 = arith.constant 0 : i32
    %c0_i32_0 = arith.constant 0 : i32
    return %arg0, %c0_i32 : i32, i32
  }
}

module attributes {stable_mosaic.version = 14 : i64} {
  func.func @_final_body(%arg0: i32, %arg1: memref<1024x256xbf16, #tpu.memory_space<vmem>>, %arg2: memref<1024x256xf32, #tpu.memory_space<vmem>>, %arg3: memref<1x1024xi32, #tpu.memory_space<vmem>>, %arg4: memref<1024x1xf32, #tpu.memory_space<vmem>>, %arg5: memref<1x256xf32, #tpu.memory_space<vmem>>, %arg6: memref<256x128xf32, #tpu.memory_space<vmem>>, %arg7: memref<1x128xf32, #tpu.memory_space<vmem>>, %arg8: memref<64x128xf32, #tpu.memory_space<vmem>>, %arg9: memref<64x256xf32, #tpu.memory_space<vmem>>, %arg10: memref<64x1xf32, #tpu.memory_space<vmem>>) attributes {dimension_semantics = [#tpu.dimension_semantics<arbitrary>], iteration_bounds = array<i64: 10>, scalar_prefetch = 0 : i64, scratch_operands = 2 : i64, tpu.core_type = #tpu.core_type<tc>, window_params = [{transform_indices = @transform_0, window_bounds = array<i64: 1024, 256>}, {transform_indices = @transform_1, window_bounds = array<i64: 1024, 256>}, {transform_indices = @transform_2, window_bounds = array<i64: 1, 1024>}, {transform_indices = @transform_3, window_bounds = array<i64: 1024, 1>}, {pipeline_mode = #tpu.pipeline_mode<synchronous>, transform_indices = @transform_4, window_bounds = array<i64: 1, 256>}, {pipeline_mode = #tpu.pipeline_mode<synchronous>, transform_indices = @transform_5, window_bounds = array<i64: 256, 128>}, {pipeline_mode = #tpu.pipeline_mode<synchronous>, transform_indices = @transform_6, window_bounds = array<i64: 1, 128>}, {pipeline_mode = #tpu.pipeline_mode<synchronous>, transform_indices = @transform_7, window_bounds = array<i64: 64, 128>}]} {
    %eq3A = arith.constant 0 : i32
    %eq3A_0 = arith.cmpi eq, %arg0, %eq3A : i32
    %convert_element_type3A = arith.extui %eq3A_0 : i1 to i32
    %cond3A = arith.constant 0 : i32
    %cond3A_1 = arith.cmpi ne, %convert_element_type3A, %cond3A : i32
    scf.if %cond3A_1 {
      %broadcast_in_dim3A_46 = arith.constant 0.000000e+00 : f32
      %broadcast_in_dim3A_47 = vector.broadcast %broadcast_in_dim3A_46 : f32 to vector<64x256xf32>
      %swap3A_48 = arith.constant 0 : index
      %swap3A_49 = arith.constant 0 : index
      %swap3A_50 = vector.load %arg9[%swap3A_48, %swap3A_49] : memref<64x256xf32, #tpu.memory_space<vmem>>, vector<64x256xf32>
      tpu.vector_store %arg9[%swap3A_48, %swap3A_49], %broadcast_in_dim3A_47 {strides = array<i32>} : memref<64x256xf32, #tpu.memory_space<vmem>>, vector<64x256xf32>,
      %broadcast_in_dim3A_51 = arith.constant 0.000000e+00 : f32
      %broadcast_in_dim3A_52 = vector.broadcast %broadcast_in_dim3A_51 : f32 to vector<64x1xf32>
      %swap3A_53 = arith.constant 0 : index
      %swap3A_54 = arith.constant 0 : index
      %swap3A_55 = vector.load %arg10[%swap3A_53, %swap3A_54] : memref<64x1xf32, #tpu.memory_space<vmem>>, vector<64x1xf32>
      tpu.vector_store %arg10[%swap3A_53, %swap3A_54], %broadcast_in_dim3A_52 {strides = array<i32>} : memref<64x1xf32, #tpu.memory_space<vmem>>, vector<64x1xf32>,
    } else {
    }
    %get3A = arith.constant 0 : index
    %get3A_2 = arith.constant 0 : index
    %get3A_3 = vector.load %arg4[%get3A, %get3A_2] : memref<1024x1xf32, #tpu.memory_space<vmem>>, vector<1024x1xf32>
    %rsqrt3A = math.rsqrt %get3A_3 : vector<1024x1xf32>
    %get3A_4 = arith.constant 0 : index
    %get3A_5 = arith.constant 0 : index
    %get3A_6 = vector.load %arg1[%get3A_4, %get3A_5] : memref<1024x256xbf16, #tpu.memory_space<vmem>>, vector<1024x256xbf16>
    %convert_element_type3A_7 = arith.extf %get3A_6 : vector<1024x256xbf16> to vector<1024x256xf32>
    %get3A_8 = arith.constant 0 : index
    %get3A_9 = arith.constant 0 : index
    %get3A_10 = vector.load %arg2[%get3A_8, %get3A_9] : memref<1024x256xf32, #tpu.memory_space<vmem>>, vector<1024x256xf32>
    %add3A = arith.addf %convert_element_type3A_7, %get3A_10 : vector<1024x256xf32>
    %mul3A = vector.broadcast %rsqrt3A : vector<1024x1xf32> to vector<1024x256xf32>
    %mul3A_11 = arith.mulf %mul3A, %add3A : vector<1024x256xf32>
    %get3A_12 = arith.constant 0 : index
    %get3A_13 = arith.constant 0 : index
    %get3A_14 = vector.load %arg5[%get3A_12, %get3A_13] : memref<1x256xf32, #tpu.memory_space<vmem>>, vector<1x256xf32>
    %add3A_15 = vector.broadcast %get3A_14 : vector<1x256xf32> to vector<1024x256xf32>
    %add3A_16 = arith.addf %mul3A_11, %add3A_15 : vector<1024x256xf32>
    %max3A = arith.constant 0.000000e+00 : f32
    %max3A_17 = vector.broadcast %max3A : f32 to vector<1024x256xf32>
    %max3A_18 = arith.maximumf %add3A_16, %max3A_17 : vector<1024x256xf32>
    %iota3A = tpu.iota {dimensions = array<i32: 0>} : vector<64x1024xi32>
    %get3A_19 = arith.constant 0 : index
    %get3A_20 = arith.constant 0 : index
    %get3A_21 = vector.load %arg3[%get3A_19, %get3A_20] : memref<1x1024xi32, #tpu.memory_space<vmem>>, vector<1x1024xi32>
    %eq3A_22 = vector.broadcast %get3A_21 : vector<1x1024xi32> to vector<64x1024xi32>
    %eq3A_23 = arith.cmpi eq, %iota3A, %eq3A_22 : vector<64x1024xi32>
    %convert_element_type3A_24 = arith.extui %eq3A_23 : vector<64x1024xi1> to vector<64x1024xi32>
    %convert_element_type3A_25 = arith.sitofp %convert_element_type3A_24 : vector<64x1024xi32> to vector<64x1024xf32>
    %get3A_26 = arith.constant 0 : index
    %get3A_27 = arith.constant 0 : index
    %get3A_28 = vector.load %arg9[%get3A_26, %get3A_27] : memref<64x256xf32, #tpu.memory_space<vmem>>, vector<64x256xf32>
    %dot_general3A = arith.constant dense<0.000000e+00> : vector<64x256xf32>
    %dot_general3A_29 = tpu.matmul %convert_element_type3A_25, %max3A_18, %dot_general3A {dimension_numbers = #tpu.dot_dimension_numbers<[1], [0], [0], [1], [0, 0, 1, 1], [], []>, transpose_lhs_hint = false} : vector<64x1024xf32>, vector<1024x256xf32>, vector<64x256xf32> -> vector<64x256xf32>
    %add3A_30 = arith.addf %get3A_28, %dot_general3A_29 : vector<64x256xf32>
    %swap3A = arith.constant 0 : index
    %swap3A_31 = arith.constant 0 : index
    %swap3A_32 = vector.load %arg9[%swap3A, %swap3A_31] : memref<64x256xf32, #tpu.memory_space<vmem>>, vector<64x256xf32>
    tpu.vector_store %arg9[%swap3A, %swap3A_31], %add3A_30 {strides = array<i32>} : memref<64x256xf32, #tpu.memory_space<vmem>>, vector<64x256xf32>,
    %get3A_33 = arith.constant 0 : index
    %get3A_34 = arith.constant 0 : index
    %get3A_35 = vector.load %arg10[%get3A_33, %get3A_34] : memref<64x1xf32, #tpu.memory_space<vmem>>, vector<64x1xf32>
    %reduce_sum3A = arith.constant dense<0.000000e+00> : vector<64xf32>
    %reduce_sum3A_36 = vector.multi_reduction <add>, %convert_element_type3A_25, %reduce_sum3A [1] : vector<64x1024xf32> to vector<64xf32>
    %broadcast_in_dim3A = vector.shape_cast %reduce_sum3A_36 : vector<64xf32> to vector<64x1xf32>
    %add3A_37 = arith.addf %get3A_35, %broadcast_in_dim3A : vector<64x1xf32>
    %swap3A_38 = arith.constant 0 : index
    %swap3A_39 = arith.constant 0 : index
    %swap3A_40 = vector.load %arg10[%swap3A_38, %swap3A_39] : memref<64x1xf32, #tpu.memory_space<vmem>>, vector<64x1xf32>
    tpu.vector_store %arg10[%swap3A_38, %swap3A_39], %add3A_37 {strides = array<i32>} : memref<64x1xf32, #tpu.memory_space<vmem>>, vector<64x1xf32>,
    %eq3A_41 = arith.constant 9 : i32
    %eq3A_42 = arith.cmpi eq, %arg0, %eq3A_41 : i32
    %convert_element_type3A_43 = arith.extui %eq3A_42 : i1 to i32
    %cond3A_44 = arith.constant 0 : i32
    %cond3A_45 = arith.cmpi ne, %convert_element_type3A_43, %cond3A_44 : i32
    scf.if %cond3A_45 {
      %get3A_46 = arith.constant 0 : index
      %get3A_47 = arith.constant 0 : index
      %get3A_48 = vector.load %arg10[%get3A_46, %get3A_47] : memref<64x1xf32, #tpu.memory_space<vmem>>, vector<64x1xf32>
      %max3A_49 = arith.constant 1.000000e+00 : f32
      %max3A_50 = vector.broadcast %max3A_49 : f32 to vector<64x1xf32>
      %max3A_51 = arith.maximumf %get3A_48, %max3A_50 : vector<64x1xf32>
      %div3A = arith.constant 1.000000e+00 : f32
      %div3A_52 = vector.broadcast %div3A : f32 to vector<64x1xf32>
      %div3A_53 = arith.divf %div3A_52, %max3A_51 : vector<64x1xf32>
      %get3A_54 = arith.constant 0 : index
      %get3A_55 = arith.constant 0 : index
      %get3A_56 = vector.load %arg9[%get3A_54, %get3A_55] : memref<64x256xf32, #tpu.memory_space<vmem>>, vector<64x256xf32>
      %mul3A_57 = vector.broadcast %div3A_53 : vector<64x1xf32> to vector<64x256xf32>
      %mul3A_58 = arith.mulf %get3A_56, %mul3A_57 : vector<64x256xf32>
      %get3A_59 = arith.constant 0 : index
      %get3A_60 = arith.constant 0 : index
      %get3A_61 = vector.load %arg6[%get3A_59, %get3A_60] : memref<256x128xf32, #tpu.memory_space<vmem>>, vector<256x128xf32>
      %dot_general3A_62 = arith.constant dense<0.000000e+00> : vector<64x128xf32>
      %dot_general3A_63 = tpu.matmul %mul3A_58, %get3A_61, %dot_general3A_62 {dimension_numbers = #tpu.dot_dimension_numbers<[1], [0], [0], [1], [0, 0, 1, 1], [], []>, transpose_lhs_hint = false} : vector<64x256xf32>, vector<256x128xf32>, vector<64x128xf32> -> vector<64x128xf32>
      %get3A_64 = arith.constant 0 : index
      %get3A_65 = arith.constant 0 : index
      %get3A_66 = vector.load %arg7[%get3A_64, %get3A_65] : memref<1x128xf32, #tpu.memory_space<vmem>>, vector<1x128xf32>
      %add3A_67 = vector.broadcast %get3A_66 : vector<1x128xf32> to vector<64x128xf32>
      %add3A_68 = arith.addf %dot_general3A_63, %add3A_67 : vector<64x128xf32>
      %max3A_69 = arith.constant 0.000000e+00 : f32
      %max3A_70 = vector.broadcast %max3A_69 : f32 to vector<64x128xf32>
      %max3A_71 = arith.maximumf %add3A_68, %max3A_70 : vector<64x128xf32>
      %swap3A_72 = arith.constant 0 : index
      %swap3A_73 = arith.constant 0 : index
      %swap3A_74 = vector.load %arg8[%swap3A_72, %swap3A_73] : memref<64x128xf32, #tpu.memory_space<vmem>>, vector<64x128xf32>
      tpu.vector_store %arg8[%swap3A_72, %swap3A_73], %max3A_71 {strides = array<i32>} : memref<64x128xf32, #tpu.memory_space<vmem>>, vector<64x128xf32>,
    } else {
    }
    return
  }
  func.func @transform_0(%arg0: i32) -> (i32, i32) {
    %c0_i32 = arith.constant 0 : i32
    %c0_i32_0 = arith.constant 0 : i32
    return %arg0, %c0_i32 : i32, i32
  }
  func.func @transform_1(%arg0: i32) -> (i32, i32) {
    %c0_i32 = arith.constant 0 : i32
    %c0_i32_0 = arith.constant 0 : i32
    return %arg0, %c0_i32 : i32, i32
  }
  func.func @transform_2(%arg0: i32) -> (i32, i32) {
    %c0_i32 = arith.constant 0 : i32
    %c0_i32_0 = arith.constant 0 : i32
    return %c0_i32, %arg0 : i32, i32
  }
  func.func @transform_3(%arg0: i32) -> (i32, i32) {
    %c0_i32 = arith.constant 0 : i32
    %c0_i32_0 = arith.constant 0 : i32
    return %arg0, %c0_i32 : i32, i32
  }
  func.func @transform_4(%arg0: i32) -> (i32, i32) {
    %c0_i32 = arith.constant 0 : i32
    %c0_i32_0 = arith.constant 0 : i32
    %c0_i32_1 = arith.constant 0 : i32
    return %c0_i32, %c0_i32_0 : i32, i32
  }
  func.func @transform_5(%arg0: i32) -> (i32, i32) {
    %c0_i32 = arith.constant 0 : i32
    %c0_i32_0 = arith.constant 0 : i32
    %c0_i32_1 = arith.constant 0 : i32
    return %c0_i32, %c0_i32_0 : i32, i32
  }
  func.func @transform_6(%arg0: i32) -> (i32, i32) {
    %c0_i32 = arith.constant 0 : i32
    %c0_i32_0 = arith.constant 0 : i32
    %c0_i32_1 = arith.constant 0 : i32
    return %c0_i32, %c0_i32_0 : i32, i32
  }
  func.func @transform_7(%arg0: i32) -> (i32, i32) {
    %c0_i32 = arith.constant 0 : i32
    %c0_i32_0 = arith.constant 0 : i32
    %c0_i32_1 = arith.constant 0 : i32
    return %c0_i32, %c0_i32_0 : i32, i32
  }
}

</mosaic_0001>

<sc_bundles>
// kernel: gather_offload_async_start
scs
__scs_entry_jumppad:
0x0: {  	(pc) =	sbr.rel $0x88, $3  }
0x1: {  	(tag) =	ssettag $0x0;
	lr =	simm.s32 $0x1  }
0x2: {  	[smem:$0x3F9A] =	sst lr;
	_ =	strace $0xD0000000  }
0x3: {  	_ = 	snop  }
0x4: {  	_ = 	snop  }
0x5: {  	_ = 	snop  }
0x6: {  	_ = 	snop  }
0x7: {  	_ = 	snop  }
__scs_overlays_trampoline_lowered:
0x8: {  	[smem:$0x3FA9] =	sst s0  }
0x9: {  	[smem:$0x3FAA] =	sst s1  }
0xa: {  	[smem:$0x3FAB] =	sst s2  }
0xb: {  	[smem:$0x3FAC] =	sst s3  }
0xc: {  	[smem:$0x3FAD] =	sst s4  }
0xd: {  	[smem:$0x3FAE] =	sst s5  }
0xe: {  	[smem:$0x3FAF] =	sst s6  }
0xf: {  	[smem:$0x3FB0] =	sst s7  }
0x10: {  	[smem:$0x3FB1] =	sst s8  }
0x11: {  	[smem:$0x3FB2] =	sst s9;
	s0 =	simm.s32 @!p0 $0x0  }
0x12: {  	s1 =	sld [smem:$0x3F98];
	s0 =	simm.s32 @p0 $0x1  }
0x13: {  	[smem:$0x3FB3] =	sst s0;
	s0 =	simm.s32 @!p1 $0x0  }
0x14: {  	s2 =	sld [smem:$0x3F97];
	s0 =	simm.s32 @p1 $0x1  }
0x15: {  	[smem:$0x3FB4] =	sst s0;
	s0 =	simm.s32 @!p2 $0x0  }
0x16: {  	s3 =	sld [smem:$0x3FDB];
	s0 =	simm.s32 @p2 $0x1  }
0x17: {  	s4 =	simm.s32 $0x1BF5;
	[smem:$0x3FB6] =	sst s0  }
0x18: {  	s0 =	sld [smem:$0x3F99];
	_ =	swait.ge [sflag:s4], $0x0  }
0x19: {  	s7 =	sld [smem:$0x3F9A]  }
0x1a: {  	s8 =	sadd.s32 $0xFFFFE003, lr  }
0x1b: {  	s9 =	sadd.s32 $0xFFFFFEF7, lr;
	s5 =	simm.s32 $0xFFFFFFFF;
	p2 =	slt.u32 s8, $0xFFFFF086  }
0x1c: {  	p1 =	slt.u32 s9, $0xF7A;
	s5 =	simm.s32 @!p2 $0x0  }
0x1d: {  	s5 =	simm.s32 @p1 $0x1;
	p0 =	seq.s32 s7, s2  }
0x1e: {  	s7 =	smul.u32 @!p0 $0xF7A, s2;
	p2 =	seq.s32 @!p0 s5, $0x0  }
0x1f: {  	s9 =	smul.u32 $0xF7A, s1;
	s8 =	simm.s32 @!p0 $0x1BF5;
	p2 =	por !p2, p0  }
0x20: {  	[sflag:s8] =	ssyncset.s32 @!p0 $0xFFFFF086;
	s6 =	sadd.s32 @!p0 s3, s7;
	s7 =	simm.s32 @!p0 $0x108  }
0x21: {  	s3 =	sadd.s32 s3, s9;
	s6 =	sadd.s32 @!p0 $0x88, s6;
	s7 =	simm.s32 @p2 $0x1082  }
0x22: {  	[simem:s7], [sflag:s8] =	dma.local @!p0 [hbm:s6], $0xF7A  }
0x23: {  	s9 =	sor.u32 $0xD0000000, s2;
	s6 =	simm.s32 $0x108;
	_ =	swait.ge @!p0 [sflag:s8], $0x0  }
0x24: {  	s3 =	sadd.s32 $0x88, s3;
	s6 =	simm.s32 @!p1 $0x1082;
	[sflag:s4] =	ssyncset.s32 $0xFFFFF086  }
0x25: {  	[simem:s6], [sflag:s4] =	dma.local [hbm:s3], $0xF7A  }
0x26: {  	[smem:$0x3F9A] =	sst s1;
	(tag) =	ssettag s2;
	_ =	strace s9  }
0x27: {  	s1 =	sld [smem:$0x3FAA]  }
0x28: {  	s2 =	sld [smem:$0x3FAB]  }
0x29: {  	s4 =	sld [smem:$0x3FAD]  }
0x2a: {  	p0 =	seq.s32 s5, $0x0;
	s5 =	sld [smem:$0x3FAE]  }
0x2b: {  	s6 =	sld [smem:$0x3FAF]  }
0x2c: {  	s7 =	sld [smem:$0x3FB0]  }
0x2d: {  	s3 =	simm.s32 $0x108;
	s8 =	sld [smem:$0x3FB1]  }
0x2e: {  	s3 =	simm.s32 @!p0 $0x1082;
	s9 =	sld [smem:$0x3FB2]  }
0x2f: {  	lr =	sadd.s32 s0, s3;
	s0 =	sld [smem:$0x3FA9]  }
0x30: {  	s3 =	sld [smem:$0x3FAC]  }
0x31: {  	[smem:$0x3FB5] =	sst s10  }
0x32: {  	s10 =	sld [smem:$0x3FB3];
	_ =	sdelay $0x3  }
0x33: {  	p0 =	seq.s32 s10, $0x1;
	s10 =	sld [smem:$0x3FB5];
	_ =	sdelay $0x3  }
0x34: {  	[smem:$0x3FB5] =	sst s10  }
0x35: {  	s10 =	sld [smem:$0x3FB4];
	_ =	sdelay $0x3  }
0x36: {  	p1 =	seq.s32 s10, $0x1;
	s10 =	sld [smem:$0x3FB5];
	_ =	sdelay $0x3  }
0x37: {  	[smem:$0x3FB5] =	sst s10  }
0x38: {  	s10 =	sld [smem:$0x3FB6]  }
0x39: {  	_ = 	snop;
	(pc) =	sbr.ind lr, $3  }
0x3a: {  	_ = 	snop  }
0x3b: {  	_ = 	snop  }
0x3c: {  	p2 =	seq.s32 s10, $0x1;
	s10 =	sld [smem:$0x3FB5]  }
0x3d: {  	_ =	shalt  }
0x3e: {  	_ =	shalt  }
0x3f: {  	_ =	shalt  }
0x40: {  	_ =	shalt  }
0x41: {  	_ =	shalt  }
0x42: {  	_ =	shalt  }
0x43: {  	_ =	shalt  }
0x44: {  	_ =	shalt  }
0x45: {  	_ =	shalt  }
0x46: {  	_ =	shalt  }
0x47: {  	_ =	shalt  }
0x48: {  	_ =	shalt  }
0x49: {  	_ =	shalt  }
0x4a: {  	_ =	shalt  }
0x4b: {  	_ =	shalt  }
0x4c: {  	_ =	shalt  }
0x4d: {  	_ =	shalt  }
0x4e: {  	_ =	shalt  }
0x4f: {  	_ =	shalt  }
0x50: {  	_ =	shalt  }
0x51: {  	_ =	shalt  }
0x52: {  	_ =	shalt  }
0x53: {  	_ =	shalt  }
0x54: {  	_ =	shalt  }
0x55: {  	_ =	shalt  }
0x56: {  	_ =	shalt  }
0x57: {  	_ =	shalt  }
0x58: {  	_ =	shalt  }
0x59: {  	_ =	shalt  }
0x5a: {  	_ =	shalt  }
0x5b: {  	_ =	shalt  }
0x5c: {  	_ =	shalt  }
0x5d: {  	_ =	shalt  }
0x5e: {  	_ =	shalt  }
0x5f: {  	_ =	shalt  }
0x60: {  	_ =	shalt  }
0x61: {  	_ =	shalt  }
0x62: {  	_ =	shalt  }
0x63: {  	_ =	shalt  }
0x64: {  	_ =	shalt  }
0x65: {  	_ =	shalt  }
0x66: {  	_ =	shalt  }
0x67: {  	_ =	shalt  }
0x68: {  	_ =	shalt  }
0x69: {  	_ =	shalt  }
0x6a: {  	_ =	shalt  }
0x6b: {  	_ =	shalt  }
0x6c: {  	_ =	shalt  }
0x6d: {  	_ =	shalt  }
0x6e: {  	_ =	shalt  }
0x6f: {  	_ =	shalt  }
0x70: {  	_ =	shalt  }
0x71: {  	_ =	shalt  }
0x72: {  	_ =	shalt  }
0x73: {  	_ =	shalt  }
0x74: {  	_ =	shalt  }
0x75: {  	_ =	shalt  }
0x76: {  	_ =	shalt  }
0x77: {  	_ =	shalt  }
0x78: {  	_ =	shalt  }
0x79: {  	_ =	shalt  }
0x7a: {  	_ =	shalt  }
0x7b: {  	_ =	shalt  }
0x7c: {  	_ =	shalt  }
0x7d: {  	_ =	shalt  }
0x7e: {  	_ =	shalt  }
0x7f: {  	_ =	shalt  }
0x80: {  	_ =	shalt  }
0x81: {  	_ =	shalt  }
0x82: {  	_ =	shalt  }
0x83: {  	_ =	shalt  }
0x84: {  	_ =	shalt  }
0x85: {  	_ =	shalt  }
0x86: {  	_ =	shalt  }
0x87: {  	_ =	shalt  }
.Lfunc_end0:
.L_simem_size_0:
called_computation.2_lowered:
.L_overlay_start_0:
0x88: {  	s2 =	sld [smem:$0x3FD9]  }
0x89: {  	s3 =	sld [smem:$0x3FFE];
	_ =	sdelay $0x1  }
0x8a: {  	s1 =	srdreg.scid  }
0x8b: {  	s0 =	sand.u32 $0x1, s1  }
0x8c: {  	s16 =	sshll.u32 s0, $0xA;
	s2 =	sadd.s32 s3, s2  }
0x8d: {  	s2 =	sadd.s32 s2, s16  }
0x8e: {  	[smem:$0x3FC1] =	sst s2  }
0x8f: {  	_ = 	snop  }
0x90: {  	(tm) =	ssettm $0x1  }
0x91: {  	s17 =	sld [smem:$0x3FFB];
	_ =	sdelay $0x3  }
0x92: {  	_ =	strace s17  }
0x93: {  	s2 =	sld [smem:$0x3FFC];
	_ =	sdelay $0x3  }
0x94: {  	_ =	strace s2  }
0x95: {  	s2 =	sld [smem:$0x3FFD];
	_ =	sdelay $0x3  }
0x96: {  	_ =	strace s2  }
0x97: {  	_ =	strace $0x8FFFFFFF  }
0x98: {  	s18 =	sld [smem:$0x3FDB];
	_ =	sdelay $0x1  }
0x99: {  	s19 =	simm.s32 $_scs_section_size  }
0x9a: {  	s4 =	simm.s32 $_size__tile_overlayer_lowered;
	s5 =	simm.s32 $_tile_overlayer_lowered  }
0x9b: {  	s22 =	simm.s32 $0x1BFF;
	s21 =	sshll.u32 s5, $0x1;
	s2 =	sadd.s32 s19, s18  }
0x9c: {  	s6 =	simm.s32 $0x0;
	s20 =	sshll.u32 s4, $0x1;
	s4 =	sadd.s32 s21, s2  }
0x9d: {  	[timem:s6], [sflag:s22] =	dma.local [hbm:s4], s20  }
0x9e: {  	_ =	swait.ge [sflag:s22], s20  }
0x9f: {  	s3 =	ssub.s32 $0x0, s20;
	[sflag:s22] =	ssyncset.done $0x0  }
0xa0: {  	[sflag:s22] =	ssyncadd.s32 s3;
	_ =	sdelay $0x1  }
0xa1: {  	s23 =	simm.s32 $0x1B8B  }
0xa2: {  	_ =	swait.ge [sflag:s23], $0x1  }
0xa3: {  	[sflag:s23] =	ssyncset.done $0x0  }
0xa4: {  	s25 =	simm.s32 $0x1B8E;
	s24 =	sld [smem:$0x3FFE];
	[sflag:s23] =	ssyncadd.s32 $0xFFFFFFFF  }
0xa5: {  	s26 =	simm.s32 $execute0_lowered;
	[smem:$0x3FD2] =	sst s25  }
0xa6: {  	s4 =	sshll.u32 s26, $0x1;
	_ =	strace $0x80000049;
	[dreg:$0x1] =	wrdreg $0xFFFFFFFF  }
0xa7: {  	s28 =	simm.s32 $_size_execute0_lowered;
	s2 =	sadd.s32 s2, s4;
	[dreg:$0x0] =	wrdreg $0x0  }
0xa8: {  	s4 =	sshll.u32 s28, $0x1;
	[dreg:$0x2] =	wrdreg s2  }
0xa9: {  	[dreg:$0x3] =	wrdreg s4  }
0xaa: {  	[dreg:$0x4] =	wrdreg $0xC0  }
0xab: {  	_ =	task [dreg:s6], $0x5FFFF  }
0xac: {  	[dreg:$0x1] =	wrdreg $0xFFFFFFFF  }
0xad: {  	[dreg:$0x0] =	wrdreg $0x60  }
0xae: {  	[dreg:$0x2] =	wrdreg s24  }
0xaf: {  	[dreg:$0x3] =	wrdreg $0x9  }
0xb0: {  	_ =	task.clear_ibuf [dreg:s6], $0x4FFFF;
	_ =	strace $0x90000049  }
0xb1: {  	s29 =	simm.s32 $0x9;
	_ =	strace $0x8000004B  }
0xb2: {  	_ =	swait.ge [sflag:s29], $0x1  }
0xb3: {  	[sflag:s29] =	ssyncadd.s32 $0xFFFFFFFF  }
0xb4: {  	_ =	strace $0x9000004B  }
0xb5: {  	_ =	sfence  }
0xb6: {  	s30 =	sld [smem:$0x0];
	_ =	sdelay $0x2  }
0xb7: {  	s31 =	sshll.u32 s1, $0xD;
	s1 =	sshrl.u32 s1, $0x2  }
0xb8: {  	s3 =	sand.u32 $0x4000, s31;
	s1 =	sadd.s32 s1, s30  }
0xb9: {  	s0 =	sor.u32 s3, s0;
	s1 =	sshll.u32 s1, $0x11  }
0xba: {  	s0 =	sor.u32 s1, s0  }
0xbb: {  	s0 =	sadd.s32 $0x8F2B, s0  }
0xbc: {  	[sflag:s0] =	ssyncadd.remote.s32 $0x1  }
0xbd: {  	_ =	sfence.sel $0xFFFF  }
0xbe: {  	[dreg:$0x0] =	wrdreg $0xFFFFFFFF;
	(pc) =	sbr.abs _section_cstart, $3  }
0xbf: {  	[dreg:$0x1] =	wrdreg $0xFFFFFFFF  }
0xc0: {  	_ =	task.clear_ibuf [dreg:s6], $0x2FFFF;
	_ =	strace $0x9FFFFFFF  }
0xc1: {  	(tm) =	ssettm $0x7FFFFFFF  }
tec
execute0_lowered:
.L_overlay_start_1:
0x0: {  	(tag) =	ssettag $0x1  }
0x1: {  	s0 =	srdreg.scid  }
0x2: {  	s1 =	sshll.u32 s0, $0x4  }
0x3: {  	s0 =	stileid.u32;
	s1 =	sand.u32 $0x10, s1  }
0x4: {  	s1 =	sor.u32 s0, s1  }
0x5: {  	s6 =	rddreg [dreg:$0x0];
	s2 =	smul.u32 $0x27, s1  }
0x6: {  	s7 =	simm.s32 $0x1;
	s8 =	simm.s32 $0x2;
	s3 =	smin.u32 s1, $0x2  }
0x7: {  	p0 =	slt.u32 s1, $0x2;
	s2 =	sadd.s32 s3, s2;
	s3 =	simm.s32 $0x1400  }
0x8: {  	s10 =	simm.s32 $0x3;
	s2 =	sshll.u32 s2, $0x7;
	s3 =	simm.s32 @!p0 $0x1380  }
0x9: {  	s14 =	simm.s32 $0x0;
	s11 =	simm.s32 $0x0;
	s3 =	sadd.s32 s3, s2  }
0xa: {  	s13 =	simm.s32 $0x0;
	s1 =	rddreg [dreg:$0x1];
	s3 =	smin.u32 s3, $0x27100  }
.Ltmp0:
0xb: {  	_ =	strace $0x8000004A;
	s9 =	ssub.s32 s3, s2;
	(pc) =	sbr.rel .LBB2_1-.Ltmp0, $4  }
0xc: {  	vm0 =	vmmov $0xff;
	s4 =	sadd.s32 $0x91600, s6;
	[sflag:s7] =	ssyncpa.u1 $0x0;
	p0 =	sgt.s32 s9, $0x0  }
0xd: {  	vm1 =	vcmask $0x3F20;
	v0 =	vimm.s32 $0x4;
	v1 =	vimm.s32 $0x0;
	s5 =	sadd.s32 $0x14000, s6;
	[sflag:s8] =	ssyncpa.u1 $0x0;
	s9 =	simm.s32 @!p0 $0x0  }
0xe: {  	v2 =	vimm.s32 $0x1;
	v3 =	vimm.s32 $0x2;
	v4 =	vimm.s32 $0x3;
	s6 =	sadd.s32 $0x302600, s6;
	[sflag:s10] =	ssyncpa.u1 $0x0;
	s9 =	sshrl.u32 s9, $0x7  }
0xf: {  	v5 =	vimm.s32 $0x5;
	v6 =	vimm.s32 $0x6;
	v7 =	vimm.s32 $0x7;
	s12 =	smov.u32 s2;
	p0 =	por $0x0, $0x0;
	s10 =	sadd.s32 $0x2, s9  }
.LBB2_12:
0x10: {  	s14 =	sadd.s32 $0x80, s12  }
0x11: {  	s16 =	smov.u32 s2;
	p2 =	slt.s32 s14, s3  }
0x12: {  	s16 =	smov.u32 @p2 s14;
	p2 =	sne.s32 s13, s10  }
.Ltmp1:
0x13: {  	p1 =	slt.u32 s13, $0x3;
	(pc) =	sbr.rel @!p2 .LBB2_13-.Ltmp1, $4  }
0x14: {  	s15 =	simm.s32 @!p1 $0x3  }
0x15: {  	p0 =	por !p0, !p0;
	_ =	swait.ge @!p1 [sflag:s15], $0x4000  }
0x16: {  	s14 =	smov.u32 s11;
	s13 =	sadd.s32 $0x1, s13;
	[sflag:s15] =	ssyncset.done @!p1 $0x0  }
0x17: {  	s11 =	smov.u32 s12;
	s12 =	smov.u32 s16;
	[sflag:s15] =	ssyncadd.s32 @!p1 $0xFFFFC000  }
.LBB2_1:
0x18: {  	p1 =	sge.u32 s13, s9  }
0x19: {  	s15 =	smulhi.u32 @!p1 $0xAAAAAAAB, s13;
	_ =	sdelay $0x1  }
0x1a: {  	s15 =	sshrl.u32 @!p1 s15, $0x1  }
0x1b: {  	s15 =	smul.u32 @!p1 $0x3, s15;
	_ =	sdelay $0x1  }
0x1c: {  	s16 =	sshrl.u32 @!p1 s12, $0x3;
	s15 =	ssub.s32 @!p1 s13, s15  }
0x1d: {  	s17 =	sand.u32 @!p1 $0x7, s12;
	s16 =	sadd.s32 @!p1 s5, s16;
	s15 =	sshll.u32 @!p1 s15, $0x7  }
0x1e: {  	[tilespmem:s15], [sflag:$0x1] =	stream.linear.gather @!p1 [hbm4b:s16+s17], $0x80, $0x38;
	[tilespmem:$0x18180] =	vst v63  }
0x1f: {  	s15 =	sadd.s32 $0xFFFFFFFF, s13  }
0x20: {  	p1 =	sge.u32 s15, s9  }
.Ltmp2:
0x21: {  	_ = 	snop;
	(pc) =	sbr.rel @p1 .LBB2_6-.Ltmp2, $1  }
0x22: {  	_ =	sdelay $0x3  }
0x23: {  	s16 =	smulhi.u32 $0xAAAAAAAB, s15;
	_ =	sdelay $0x1  }
0x24: {  	s16 =	sshrl.u32 s16, $0x1  }
0x25: {  	s16 =	smul.u32 $0x3, s16;
	_ =	sdelay $0x1  }
0x26: {  	_ =	swait.ge [sflag:s7], $0x80;
	s17 =	sshll.u32 s15, $0xF;
	s16 =	ssub.s32 s15, s16  }
0x27: {  	[sflag:s7] =	ssyncset.done $0x0;
	s31 =	sand.u32 $0x8000, s17;
	s15 =	sshll.u32 s16, $0x7  }
0x28: {  	s17 =	simm.s32 $0x0;
	[sflag:s7] =	ssyncadd.s32 $0xFFFFFF80;
	s16 =	sor.u32 $0x180, s31;
	v8 =	vmov s15  }
.LBB2_3:
0x29: {  	s18 =	sshll.u32 s17, $0x4  }
0x2a: {  	s18 =	sand.u32 $0x3FFFFFF0, s18  }
0x2b: {  	s19 =	sadd.s32 s18, s15  }
0x2c: {  	v9 =	vld.msk [tilespmem:s19+$0x0 ss:$0x1], $0xffff;
	_ =	sdelay $0x4  }
0x2d: {  	vm2 =	vgt.s32 v9, $0x0  }
0x2e: {  	v9 =	vnsel vm2, $0x0, v9  }
0x2f: {  	v9 =	vmin.u32 v9, $0x270FF  }
0x30: {  	v10 =	vshll.u32 v9, $0x4;
	v11 =	vshll.u32 v9, $0x3  }
0x31: {  	s31 =	sshll.u32 s17, $0xE;
	v12 =	vand.u32 $0x1, v9;
	v9 =	vand.u32 $0x3FFF80, v10;
	v10 =	vand.u32 $0x30, v11  }
0x32: {  	p1 =	por $0x1, $0x1;
	s19 =	simm.s32 $0x0;
	[tilespmem:v8+s18+$0x0 ss:$0x1] =	vst.idx.msk $0xffff, v12;
	s18 =	sshra.s32 s31, $0x2;
	v9 =	vor.u32 v10, v9  }
.LBB2_4:
0x33: {  	_ = 	snop  }
0x34: {  	s19 =	sshra.s32 s19, $0x2  }
0x35: {  	p2 =	por p1, p1;
	s19 =	sadd.s32 s19, s16  }
.Ltmp3:
0x36: {  	s19 =	sadd.s32 s18, s19;
	(pc) =	sbr.rel @p2 .LBB2_4-.Ltmp3, $4  }
0x37: {  	[tilespmem:s19], [sflag:$0x2] =	stream.indirect_vreg.gather [hbm:s4], $0x80, v9, vm0, $0x38;
	[tilespmem:$0x18180] =	vst v63  }
0x38: {  	s19 =	sadd.s32 $0x800, s19  }
0x39: {  	[tilespmem:s19], [sflag:$0x2] =	stream.indirect_vreg.gather [hbm:s4], $0x80, v9, vm1, $0x38;
	[tilespmem:$0x18180] =	vst v63  }
0x3a: {  	p1 =	por $0x0, $0x0;
	v9 =	vadd.s32 $0x40, v9;
	s19 =	simm.s32 $0x1000  }
0x3b: {  	s17 =	sadd.s32 $0x1, s17  }
0x3c: {  	p1 =	sne.s32 s17, $0x8  }
.Ltmp4:
0x3d: {  	_ = 	snop;
	(pc) =	sbr.rel @p1 .LBB2_3-.Ltmp4, $1  }
0x3e: {  	_ =	sdelay $0x3  }
.LBB2_6:
0x3f: {  	p1 =	slt.u32 s13, $0x2  }
0x40: {  	p2 =	sge.u32 @!p1 s13, s10  }
0x41: {  	p1 =	por p1, p2  }
.Ltmp5:
0x42: {  	_ = 	snop;
	(pc) =	sbr.rel @p1 .LBB2_12-.Ltmp5, $1  }
0x43: {  	_ =	sdelay $0x3  }
0x44: {  	s16 =	sadd.s32 $0xFFFFFFFE, s13  }
0x45: {  	s15 =	smulhi.u32 $0xAAAAAAAB, s16  }
0x46: {  	s17 =	simm.s32 $0x1;
	s30 =	sand.u32 $0x1, s13  }
0x47: {  	_ =	swait.ge [sflag:s8], $0x8000;
	s17 =	simm.s32 @!p0 $0x0;
	s15 =	sshrl.u32 s15, $0x1  }
0x48: {  	s31 =	sshll.u32 s30, $0xF;
	[sflag:s8] =	ssyncset.done $0x0;
	s18 =	smul.u32 $0x3, s15  }
0x49: {  	s29 =	sshll.u32 s17, $0xE;
	s17 =	sshll.u32 s30, $0xE;
	[sflag:s8] =	ssyncadd.s32 $0xFFFF8000  }
0x4a: {  	s19 =	sor.u32 $0x10180, s17;
	s16 =	ssub.s32 s16, s18;
	s18 =	sor.u32 $0x180, s31  }
0x4b: {  	s17 =	simm.s32 $0x0;
	s15 =	sor.u32 $0x10180, s29;
	v9 =	vmov s19;
	s16 =	sshll.u32 s16, $0x7;
	v8 =	vmov s18  }
.LBB2_8:
0x4c: {  	s18 =	sshll.u32 s17, $0x3  }
0x4d: {  	s18 =	sand.u32 $0x3FFFFFF8, s18  }
0x4e: {  	s18 =	sadd.s32 s18, s16  }
0x4f: {  	v10 =	vld.msk [tilespmem:s18+$0x0 ss:$0x1], $0xff  }
0x50: {  	s20 =	sshll.u32 s17, $0xB  }
0x51: {  	s24 =	sand.u32 $0x3FFFF800, s20  }
0x52: {  	v11 =	vld.idx.msk [tilespmem:v8+s24+$0x0 ss:$0x1], $0xffff  }
0x53: {  	v14 =	vld.idx.msk [tilespmem:v8+s24+$0x80 ss:$0x1], $0xffff  }
0x54: {  	v16 =	vshll.u32 v10, $0x4  }
0x55: {  	v10 =	vperm.xlane v16, v2  }
0x56: {  	v12 =	vperm.xlane v16, v1  }
0x57: {  	v13 =	vsub.s32 $0x10, v10  }
0x58: {  	v10 =	vshrl.u32 v11, v12;
	v11 =	vshll.u32 v14, v13  }
0x59: {  	v10 =	vand.u32 $0xFFFF, v10;
	v11 =	vand.u32 $0xFFFF0000, v11  }
0x5a: {  	s19 =	sshrl.u32 s20, $0x1;
	v10 =	vor.u32 v10, v11  }
0x5b: {  	[tilespmem:v9+s19+$0x0 ss:$0x1] =	vst.idx.msk $0xffff, v10  }
0x5c: {  	v10 =	vld.idx.msk [tilespmem:v8+s24+$0x100 ss:$0x1], $0xffff  }
0x5d: {  	v11 =	vld.idx.msk [tilespmem:v8+s24+$0x180 ss:$0x1], $0xffff  }
0x5e: {  	v17 =	vld.idx.msk [tilespmem:v8+s24+$0x10 ss:$0x1], $0xffff  }
0x5f: {  	v18 =	vld.idx.msk [tilespmem:v8+s24+$0x90 ss:$0x1], $0xffff;
	v15 =	vperm.xlane v16, v4  }
0x60: {  	v19 =	vld.idx.msk [tilespmem:v8+s24+$0x20 ss:$0x1], $0xffff;
	v14 =	vperm.xlane v16, v3  }
0x61: {  	v20 =	vld.idx.msk [tilespmem:v8+s24+$0xA0 ss:$0x1], $0xffff;
	v15 =	vsub.s32 $0x10, v15  }
0x62: {  	v10 =	vshrl.u32 v10, v14;
	v11 =	vshll.u32 v11, v15  }
0x63: {  	v10 =	vand.u32 $0xFFFF, v10;
	v11 =	vand.u32 $0xFFFF0000, v11  }
0x64: {  	v55 =	vshll.u32 v18, v13;
	v10 =	vor.u32 v10, v11;
	v11 =	vshrl.u32 v17, v12  }
0x65: {  	[tilespmem:v9+s19+$0x80 ss:$0x1] =	vst.idx.msk $0xffff, v10;
	v10 =	vand.u32 $0xFFFF, v11;
	v11 =	vand.u32 $0xFFFF0000, v55  }
0x66: {  	v57 =	vshll.u32 v20, v13;
	v56 =	vld.idx.msk [tilespmem:v8+s24+$0x200 ss:$0x1], $0xffff;
	v10 =	vor.u32 v10, v11;
	v11 =	vshrl.u32 v19, v12  }
0x67: {  	v58 =	vld.idx.msk [tilespmem:v8+s24+$0x280 ss:$0x1], $0xffff;
	[tilespmem:v9+s19+$0x10 ss:$0x1] =	vst.idx.msk $0xffff, v10;
	v10 =	vand.u32 $0xFFFF, v11;
	v11 =	vand.u32 $0xFFFF0000, v57  }
0x68: {  	v59 =	vld.idx.msk [tilespmem:v8+s24+$0x110 ss:$0x1], $0xffff;
	v10 =	vor.u32 v10, v11  }
0x69: {  	v60 =	vld.idx.msk [tilespmem:v8+s24+$0x190 ss:$0x1], $0xffff;
	[tilespmem:v9+s19+$0x20 ss:$0x1] =	vst.idx.msk $0xffff, v10  }
0x6a: {  	v11 =	vperm.xlane v16, v5;
	v21 =	vld.idx.msk [tilespmem:v8+s24+$0x120 ss:$0x1], $0xffff  }
0x6b: {  	v10 =	vperm.xlane v16, v0;
	v22 =	vld.idx.msk [tilespmem:v8+s24+$0x1A0 ss:$0x1], $0xffff  }
0x6c: {  	v11 =	vsub.s32 $0x10, v11  }
0x6d: {  	v17 =	vshrl.u32 v56, v10;
	v19 =	vshll.u32 v58, v11  }
0x6e: {  	v30 =	vld.idx.msk [tilespmem:v8+s24+$0x30 ss:$0x1], $0xffff;
	v17 =	vand.u32 $0xFFFF, v17;
	v19 =	vand.u32 $0xFFFF0000, v19;
	v18 =	vshrl.u32 v59, v14  }
0x6f: {  	v31 =	vld.idx.msk [tilespmem:v8+s24+$0xB0 ss:$0x1], $0xffff;
	v17 =	vor.u32 v17, v19;
	v61 =	vshll.u32 v60, v15;
	v62 =	vand.u32 $0xFFFF, v18  }
0x70: {  	v33 =	vld.idx.msk [tilespmem:v8+s24+$0x50 ss:$0x1], $0xffff;
	v63 =	vand.u32 $0xFFFF0000, v61;
	v21 =	vshrl.u32 v21, v14;
	v22 =	vshll.u32 v22, v15  }
0x71: {  	v35 =	vld.idx.msk [tilespmem:v8+s24+$0xD0 ss:$0x1], $0xffff;
	[tilespmem:v9+s19+$0x100 ss:$0x1] =	vst.idx.msk $0xffff, v17;
	v17 =	vor.u32 v62, v63;
	v23 =	vand.u32 $0xFFFF, v21;
	v24 =	vand.u32 $0xFFFF0000, v22  }
0x72: {  	v52 =	vld.idx.msk [tilespmem:v8+s24+$0x70 ss:$0x1], $0xffff;
	[tilespmem:v9+s19+$0x90 ss:$0x1] =	vst.idx.msk $0xffff, v17;
	v17 =	vor.u32 v23, v24  }
0x73: {  	v27 =	vld.idx.msk [tilespmem:v8+s24+$0x210 ss:$0x1], $0xffff;
	[tilespmem:v9+s19+$0xA0 ss:$0x1] =	vst.idx.msk $0xffff, v17  }
0x74: {  	v17 =	vld.idx.msk [tilespmem:v8+s24+$0x220 ss:$0x1], $0xffff  }
0x75: {  	v29 =	vld.idx.msk [tilespmem:v8+s24+$0x2A0 ss:$0x1], $0xffff  }
0x76: {  	v28 =	vld.idx.msk [tilespmem:v8+s24+$0x290 ss:$0x1], $0xffff  }
0x77: {  	v23 =	vld.idx.msk [tilespmem:v8+s24+$0x40 ss:$0x1], $0xffff  }
0x78: {  	v36 =	vshrl.u32 v30, v12;
	v24 =	vld.idx.msk [tilespmem:v8+s24+$0xC0 ss:$0x1], $0xffff  }
0x79: {  	v53 =	vld.idx.msk [tilespmem:v8+s24+$0xF0 ss:$0x1], $0xffff;
	v45 =	vshrl.u32 v33, v12;
	v37 =	vshll.u32 v31, v13;
	v38 =	vand.u32 $0xFFFF, v36  }
0x7a: {  	v30 =	vld.idx.msk [tilespmem:v8+s24+$0xE0 ss:$0x1], $0xffff;
	v39 =	vand.u32 $0xFFFF0000, v37;
	v17 =	vshrl.u32 v17, v10;
	v32 =	vshll.u32 v29, v11  }
0x7b: {  	v25 =	vld.idx.msk [tilespmem:v8+s24+$0x300 ss:$0x1], $0xffff;
	v19 =	vshrl.u32 v27, v10;
	v17 =	vand.u32 $0xFFFF, v17;
	v34 =	vand.u32 $0xFFFF0000, v32  }
0x7c: {  	v26 =	vld.idx.msk [tilespmem:v8+s24+$0x380 ss:$0x1], $0xffff;
	v18 =	vshll.u32 v28, v11;
	v40 =	vshrl.u32 v23, v12;
	v17 =	vor.u32 v17, v34  }
0x7d: {  	v41 =	vshll.u32 v24, v13;
	v19 =	vand.u32 $0xFFFF, v19;
	[tilespmem:v9+s19+$0x120 ss:$0x1] =	vst.idx.msk $0xffff, v17;
	v17 =	vor.u32 v38, v39  }
0x7e: {  	v18 =	vand.u32 $0xFFFF0000, v18;
	v42 =	vand.u32 $0xFFFF, v40;
	v43 =	vand.u32 $0xFFFF0000, v41;
	v29 =	vld.idx.msk [tilespmem:v8+s24+$0x60 ss:$0x1], $0xffff;
	[tilespmem:v9+s19+$0x30 ss:$0x1] =	vst.idx.msk $0xffff, v17  }
0x7f: {  	v18 =	vor.u32 v19, v18;
	v19 =	vshll.u32 v35, v13;
	v17 =	vor.u32 v42, v43;
	v44 =	vld.idx.msk [tilespmem:v8+s24+$0x130 ss:$0x1], $0xffff  }
0x80: {  	v47 =	vand.u32 $0xFFFF, v45;
	v48 =	vand.u32 $0xFFFF0000, v19;
	v46 =	vld.idx.msk [tilespmem:v8+s24+$0x1B0 ss:$0x1], $0xffff;
	[tilespmem:v9+s19+$0x40 ss:$0x1] =	vst.idx.msk $0xffff, v17  }
0x81: {  	v17 =	vor.u32 v47, v48;
	v49 =	vld.idx.msk [tilespmem:v8+s24+$0x140 ss:$0x1], $0xffff  }
0x82: {  	v50 =	vld.idx.msk [tilespmem:v8+s24+$0x1C0 ss:$0x1], $0xffff;
	[tilespmem:v9+s19+$0x50 ss:$0x1] =	vst.idx.msk $0xffff, v17  }
0x83: {  	v17 =	vld.idx.msk [tilespmem:v8+s24+$0x150 ss:$0x1], $0xffff  }
0x84: {  	[tilespmem:v9+s19+$0x110 ss:$0x1] =	vst.idx.msk $0xffff, v18;
	v51 =	vld.idx.msk [tilespmem:v8+s24+$0x1D0 ss:$0x1], $0xffff  }
0x85: {  	v27 =	vld.idx.msk [tilespmem:v8+s24+$0x310 ss:$0x1], $0xffff;
	v22 =	vshrl.u32 v44, v14;
	v20 =	vshll.u32 v46, v15  }
0x86: {  	v28 =	vld.idx.msk [tilespmem:v8+s24+$0x390 ss:$0x1], $0xffff;
	v22 =	vand.u32 $0xFFFF, v22;
	v20 =	vand.u32 $0xFFFF0000, v20  }
0x87: {  	v21 =	vld.idx.msk [tilespmem:v8+s24+$0x320 ss:$0x1], $0xffff;
	v19 =	vshrl.u32 v49, v14;
	v18 =	vshll.u32 v50, v15;
	v20 =	vor.u32 v22, v20  }
0x88: {  	v23 =	vld.idx.msk [tilespmem:v8+s24+$0x3A0 ss:$0x1], $0xffff;
	v19 =	vand.u32 $0xFFFF, v19;
	v18 =	vand.u32 $0xFFFF0000, v18;
	[tilespmem:v9+s19+$0xB0 ss:$0x1] =	vst.idx.msk $0xffff, v20  }
0x89: {  	v17 =	vshrl.u32 v17, v14;
	v54 =	vshll.u32 v51, v15;
	v18 =	vor.u32 v19, v18;
	v31 =	vld.idx.msk [tilespmem:v8+s24+$0x230 ss:$0x1], $0xffff  }
0x8a: {  	v17 =	vand.u32 $0xFFFF, v17;
	v56 =	vand.u32 $0xFFFF0000, v54;
	v55 =	vld.idx.msk [tilespmem:v8+s24+$0x2B0 ss:$0x1], $0xffff;
	[tilespmem:v9+s19+$0xC0 ss:$0x1] =	vst.idx.msk $0xffff, v18  }
0x8b: {  	v59 =	vshll.u32 v30, v13;
	v58 =	vshrl.u32 v29, v12;
	v17 =	vor.u32 v17, v56;
	v57 =	vld.idx.msk [tilespmem:v8+s24+$0x240 ss:$0x1], $0xffff  }
0x8c: {  	v62 =	vand.u32 $0xFFFF0000, v59;
	v61 =	vand.u32 $0xFFFF, v58;
	v60 =	vld.idx.msk [tilespmem:v8+s24+$0x2C0 ss:$0x1], $0xffff;
	[tilespmem:v9+s19+$0xD0 ss:$0x1] =	vst.idx.msk $0xffff, v17  }
0x8d: {  	v35 =	vshrl.u32 v52, v12;
	v17 =	vor.u32 v61, v62;
	v63 =	vld.idx.msk [tilespmem:v8+s24+$0x250 ss:$0x1], $0xffff  }
0x8e: {  	v20 =	vshll.u32 v53, v13;
	v18 =	vperm.xlane v16, v6;
	v36 =	vld.idx.msk [tilespmem:v8+s24+$0x2D0 ss:$0x1], $0xffff;
	[tilespmem:v9+s19+$0x60 ss:$0x1] =	vst.idx.msk $0xffff, v17  }
0x8f: {  	v37 =	vand.u32 $0xFFFF, v35;
	v38 =	vand.u32 $0xFFFF0000, v20;
	v40 =	vld.idx.msk [tilespmem:v8+s24+$0x160 ss:$0x1], $0xffff  }
0x90: {  	s22 =	sor.u32 $0x400, s20;
	v17 =	vor.u32 v37, v38;
	v34 =	vshrl.u32 v27, v18;
	v32 =	vld.idx.msk [tilespmem:v8+s24+$0x1E0 ss:$0x1], $0xffff;
	v39 =	vshrl.u32 v31, v10  }
0x91: {  	[tilespmem:v9+s19+$0x70 ss:$0x1] =	vst.idx.msk $0xffff, v17;
	v37 =	vand.u32 $0xFFFF, v34;
	v34 =	vld.idx.msk [tilespmem:v8+s22+$0x90 ss:$0x1], $0xffff;
	v24 =	vshll.u32 v55, v11;
	v41 =	vand.u32 $0xFFFF, v39  }
0x92: {  	v46 =	vld.idx.msk [tilespmem:v8+s24+$0x170 ss:$0x1], $0xffff;
	v42 =	vand.u32 $0xFFFF0000, v24;
	v44 =	vshrl.u32 v57, v10;
	v45 =	vshll.u32 v60, v11  }
0x93: {  	v49 =	vld.idx.msk [tilespmem:v8+s24+$0x1F0 ss:$0x1], $0xffff;
	v43 =	vor.u32 v41, v42;
	v47 =	vand.u32 $0xFFFF, v44;
	v48 =	vand.u32 $0xFFFF0000, v45  }
0x94: {  	v39 =	vld.idx.msk [tilespmem:v8+s22+$0x80 ss:$0x1], $0xffff;
	v50 =	vshrl.u32 v63, v10;
	v51 =	vshll.u32 v36, v11;
	v17 =	vor.u32 v47, v48  }
0x95: {  	v36 =	vld.idx.msk [tilespmem:v8+s22+$0x0 ss:$0x1], $0xffff;
	v52 =	vand.u32 $0xFFFF, v50;
	v53 =	vand.u32 $0xFFFF0000, v51;
	v54 =	vshrl.u32 v40, v14  }
0x96: {  	v41 =	vld.idx.msk [tilespmem:v8+s22+$0x10 ss:$0x1], $0xffff;
	v55 =	vshll.u32 v32, v15;
	[tilespmem:v9+s19+$0x140 ss:$0x1] =	vst.idx.msk $0xffff, v17;
	v17 =	vor.u32 v52, v53  }
0x97: {  	v45 =	vld.idx.msk [tilespmem:v8+s22+$0x20 ss:$0x1], $0xffff;
	[tilespmem:v9+s19+$0x130 ss:$0x1] =	vst.idx.msk $0xffff, v43;
	v56 =	vand.u32 $0xFFFF, v54;
	v57 =	vand.u32 $0xFFFF0000, v55;
	v58 =	vshrl.u32 v46, v14  }
0x98: {  	v47 =	vld.idx.msk [tilespmem:v8+s22+$0xA0 ss:$0x1], $0xffff;
	v30 =	vshll.u32 v49, v15;
	[tilespmem:v9+s19+$0x150 ss:$0x1] =	vst.idx.msk $0xffff, v17;
	v17 =	vor.u32 v56, v57  }
0x99: {  	v33 =	vld.idx.msk [tilespmem:v8+s24+$0x330 ss:$0x1], $0xffff;
	v60 =	vand.u32 $0xFFFF, v58;
	v30 =	vand.u32 $0xFFFF0000, v30;
	[tilespmem:v9+s19+$0xE0 ss:$0x1] =	vst.idx.msk $0xffff, v17  }
0x9a: {  	v30 =	vor.u32 v60, v30;
	v61 =	vld.idx.msk [tilespmem:v8+s24+$0x260 ss:$0x1], $0xffff  }
0x9b: {  	v59 =	vperm.xlane v16, v7;
	v62 =	vld.idx.msk [tilespmem:v8+s24+$0x2E0 ss:$0x1], $0xffff;
	[tilespmem:v9+s19+$0xF0 ss:$0x1] =	vst.idx.msk $0xffff, v30  }
0x9c: {  	v25 =	vshrl.u32 v25, v18;
	v30 =	vld.idx.msk [tilespmem:v8+s24+$0x270 ss:$0x1], $0xffff  }
0x9d: {  	v25 =	vand.u32 $0xFFFF, v25;
	v17 =	vsub.s32 $0x10, v59;
	v63 =	vld.idx.msk [tilespmem:v8+s24+$0x2F0 ss:$0x1], $0xffff  }
0x9e: {  	v34 =	vshll.u32 v34, v13;
	v29 =	vld.idx.msk [tilespmem:v8+s24+$0x3B0 ss:$0x1], $0xffff;
	v49 =	vshll.u32 v39, v13;
	v26 =	vshll.u32 v26, v17  }
0x9f: {  	v24 =	vld.idx.msk [tilespmem:v8+s24+$0x340 ss:$0x1], $0xffff;
	v35 =	vshll.u32 v28, v17;
	v48 =	vshrl.u32 v36, v12;
	v28 =	vand.u32 $0xFFFF0000, v49  }
0xa0: {  	v22 =	vld.idx.msk [tilespmem:v8+s24+$0x3C0 ss:$0x1], $0xffff;
	v26 =	vand.u32 $0xFFFF0000, v26;
	v50 =	vand.u32 $0xFFFF, v48;
	v16 =	vshrl.u32 v61, v10  }
0xa1: {  	v19 =	vld.idx.msk [tilespmem:v8+s24+$0x350 ss:$0x1], $0xffff;
	v25 =	vor.u32 v25, v26;
	v40 =	vshll.u32 v62, v11;
	v16 =	vand.u32 $0xFFFF, v16  }
0xa2: {  	v20 =	vld.idx.msk [tilespmem:v8+s24+$0x3D0 ss:$0x1], $0xffff;
	v42 =	vand.u32 $0xFFFF0000, v40;
	v43 =	vshrl.u32 v30, v10;
	v44 =	vshll.u32 v63, v11  }
0xa3: {  	v39 =	vld.idx.msk [tilespmem:v8+s22+$0x30 ss:$0x1], $0xffff;
	v16 =	vor.u32 v16, v42;
	v46 =	vand.u32 $0xFFFF, v43;
	v26 =	vand.u32 $0xFFFF0000, v44  }
0xa4: {  	v54 =	vshll.u32 v47, v13;
	v47 =	vld.idx.msk [tilespmem:v8+s22+$0xC0 ss:$0x1], $0xffff;
	[tilespmem:v9+s19+$0x160 ss:$0x1] =	vst.idx.msk $0xffff, v16;
	v16 =	vor.u32 v46, v26  }
0xa5: {  	s20 =	sshrl.u32 s22, $0x1;
	v31 =	vshrl.u32 v41, v12;
	v42 =	vld.idx.msk [tilespmem:v8+s22+$0xB0 ss:$0x1], $0xffff;
	[tilespmem:v9+s19+$0x170 ss:$0x1] =	vst.idx.msk $0xffff, v16;
	v16 =	vor.u32 v50, v28  }
0xa6: {  	v21 =	vshrl.u32 v21, v18;
	v52 =	vand.u32 $0xFFFF0000, v34;
	v51 =	vand.u32 $0xFFFF, v31;
	v44 =	vld.idx.msk [tilespmem:v8+s22+$0x40 ss:$0x1], $0xffff;
	[tilespmem:v9+s20+$0x0 ss:$0x1] =	vst.idx.msk $0xffff, v16  }
0xa7: {  	v21 =	vand.u32 $0xFFFF, v21;
	v30 =	vshrl.u32 v45, v12;
	v16 =	vor.u32 v51, v52;
	v53 =	vld.idx.msk [tilespmem:v8+s22+$0x100 ss:$0x1], $0xffff  }
0xa8: {  	v23 =	vshll.u32 v23, v17;
	v57 =	vand.u32 $0xFFFF0000, v54;
	v56 =	vand.u32 $0xFFFF, v30;
	v55 =	vld.idx.msk [tilespmem:v8+s22+$0x180 ss:$0x1], $0xffff;
	[tilespmem:v9+s19+$0x210 ss:$0x1] =	vst.idx.msk $0xffff, v16  }
0xa9: {  	v38 =	vand.u32 $0xFFFF0000, v35;
	v23 =	vand.u32 $0xFFFF0000, v23;
	[tilespmem:v9+s19+$0x180 ss:$0x1] =	vst.idx.msk $0xffff, v25;
	v16 =	vor.u32 v56, v57;
	v58 =	vld.idx.msk [tilespmem:v8+s22+$0x110 ss:$0x1], $0xffff  }
0xaa: {  	v60 =	vor.u32 v21, v23;
	v25 =	vor.u32 v37, v38;
	v59 =	vld.idx.msk [tilespmem:v8+s22+$0x190 ss:$0x1], $0xffff;
	[tilespmem:v9+s19+$0x220 ss:$0x1] =	vst.idx.msk $0xffff, v16  }
0xab: {  	[tilespmem:v9+s19+$0x1A0 ss:$0x1] =	vst.idx.msk $0xffff, v60;
	v61 =	vshrl.u32 v33, v18;
	v62 =	vshll.u32 v29, v17;
	v63 =	vld.idx.msk [tilespmem:v8+s22+$0x120 ss:$0x1], $0xffff  }
0xac: {  	[tilespmem:v9+s19+$0x190 ss:$0x1] =	vst.idx.msk $0xffff, v25;
	v35 =	vand.u32 $0xFFFF, v61;
	v36 =	vand.u32 $0xFFFF0000, v62;
	v37 =	vld.idx.msk [tilespmem:v8+s22+$0x1A0 ss:$0x1], $0xffff  }
0xad: {  	v25 =	vld.idx.msk [tilespmem:v8+s24+$0x360 ss:$0x1], $0xffff;
	v16 =	vor.u32 v35, v36;
	v38 =	vshrl.u32 v53, v14;
	v32 =	vshll.u32 v55, v15  }
0xae: {  	v27 =	vld.idx.msk [tilespmem:v8+s24+$0x3E0 ss:$0x1], $0xffff;
	[tilespmem:v9+s19+$0x1B0 ss:$0x1] =	vst.idx.msk $0xffff, v16;
	v40 =	vand.u32 $0xFFFF, v38;
	v41 =	vand.u32 $0xFFFF0000, v32  }
0xaf: {  	v26 =	vld.idx.msk [tilespmem:v8+s24+$0x370 ss:$0x1], $0xffff;
	v43 =	vshrl.u32 v58, v14;
	v30 =	vshll.u32 v59, v15;
	v16 =	vor.u32 v40, v41  }
0xb0: {  	v28 =	vld.idx.msk [tilespmem:v8+s24+$0x3F0 ss:$0x1], $0xffff;
	v45 =	vand.u32 $0xFFFF, v43;
	v46 =	vand.u32 $0xFFFF0000, v30;
	[tilespmem:v9+s19+$0x280 ss:$0x1] =	vst.idx.msk $0xffff, v16  }
0xb1: {  	v49 =	vshrl.u32 v63, v14;
	v23 =	vshll.u32 v37, v15;
	v16 =	vor.u32 v45, v46;
	v48 =	vld.idx.msk [tilespmem:v8+s22+$0x200 ss:$0x1], $0xffff  }
0xb2: {  	v51 =	vand.u32 $0xFFFF, v49;
	v52 =	vand.u32 $0xFFFF0000, v23;
	v50 =	vld.idx.msk [tilespmem:v8+s22+$0x280 ss:$0x1], $0xffff;
	[tilespmem:v9+s19+$0x290 ss:$0x1] =	vst.idx.msk $0xffff, v16  }
0xb3: {  	v54 =	vshrl.u32 v39, v12;
	v32 =	vshll.u32 v42, v13;
	v16 =	vor.u32 v51, v52;
	v53 =	vld.idx.msk [tilespmem:v8+s22+$0x210 ss:$0x1], $0xffff  }
0xb4: {  	v56 =	vand.u32 $0xFFFF, v54;
	v57 =	vand.u32 $0xFFFF0000, v32;
	v55 =	vld.idx.msk [tilespmem:v8+s22+$0x290 ss:$0x1], $0xffff;
	[tilespmem:v9+s19+$0x2A0 ss:$0x1] =	vst.idx.msk $0xffff, v16  }
0xb5: {  	v59 =	vshrl.u32 v44, v12;
	v30 =	vshll.u32 v47, v13;
	v16 =	vor.u32 v56, v57;
	v58 =	vld.idx.msk [tilespmem:v8+s22+$0x220 ss:$0x1], $0xffff  }
0xb6: {  	v24 =	vshrl.u32 v24, v18;
	v61 =	vand.u32 $0xFFFF, v59;
	v62 =	vand.u32 $0xFFFF0000, v30;
	v60 =	vld.idx.msk [tilespmem:v8+s22+$0x2A0 ss:$0x1], $0xffff;
	[tilespmem:v9+s19+$0x230 ss:$0x1] =	vst.idx.msk $0xffff, v16  }
0xb7: {  	v22 =	vshll.u32 v22, v17;
	v24 =	vand.u32 $0xFFFF, v24;
	v16 =	vor.u32 v61, v62;
	v36 =	vld.idx.msk [tilespmem:v8+s22+$0x130 ss:$0x1], $0xffff  }
0xb8: {  	v19 =	vshrl.u32 v19, v18;
	v20 =	vshll.u32 v20, v17;
	v38 =	vld.idx.msk [tilespmem:v8+s22+$0x1B0 ss:$0x1], $0xffff;
	[tilespmem:v9+s19+$0x240 ss:$0x1] =	vst.idx.msk $0xffff, v16  }
0xb9: {  	v22 =	vand.u32 $0xFFFF0000, v22;
	v19 =	vand.u32 $0xFFFF, v19;
	v20 =	vand.u32 $0xFFFF0000, v20;
	v42 =	vld.idx.msk [tilespmem:v8+s22+$0x140 ss:$0x1], $0xffff  }
0xba: {  	v22 =	vor.u32 v24, v22;
	v19 =	vor.u32 v19, v20;
	v45 =	vld.idx.msk [tilespmem:v8+s22+$0x1C0 ss:$0x1], $0xffff;
	v63 =	vshrl.u32 v48, v10  }
0xbb: {  	[tilespmem:v9+s19+$0x1C0 ss:$0x1] =	vst.idx.msk $0xffff, v22;
	v29 =	vshll.u32 v50, v11;
	v37 =	vand.u32 $0xFFFF, v63;
	v63 =	vld.idx.msk [tilespmem:v8+s22+$0xD0 ss:$0x1], $0xffff  }
0xbc: {  	v29 =	vand.u32 $0xFFFF0000, v29;
	v40 =	vshrl.u32 v53, v10;
	v31 =	vshll.u32 v60, v11;
	v60 =	vld.idx.msk [tilespmem:v8+s22+$0x50 ss:$0x1], $0xffff  }
0xbd: {  	v39 =	vor.u32 v37, v29;
	v47 =	vshrl.u32 v58, v10;
	v30 =	vshll.u32 v38, v15;
	v38 =	vld.idx.msk [tilespmem:v8+s22+$0x60 ss:$0x1], $0xffff  }
0xbe: {  	v41 =	vshll.u32 v55, v11;
	[tilespmem:v9+s19+$0x300 ss:$0x1] =	vst.idx.msk $0xffff, v39;
	v49 =	vand.u32 $0xFFFF, v47;
	v47 =	vld.idx.msk [tilespmem:v8+s22+$0x70 ss:$0x1], $0xffff  }
0xbf: {  	[tilespmem:v9+s19+$0x1D0 ss:$0x1] =	vst.idx.msk $0xffff, v19;
	v43 =	vand.u32 $0xFFFF, v40;
	v44 =	vand.u32 $0xFFFF0000, v41;
	v46 =	vld.idx.msk [tilespmem:v8+s22+$0x300 ss:$0x1], $0xffff  }
0xc0: {  	v59 =	vshrl.u32 v26, v18;
	v56 =	vshll.u32 v27, v17;
	v16 =	vor.u32 v43, v44;
	v48 =	vld.idx.msk [tilespmem:v8+s22+$0x380 ss:$0x1], $0xffff  }
0xc1: {  	v61 =	vand.u32 $0xFFFF, v59;
	v50 =	vand.u32 $0xFFFF0000, v31;
	[tilespmem:v9+s19+$0x310 ss:$0x1] =	vst.idx.msk $0xffff, v16;
	v29 =	vshrl.u32 v42, v14;
	v42 =	vld.idx.msk [tilespmem:v8+s22+$0xE0 ss:$0x1], $0xffff  }
0xc2: {  	v62 =	vshll.u32 v28, v17;
	v52 =	vshrl.u32 v36, v14;
	v16 =	vor.u32 v49, v50;
	v51 =	vld.idx.msk [tilespmem:v8+s22+$0x310 ss:$0x1], $0xffff  }
0xc3: {  	v55 =	vshrl.u32 v25, v18;
	v21 =	vand.u32 $0xFFFF, v52;
	v30 =	vand.u32 $0xFFFF0000, v30;
	v53 =	vld.idx.msk [tilespmem:v8+s22+$0x390 ss:$0x1], $0xffff;
	[tilespmem:v9+s19+$0x320 ss:$0x1] =	vst.idx.msk $0xffff, v16  }
0xc4: {  	v20 =	vand.u32 $0xFFFF, v55;
	v23 =	vshll.u32 v45, v15;
	v30 =	vor.u32 v21, v30;
	v16 =	vld.idx.msk [tilespmem:v8+s22+$0x320 ss:$0x1], $0xffff  }
0xc5: {  	v58 =	vand.u32 $0xFFFF0000, v56;
	v29 =	vand.u32 $0xFFFF, v29;
	v23 =	vand.u32 $0xFFFF0000, v23;
	v21 =	vld.idx.msk [tilespmem:v8+s22+$0x3A0 ss:$0x1], $0xffff;
	[tilespmem:v9+s19+$0x2B0 ss:$0x1] =	vst.idx.msk $0xffff, v30  }
0xc6: {  	s25 =	sor.u32 $0x1, s17;
	v20 =	vor.u32 v20, v58;
	v23 =	vor.u32 v29, v23;
	v27 =	vshll.u32 v63, v13;
	v30 =	vld.idx.msk [tilespmem:v8+s22+$0x230 ss:$0x1], $0xffff  }
0xc7: {  	s26 =	sshll.u32 s25, $0x3;
	v54 =	vld.idx.msk [tilespmem:v8+s22+$0x2B0 ss:$0x1], $0xffff;
	[tilespmem:v9+s19+$0x2C0 ss:$0x1] =	vst.idx.msk $0xffff, v23;
	v23 =	vand.u32 $0xFFFF0000, v62;
	v26 =	vshrl.u32 v60, v12;
	v50 =	vand.u32 $0xFFFF0000, v27  }
0xc8: {  	s20 =	sand.u32 $0x3FFFFFF8, s26;
	v57 =	vld.idx.msk [tilespmem:v8+s22+$0x240 ss:$0x1], $0xffff;
	v39 =	vor.u32 v61, v23;
	v49 =	vand.u32 $0xFFFF, v26;
	v52 =	vshrl.u32 v38, v12  }
0xc9: {  	s20 =	sadd.s32 s20, s16;
	v44 =	vld.idx.msk [tilespmem:v8+s22+$0x2C0 ss:$0x1], $0xffff;
	v33 =	vshrl.u32 v47, v12;
	v36 =	vshrl.u32 v46, v18;
	v37 =	vshll.u32 v48, v17  }
0xca: {  	[tilespmem:v9+s19+$0x1E0 ss:$0x1] =	vst.idx.msk $0xffff, v20;
	v46 =	vld.msk [tilespmem:s20+$0x0 ss:$0x1], $0xff;
	v20 =	vor.u32 v49, v50;
	v55 =	vand.u32 $0xFFFF, v52;
	v40 =	vand.u32 $0xFFFF, v36  }
0xcb: {  	s21 =	sshll.u32 s25, $0xB;
	[tilespmem:v9+s19+$0x1F0 ss:$0x1] =	vst.idx.msk $0xffff, v39;
	v41 =	vand.u32 $0xFFFF0000, v37;
	v23 =	vshrl.u32 v51, v18;
	v31 =	vshll.u32 v53, v17  }
0xcc: {  	s28 =	sand.u32 $0x3FFFF800, s21;
	v51 =	vld.idx.msk [tilespmem:v8+s22+$0xF0 ss:$0x1], $0xffff;
	v53 =	vshll.u32 v42, v13;
	v37 =	vand.u32 $0xFFFF, v33;
	v22 =	vor.u32 v40, v41  }
0xcd: {  	v56 =	vand.u32 $0xFFFF0000, v53;
	v43 =	vshrl.u32 v30, v10;
	v24 =	vshll.u32 v54, v11;
	v54 =	vld.idx.msk [tilespmem:v8+s28+$0x0 ss:$0x1], $0xffff  }
0xce: {  	[tilespmem:v9+s19+$0x250 ss:$0x1] =	vst.idx.msk $0xffff, v20;
	v45 =	vand.u32 $0xFFFF, v43;
	v24 =	vand.u32 $0xFFFF0000, v24;
	v25 =	vshrl.u32 v57, v10;
	v57 =	vld.idx.msk [tilespmem:v8+s28+$0x80 ss:$0x1], $0xffff  }
0xcf: {  	v59 =	vld.idx.msk [tilespmem:v8+s22+$0x150 ss:$0x1], $0xffff;
	v48 =	vor.u32 v45, v24;
	v24 =	vor.u32 v55, v56;
	v20 =	vshll.u32 v46, $0x4  }
0xd0: {  	v61 =	vld.idx.msk [tilespmem:v8+s22+$0x1D0 ss:$0x1], $0xffff;
	v16 =	vshrl.u32 v16, v18;
	[tilespmem:v9+s19+$0x260 ss:$0x1] =	vst.idx.msk $0xffff, v24;
	v62 =	vperm.xlane v20, v2  }
0xd1: {  	v21 =	vshll.u32 v21, v17;
	v13 =	vshll.u32 v51, v13;
	v12 =	vperm.xlane v20, v1;
	v63 =	vld.idx.msk [tilespmem:v8+s22+$0x160 ss:$0x1], $0xffff  }
0xd2: {  	v16 =	vand.u32 $0xFFFF, v16;
	[tilespmem:v9+s19+$0x330 ss:$0x1] =	vst.idx.msk $0xffff, v48;
	v36 =	vld.idx.msk [tilespmem:v8+s22+$0x1E0 ss:$0x1], $0xffff;
	v38 =	vand.u32 $0xFFFF0000, v13;
	v13 =	vsub.s32 $0x10, v62  }
0xd3: {  	v24 =	vld.idx.msk [tilespmem:v8+s22+$0x330 ss:$0x1], $0xffff;
	v26 =	vor.u32 v37, v38;
	v28 =	vshrl.u32 v54, v12;
	v27 =	vshll.u32 v57, v13  }
0xd4: {  	v60 =	vshll.u32 v44, v11;
	v33 =	vld.idx.msk [tilespmem:v8+s22+$0x3B0 ss:$0x1], $0xffff;
	[tilespmem:v9+s19+$0x270 ss:$0x1] =	vst.idx.msk $0xffff, v26;
	v39 =	vand.u32 $0xFFFF, v28;
	v27 =	vand.u32 $0xFFFF0000, v27  }
0xd5: {  	s18 =	sshrl.u32 s21, $0x1;
	[tilespmem:v9+s19+$0x380 ss:$0x1] =	vst.idx.msk $0xffff, v22;
	v58 =	vand.u32 $0xFFFF, v25;
	v29 =	vand.u32 $0xFFFF0000, v60;
	v40 =	vld.idx.msk [tilespmem:v8+s22+$0x170 ss:$0x1], $0xffff;
	v26 =	vor.u32 v39, v27  }
0xd6: {  	v22 =	vor.u32 v58, v29;
	v25 =	vshrl.u32 v59, v14;
	v42 =	vld.idx.msk [tilespmem:v8+s22+$0x1F0 ss:$0x1], $0xffff;
	[tilespmem:v9+s18+$0x0 ss:$0x1] =	vst.idx.msk $0xffff, v26  }
0xd7: {  	v21 =	vand.u32 $0xFFFF0000, v21;
	v41 =	vshll.u32 v61, v15;
	[tilespmem:v9+s19+$0x340 ss:$0x1] =	vst.idx.msk $0xffff, v22;
	v25 =	vand.u32 $0xFFFF, v25;
	v45 =	vld.idx.msk [tilespmem:v8+s28+$0x100 ss:$0x1], $0xffff  }
0xd8: {  	v43 =	vand.u32 $0xFFFF0000, v41;
	v44 =	vshrl.u32 v63, v14;
	v19 =	vshll.u32 v36, v15;
	v48 =	vld.idx.msk [tilespmem:v8+s28+$0x180 ss:$0x1], $0xffff  }
0xd9: {  	v50 =	vld.idx.msk [tilespmem:v8+s22+$0x340 ss:$0x1], $0xffff;
	v46 =	vor.u32 v25, v43;
	v47 =	vand.u32 $0xFFFF, v44;
	v19 =	vand.u32 $0xFFFF0000, v19  }
0xda: {  	v53 =	vperm.xlane v20, v4;
	v60 =	vld.idx.msk [tilespmem:v8+s22+$0x3C0 ss:$0x1], $0xffff;
	[tilespmem:v9+s19+$0x2D0 ss:$0x1] =	vst.idx.msk $0xffff, v46;
	v19 =	vor.u32 v47, v19  }
0xdb: {  	v52 =	vld.idx.msk [tilespmem:v8+s22+$0x250 ss:$0x1], $0xffff;
	v55 =	vshrl.u32 v40, v14;
	v15 =	vshll.u32 v42, v15;
	v14 =	vperm.xlane v20, v3  }
0xdc: {  	v54 =	vld.idx.msk [tilespmem:v8+s22+$0x2D0 ss:$0x1], $0xffff;
	[tilespmem:v9+s19+$0x2E0 ss:$0x1] =	vst.idx.msk $0xffff, v19;
	v27 =	vand.u32 $0xFFFF, v55;
	v57 =	vand.u32 $0xFFFF0000, v15;
	v15 =	vsub.s32 $0x10, v53  }
0xdd: {  	v56 =	vld.idx.msk [tilespmem:v8+s22+$0x260 ss:$0x1], $0xffff;
	v27 =	vor.u32 v27, v57;
	v59 =	vshrl.u32 v45, v14;
	v26 =	vshll.u32 v48, v15  }
0xde: {  	v16 =	vor.u32 v16, v21;
	v58 =	vld.idx.msk [tilespmem:v8+s22+$0x2E0 ss:$0x1], $0xffff;
	[tilespmem:v9+s19+$0x2F0 ss:$0x1] =	vst.idx.msk $0xffff, v27;
	v61 =	vand.u32 $0xFFFF, v59;
	v26 =	vand.u32 $0xFFFF0000, v26  }
0xdf: {  	[tilespmem:v9+s19+$0x3A0 ss:$0x1] =	vst.idx.msk $0xffff, v16;
	v62 =	vld.idx.msk [tilespmem:v8+s22+$0x270 ss:$0x1], $0xffff;
	v26 =	vor.u32 v61, v26  }
0xe0: {  	v23 =	vand.u32 $0xFFFF, v23;
	v49 =	vand.u32 $0xFFFF0000, v31;
	v63 =	vld.idx.msk [tilespmem:v8+s22+$0x2F0 ss:$0x1], $0xffff;
	[tilespmem:v9+s18+$0x80 ss:$0x1] =	vst.idx.msk $0xffff, v26  }
0xe1: {  	v51 =	vor.u32 v23, v49;
	v23 =	vshrl.u32 v52, v10;
	v35 =	vshll.u32 v54, v11;
	v36 =	vld.idx.msk [tilespmem:v8+s28+$0x200 ss:$0x1], $0xffff  }
0xe2: {  	v16 =	vperm.xlane v20, v0;
	[tilespmem:v9+s19+$0x390 ss:$0x1] =	vst.idx.msk $0xffff, v51;
	v34 =	vand.u32 $0xFFFF, v23;
	v23 =	vand.u32 $0xFFFF0000, v35;
	v26 =	vld.idx.msk [tilespmem:v8+s28+$0x280 ss:$0x1], $0xffff  }
0xe3: {  	v41 =	vld.idx.msk [tilespmem:v8+s28+$0x90 ss:$0x1], $0xffff;
	v37 =	vor.u32 v34, v23;
	v22 =	vshrl.u32 v56, v10;
	v19 =	vshll.u32 v58, v11  }
0xe4: {  	v39 =	vld.idx.msk [tilespmem:v8+s28+$0x10 ss:$0x1], $0xffff;
	v40 =	vperm.xlane v20, v5;
	[tilespmem:v9+s19+$0x350 ss:$0x1] =	vst.idx.msk $0xffff, v37;
	v38 =	vand.u32 $0xFFFF, v22;
	v19 =	vand.u32 $0xFFFF0000, v19  }
0xe5: {  	v53 =	vld.idx.msk [tilespmem:v8+s28+$0x20 ss:$0x1], $0xffff;
	v19 =	vor.u32 v38, v19;
	v10 =	vshrl.u32 v62, v10;
	v11 =	vshll.u32 v63, v11  }
0xe6: {  	v54 =	vld.idx.msk [tilespmem:v8+s28+$0xA0 ss:$0x1], $0xffff;
	[tilespmem:v9+s19+$0x360 ss:$0x1] =	vst.idx.msk $0xffff, v19;
	v19 =	vsub.s32 $0x10, v40;
	v10 =	vand.u32 $0xFFFF, v10;
	v11 =	vand.u32 $0xFFFF0000, v11  }
0xe7: {  	v55 =	vld.idx.msk [tilespmem:v8+s28+$0x30 ss:$0x1], $0xffff;
	v10 =	vor.u32 v10, v11;
	v11 =	vshrl.u32 v36, v16;
	v21 =	vshll.u32 v26, v19  }
0xe8: {  	v57 =	vld.idx.msk [tilespmem:v8+s28+$0x40 ss:$0x1], $0xffff;
	[tilespmem:v9+s19+$0x370 ss:$0x1] =	vst.idx.msk $0xffff, v10;
	v10 =	vand.u32 $0xFFFF, v11;
	v11 =	vand.u32 $0xFFFF0000, v21  }
0xe9: {  	v47 =	vshll.u32 v41, v13;
	v42 =	vld.idx.msk [tilespmem:v8+s22+$0x350 ss:$0x1], $0xffff;
	v10 =	vor.u32 v10, v11;
	v11 =	vshrl.u32 v39, v12  }
0xea: {  	v43 =	vld.idx.msk [tilespmem:v8+s22+$0x3D0 ss:$0x1], $0xffff;
	[tilespmem:v9+s18+$0x100 ss:$0x1] =	vst.idx.msk $0xffff, v10;
	v10 =	vand.u32 $0xFFFF, v11;
	v11 =	vand.u32 $0xFFFF0000, v47  }
0xeb: {  	v49 =	vshll.u32 v33, v17;
	v48 =	vshrl.u32 v24, v18;
	v44 =	vld.idx.msk [tilespmem:v8+s22+$0x360 ss:$0x1], $0xffff;
	v10 =	vor.u32 v10, v11  }
0xec: {  	v23 =	vand.u32 $0xFFFF0000, v49;
	v45 =	vld.idx.msk [tilespmem:v8+s22+$0x3E0 ss:$0x1], $0xffff;
	v11 =	vand.u32 $0xFFFF, v48;
	[tilespmem:v9+s18+$0x10 ss:$0x1] =	vst.idx.msk $0xffff, v10  }
0xed: {  	v10 =	vor.u32 v11, v23;
	v11 =	vshrl.u32 v50, v18;
	v50 =	vshll.u32 v60, v17;
	v51 =	vld.idx.msk [tilespmem:v8+s28+$0x110 ss:$0x1], $0xffff  }
0xee: {  	[tilespmem:v9+s19+$0x3B0 ss:$0x1] =	vst.idx.msk $0xffff, v10;
	v10 =	vand.u32 $0xFFFF, v11;
	v11 =	vand.u32 $0xFFFF0000, v50;
	v52 =	vld.idx.msk [tilespmem:v8+s28+$0x190 ss:$0x1], $0xffff  }
0xef: {  	v59 =	vld.idx.msk [tilespmem:v8+s28+$0x50 ss:$0x1], $0xffff;
	v27 =	vshll.u32 v43, v17;
	v10 =	vor.u32 v10, v11;
	v11 =	vshrl.u32 v42, v18  }
0xf0: {  	v56 =	vld.idx.msk [tilespmem:v8+s28+$0xB0 ss:$0x1], $0xffff;
	[tilespmem:v9+s19+$0x3C0 ss:$0x1] =	vst.idx.msk $0xffff, v10;
	v10 =	vand.u32 $0xFFFF, v11;
	v11 =	vand.u32 $0xFFFF0000, v27  }
0xf1: {  	v58 =	vld.idx.msk [tilespmem:v8+s28+$0xC0 ss:$0x1], $0xffff;
	v25 =	vshll.u32 v45, v17;
	v10 =	vor.u32 v10, v11;
	v11 =	vshrl.u32 v44, v18  }
0xf2: {  	v46 =	vld.idx.msk [tilespmem:v8+s22+$0x370 ss:$0x1], $0xffff;
	[tilespmem:v9+s19+$0x3D0 ss:$0x1] =	vst.idx.msk $0xffff, v10;
	v10 =	vand.u32 $0xFFFF, v11;
	v11 =	vand.u32 $0xFFFF0000, v25  }
0xf3: {  	v22 =	vld.idx.msk [tilespmem:v8+s22+$0x3F0 ss:$0x1], $0xffff;
	v10 =	vor.u32 v10, v11;
	v11 =	vshrl.u32 v51, v14;
	v23 =	vshll.u32 v52, v15  }
0xf4: {  	v24 =	vld.idx.msk [tilespmem:v8+s28+$0x300 ss:$0x1], $0xffff;
	[tilespmem:v9+s19+$0x3E0 ss:$0x1] =	vst.idx.msk $0xffff, v10;
	v10 =	vand.u32 $0xFFFF, v11;
	v11 =	vand.u32 $0xFFFF0000, v23  }
0xf5: {  	v21 =	vld.idx.msk [tilespmem:v8+s28+$0x380 ss:$0x1], $0xffff;
	v27 =	vshll.u32 v54, v13;
	v10 =	vor.u32 v10, v11;
	v11 =	vshrl.u32 v53, v12  }
0xf6: {  	v60 =	vld.idx.msk [tilespmem:v8+s28+$0xD0 ss:$0x1], $0xffff;
	[tilespmem:v9+s18+$0x90 ss:$0x1] =	vst.idx.msk $0xffff, v10;
	v10 =	vand.u32 $0xFFFF, v11;
	v11 =	vand.u32 $0xFFFF0000, v27  }
0xf7: {  	v25 =	vshll.u32 v56, v13;
	v61 =	vld.idx.msk [tilespmem:v8+s28+$0x210 ss:$0x1], $0xffff;
	v10 =	vor.u32 v10, v11;
	v11 =	vshrl.u32 v55, v12  }
0xf8: {  	v62 =	vld.idx.msk [tilespmem:v8+s28+$0x290 ss:$0x1], $0xffff;
	[tilespmem:v9+s18+$0x20 ss:$0x1] =	vst.idx.msk $0xffff, v10;
	v10 =	vand.u32 $0xFFFF, v11;
	v11 =	vand.u32 $0xFFFF0000, v25  }
0xf9: {  	v23 =	vshll.u32 v58, v13;
	v63 =	vld.idx.msk [tilespmem:v8+s28+$0x120 ss:$0x1], $0xffff;
	v10 =	vor.u32 v10, v11;
	v11 =	vshrl.u32 v57, v12  }
0xfa: {  	v33 =	vld.idx.msk [tilespmem:v8+s28+$0x1A0 ss:$0x1], $0xffff;
	[tilespmem:v9+s18+$0x30 ss:$0x1] =	vst.idx.msk $0xffff, v10;
	v10 =	vand.u32 $0xFFFF, v11;
	v11 =	vand.u32 $0xFFFF0000, v23  }
0xfb: {  	v27 =	vshll.u32 v60, v13;
	v34 =	vld.idx.msk [tilespmem:v8+s28+$0x130 ss:$0x1], $0xffff;
	v10 =	vor.u32 v10, v11;
	v11 =	vshrl.u32 v59, v12  }
0xfc: {  	v35 =	vld.idx.msk [tilespmem:v8+s28+$0x1B0 ss:$0x1], $0xffff;
	[tilespmem:v9+s18+$0x40 ss:$0x1] =	vst.idx.msk $0xffff, v10;
	v10 =	vand.u32 $0xFFFF, v11;
	v11 =	vand.u32 $0xFFFF0000, v27  }
0xfd: {  	v36 =	vshrl.u32 v61, v16;
	v28 =	vshll.u32 v62, v19;
	v37 =	vld.idx.msk [tilespmem:v8+s28+$0x140 ss:$0x1], $0xffff;
	v10 =	vor.u32 v10, v11  }
0xfe: {  	v11 =	vand.u32 $0xFFFF, v36;
	v38 =	vand.u32 $0xFFFF0000, v28;
	v39 =	vld.idx.msk [tilespmem:v8+s28+$0x1C0 ss:$0x1], $0xffff;
	[tilespmem:v9+s18+$0x50 ss:$0x1] =	vst.idx.msk $0xffff, v10  }
0xff: {  	v10 =	vor.u32 v11, v38;
	v11 =	vshrl.u32 v63, v14;
	v40 =	vshll.u32 v33, v15;
	v41 =	vld.idx.msk [tilespmem:v8+s28+$0x150 ss:$0x1], $0xffff  }
0x100: {  	v49 =	vperm.xlane v20, v7;
	[tilespmem:v9+s18+$0x110 ss:$0x1] =	vst.idx.msk $0xffff, v10;
	v10 =	vand.u32 $0xFFFF, v11;
	v11 =	vand.u32 $0xFFFF0000, v40;
	v42 =	vld.idx.msk [tilespmem:v8+s28+$0x1D0 ss:$0x1], $0xffff  }
0x101: {  	v58 =	vld.idx.msk [tilespmem:v8+s28+$0x60 ss:$0x1], $0xffff;
	v10 =	vor.u32 v10, v11;
	v11 =	vshrl.u32 v34, v14;
	v43 =	vshll.u32 v35, v15  }
0x102: {  	v17 =	vshll.u32 v22, v17;
	v60 =	vld.idx.msk [tilespmem:v8+s28+$0xE0 ss:$0x1], $0xffff;
	[tilespmem:v9+s18+$0xA0 ss:$0x1] =	vst.idx.msk $0xffff, v10;
	v10 =	vand.u32 $0xFFFF, v11;
	v11 =	vand.u32 $0xFFFF0000, v43  }
0x103: {  	v45 =	vld.idx.msk [tilespmem:v8+s28+$0x220 ss:$0x1], $0xffff;
	v10 =	vor.u32 v10, v11;
	v11 =	vshrl.u32 v37, v14;
	v28 =	vshll.u32 v39, v15  }
0x104: {  	v18 =	vshrl.u32 v46, v18;
	v46 =	vld.idx.msk [tilespmem:v8+s28+$0x2A0 ss:$0x1], $0xffff;
	[tilespmem:v9+s18+$0xB0 ss:$0x1] =	vst.idx.msk $0xffff, v10;
	v10 =	vand.u32 $0xFFFF, v11;
	v11 =	vand.u32 $0xFFFF0000, v28  }
0x105: {  	v47 =	vld.idx.msk [tilespmem:v8+s28+$0x230 ss:$0x1], $0xffff;
	v10 =	vor.u32 v10, v11;
	v11 =	vshrl.u32 v41, v14;
	v25 =	vshll.u32 v42, v15  }
0x106: {  	v17 =	vand.u32 $0xFFFF0000, v17;
	v48 =	vld.idx.msk [tilespmem:v8+s28+$0x2B0 ss:$0x1], $0xffff;
	[tilespmem:v9+s18+$0xC0 ss:$0x1] =	vst.idx.msk $0xffff, v10;
	v10 =	vand.u32 $0xFFFF, v11;
	v11 =	vand.u32 $0xFFFF0000, v25  }
0x107: {  	v18 =	vand.u32 $0xFFFF, v18;
	v39 =	vshrl.u32 v58, v12;
	v50 =	vld.idx.msk [tilespmem:v8+s28+$0x240 ss:$0x1], $0xffff;
	v11 =	vor.u32 v10, v11  }
0x108: {  	v17 =	vor.u32 v18, v17;
	v41 =	vand.u32 $0xFFFF, v39;
	v51 =	vld.idx.msk [tilespmem:v8+s28+$0x2C0 ss:$0x1], $0xffff;
	[tilespmem:v9+s18+$0xD0 ss:$0x1] =	vst.idx.msk $0xffff, v11  }
0x109: {  	v10 =	vperm.xlane v20, v6;
	v52 =	vshrl.u32 v45, v16;
	v53 =	vshll.u32 v46, v19;
	v54 =	vld.idx.msk [tilespmem:v8+s28+$0x250 ss:$0x1], $0xffff  }
0x10a: {  	[tilespmem:v9+s19+$0x3F0 ss:$0x1] =	vst.idx.msk $0xffff, v17;
	v11 =	vsub.s32 $0x10, v49;
	v20 =	vand.u32 $0xFFFF, v52;
	v23 =	vand.u32 $0xFFFF0000, v53;
	v56 =	vld.idx.msk [tilespmem:v8+s28+$0x2D0 ss:$0x1], $0xffff  }
0x10b: {  	v29 =	vld.idx.msk [tilespmem:v8+s28+$0x310 ss:$0x1], $0xffff;
	v20 =	vor.u32 v20, v23;
	v57 =	vshrl.u32 v47, v16;
	v22 =	vshll.u32 v48, v19  }
0x10c: {  	v44 =	vld.idx.msk [tilespmem:v8+s28+$0x390 ss:$0x1], $0xffff;
	v55 =	vshrl.u32 v24, v10;
	[tilespmem:v9+s18+$0x120 ss:$0x1] =	vst.idx.msk $0xffff, v20;
	v59 =	vand.u32 $0xFFFF, v57;
	v22 =	vand.u32 $0xFFFF0000, v22  }
0x10d: {  	v61 =	vld.idx.msk [tilespmem:v8+s28+$0x320 ss:$0x1], $0xffff;
	v20 =	vor.u32 v59, v22;
	v62 =	vshrl.u32 v50, v16;
	v18 =	vshll.u32 v51, v19  }
0x10e: {  	v21 =	vshll.u32 v21, v11;
	v63 =	vld.idx.msk [tilespmem:v8+s28+$0x3A0 ss:$0x1], $0xffff;
	[tilespmem:v9+s18+$0x130 ss:$0x1] =	vst.idx.msk $0xffff, v20;
	v32 =	vand.u32 $0xFFFF, v62;
	v18 =	vand.u32 $0xFFFF0000, v18  }
0x10f: {  	v33 =	vld.idx.msk [tilespmem:v8+s28+$0x330 ss:$0x1], $0xffff;
	v18 =	vor.u32 v32, v18;
	v34 =	vshrl.u32 v54, v16;
	v24 =	vshll.u32 v56, v19  }
0x110: {  	v43 =	vshrl.u32 v29, v10;
	v35 =	vld.idx.msk [tilespmem:v8+s28+$0x3B0 ss:$0x1], $0xffff;
	[tilespmem:v9+s18+$0x140 ss:$0x1] =	vst.idx.msk $0xffff, v18;
	v36 =	vand.u32 $0xFFFF, v34;
	v37 =	vand.u32 $0xFFFF0000, v24  }
0x111: {  	v26 =	vshll.u32 v44, v11;
	v23 =	vshll.u32 v60, v13;
	v38 =	vld.idx.msk [tilespmem:v8+s28+$0x340 ss:$0x1], $0xffff;
	v18 =	vor.u32 v36, v37  }
0x112: {  	v17 =	vand.u32 $0xFFFF, v55;
	v21 =	vand.u32 $0xFFFF0000, v21;
	v42 =	vand.u32 $0xFFFF0000, v23;
	v40 =	vld.idx.msk [tilespmem:v8+s28+$0x3C0 ss:$0x1], $0xffff;
	[tilespmem:v9+s18+$0x150 ss:$0x1] =	vst.idx.msk $0xffff, v18  }
0x113: {  	v45 =	vand.u32 $0xFFFF, v43;
	v46 =	vand.u32 $0xFFFF0000, v26;
	v18 =	vor.u32 v41, v42;
	v44 =	vld.idx.msk [tilespmem:v8+s28+$0x350 ss:$0x1], $0xffff  }
0x114: {  	v17 =	vor.u32 v17, v21;
	v47 =	vshrl.u32 v61, v10;
	v48 =	vld.idx.msk [tilespmem:v8+s28+$0x3D0 ss:$0x1], $0xffff;
	[tilespmem:v9+s18+$0x60 ss:$0x1] =	vst.idx.msk $0xffff, v18  }
0x115: {  	v49 =	vor.u32 v45, v46;
	v51 =	vshll.u32 v63, v11;
	v50 =	vand.u32 $0xFFFF, v47;
	v52 =	vld.idx.msk [tilespmem:v8+s28+$0x160 ss:$0x1], $0xffff  }
0x116: {  	v23 =	vand.u32 $0xFFFF0000, v51;
	v22 =	vshrl.u32 v33, v10;
	v25 =	vshll.u32 v35, v11;
	v53 =	vld.idx.msk [tilespmem:v8+s28+$0x1E0 ss:$0x1], $0xffff  }
0x117: {  	[tilespmem:v9+s18+$0x180 ss:$0x1] =	vst.idx.msk $0xffff, v17;
	v54 =	vor.u32 v50, v23;
	v55 =	vand.u32 $0xFFFF, v22;
	v56 =	vand.u32 $0xFFFF0000, v25  }
0x118: {  	v20 =	vor.u32 v55, v56;
	v57 =	vshrl.u32 v38, v10;
	v21 =	vshll.u32 v40, v11  }
0x119: {  	[tilespmem:v9+s18+$0x190 ss:$0x1] =	vst.idx.msk $0xffff, v49;
	v58 =	vand.u32 $0xFFFF, v57;
	v21 =	vand.u32 $0xFFFF0000, v21;
	v59 =	vshrl.u32 v44, v10  }
0x11a: {  	[tilespmem:v9+s18+$0x1A0 ss:$0x1] =	vst.idx.msk $0xffff, v54;
	v60 =	vor.u32 v58, v21;
	v62 =	vshll.u32 v48, v11;
	v61 =	vand.u32 $0xFFFF, v59  }
0x11b: {  	[tilespmem:v9+s18+$0x1B0 ss:$0x1] =	vst.idx.msk $0xffff, v20;
	v63 =	vand.u32 $0xFFFF0000, v62;
	v24 =	vshrl.u32 v52, v14;
	v25 =	vshll.u32 v53, v15  }
0x11c: {  	[tilespmem:v9+s18+$0x1C0 ss:$0x1] =	vst.idx.msk $0xffff, v60;
	v26 =	vor.u32 v61, v63;
	v27 =	vand.u32 $0xFFFF, v24;
	v28 =	vand.u32 $0xFFFF0000, v25  }
0x11d: {  	[tilespmem:v9+s18+$0x1D0 ss:$0x1] =	vst.idx.msk $0xffff, v26;
	v29 =	vor.u32 v27, v28  }
0x11e: {  	[tilespmem:v9+s18+$0xE0 ss:$0x1] =	vst.idx.msk $0xffff, v29  }
0x11f: {  	v17 =	vld.idx.msk [tilespmem:v8+s28+$0x260 ss:$0x1], $0xffff  }
0x120: {  	v30 =	vld.idx.msk [tilespmem:v8+s28+$0x70 ss:$0x1], $0xffff  }
0x121: {  	s21 =	sor.u32 $0x400, s21;
	v31 =	vld.idx.msk [tilespmem:v8+s28+$0xF0 ss:$0x1], $0xffff  }
0x122: {  	v32 =	vld.idx.msk [tilespmem:v8+s21+$0x0 ss:$0x1], $0xffff  }
0x123: {  	v33 =	vld.idx.msk [tilespmem:v8+s21+$0x80 ss:$0x1], $0xffff;
	_ =	sdelay $0x1  }
0x124: {  	v36 =	vld.idx.msk [tilespmem:v8+s28+$0x2E0 ss:$0x1], $0xffff  }
0x125: {  	v42 =	vld.idx.msk [tilespmem:v8+s21+$0x10 ss:$0x1], $0xffff;
	v18 =	vshrl.u32 v30, v12;
	v20 =	vshll.u32 v31, v13  }
0x126: {  	v43 =	vld.idx.msk [tilespmem:v8+s21+$0x90 ss:$0x1], $0xffff;
	v18 =	vand.u32 $0xFFFF, v18;
	v20 =	vand.u32 $0xFFFF0000, v20  }
0x127: {  	v44 =	vld.idx.msk [tilespmem:v8+s21+$0x20 ss:$0x1], $0xffff;
	v34 =	vshrl.u32 v32, v12;
	v35 =	vshll.u32 v33, v13;
	v18 =	vor.u32 v18, v20  }
0x128: {  	v46 =	vld.idx.msk [tilespmem:v8+s21+$0xA0 ss:$0x1], $0xffff;
	v37 =	vand.u32 $0xFFFF, v34;
	v38 =	vand.u32 $0xFFFF0000, v35;
	[tilespmem:v9+s18+$0x70 ss:$0x1] =	vst.idx.msk $0xffff, v18  }
0x129: {  	s29 =	sshrl.u32 s21, $0x1;
	v18 =	vor.u32 v37, v38;
	v39 =	vld.idx.msk [tilespmem:v8+s28+$0x170 ss:$0x1], $0xffff  }
0x12a: {  	v40 =	vld.idx.msk [tilespmem:v8+s28+$0x1F0 ss:$0x1], $0xffff;
	[tilespmem:v9+s29+$0x0 ss:$0x1] =	vst.idx.msk $0xffff, v18  }
0x12b: {  	v17 =	vshrl.u32 v17, v16;
	v22 =	vshll.u32 v36, v19;
	v18 =	vld.idx.msk [tilespmem:v8+s21+$0x100 ss:$0x1], $0xffff  }
0x12c: {  	v17 =	vand.u32 $0xFFFF, v17;
	v22 =	vand.u32 $0xFFFF0000, v22;
	v41 =	vld.idx.msk [tilespmem:v8+s21+$0x180 ss:$0x1], $0xffff  }
0x12d: {  	v52 =	vshll.u32 v43, v13;
	v43 =	vld.idx.msk [tilespmem:v8+s21+$0x40 ss:$0x1], $0xffff;
	v17 =	vor.u32 v17, v22  }
0x12e: {  	[tilespmem:v9+s18+$0x160 ss:$0x1] =	vst.idx.msk $0xffff, v17;
	v38 =	vld.idx.msk [tilespmem:v8+s21+$0x30 ss:$0x1], $0xffff  }
0x12f: {  	v22 =	vld.idx.msk [tilespmem:v8+s28+$0x360 ss:$0x1], $0xffff;
	v21 =	vshrl.u32 v39, v14;
	v20 =	vshll.u32 v40, v15  }
0x130: {  	v45 =	vand.u32 $0xFFFF, v21;
	v20 =	vand.u32 $0xFFFF0000, v20;
	v21 =	vld.idx.msk [tilespmem:v8+s28+$0x3E0 ss:$0x1], $0xffff  }
0x131: {  	v18 =	vshrl.u32 v18, v14;
	v47 =	vshll.u32 v41, v15;
	v41 =	vld.idx.msk [tilespmem:v8+s21+$0xB0 ss:$0x1], $0xffff;
	v17 =	vor.u32 v45, v20  }
0x132: {  	v48 =	vand.u32 $0xFFFF, v18;
	v49 =	vand.u32 $0xFFFF0000, v47;
	v45 =	vld.idx.msk [tilespmem:v8+s21+$0xC0 ss:$0x1], $0xffff;
	[tilespmem:v9+s18+$0xF0 ss:$0x1] =	vst.idx.msk $0xffff, v17  }
0x133: {  	v51 =	vshrl.u32 v42, v12;
	v17 =	vor.u32 v48, v49;
	v50 =	vld.idx.msk [tilespmem:v8+s28+$0x270 ss:$0x1], $0xffff  }
0x134: {  	v54 =	vand.u32 $0xFFFF, v51;
	v55 =	vand.u32 $0xFFFF0000, v52;
	v53 =	vld.idx.msk [tilespmem:v8+s28+$0x2F0 ss:$0x1], $0xffff;
	[tilespmem:v9+s18+$0x280 ss:$0x1] =	vst.idx.msk $0xffff, v17  }
0x135: {  	v17 =	vor.u32 v54, v55;
	v56 =	vld.idx.msk [tilespmem:v8+s21+$0x200 ss:$0x1], $0xffff  }
0x136: {  	v57 =	vshrl.u32 v44, v12;
	v58 =	vshll.u32 v46, v13;
	v59 =	vld.idx.msk [tilespmem:v8+s21+$0x280 ss:$0x1], $0xffff;
	[tilespmem:v9+s18+$0x210 ss:$0x1] =	vst.idx.msk $0xffff, v17  }
0x137: {  	v60 =	vand.u32 $0xFFFF, v57;
	v61 =	vand.u32 $0xFFFF0000, v58;
	v55 =	vshrl.u32 v43, v12;
	v63 =	vld.idx.msk [tilespmem:v8+s21+$0x190 ss:$0x1], $0xffff  }
0x138: {  	v17 =	vor.u32 v60, v61;
	v57 =	vand.u32 $0xFFFF, v55;
	v55 =	vld.idx.msk [tilespmem:v8+s21+$0x70 ss:$0x1], $0xffff  }
0x139: {  	v62 =	vld.idx.msk [tilespmem:v8+s21+$0x110 ss:$0x1], $0xffff;
	[tilespmem:v9+s18+$0x220 ss:$0x1] =	vst.idx.msk $0xffff, v17  }
0x13a: {  	v34 =	vld.idx.msk [tilespmem:v8+s21+$0x120 ss:$0x1], $0xffff;
	v32 =	vshrl.u32 v50, v16;
	v33 =	vshll.u32 v53, v19  }
0x13b: {  	v35 =	vld.idx.msk [tilespmem:v8+s21+$0x1A0 ss:$0x1], $0xffff;
	v17 =	vand.u32 $0xFFFF, v32;
	v20 =	vand.u32 $0xFFFF0000, v33;
	v36 =	vshrl.u32 v56, v16  }
0x13c: {  	v37 =	vshll.u32 v59, v19;
	v17 =	vor.u32 v17, v20;
	v18 =	vshll.u32 v63, v15;
	v63 =	vld.idx.msk [tilespmem:v8+s21+$0x50 ss:$0x1], $0xffff  }
0x13d: {  	v39 =	vand.u32 $0xFFFF, v36;
	v40 =	vand.u32 $0xFFFF0000, v37;
	v36 =	vld.idx.msk [tilespmem:v8+s21+$0xD0 ss:$0x1], $0xffff;
	[tilespmem:v9+s18+$0x170 ss:$0x1] =	vst.idx.msk $0xffff, v17  }
0x13e: {  	v42 =	vshrl.u32 v62, v14;
	v17 =	vor.u32 v39, v40;
	v26 =	vld.idx.msk [tilespmem:v8+s28+$0x370 ss:$0x1], $0xffff  }
0x13f: {  	v23 =	vshll.u32 v41, v13;
	v44 =	vand.u32 $0xFFFF, v42;
	v18 =	vand.u32 $0xFFFF0000, v18;
	[tilespmem:v9+s18+$0x300 ss:$0x1] =	vst.idx.msk $0xffff, v17;
	v25 =	vld.idx.msk [tilespmem:v8+s28+$0x3F0 ss:$0x1], $0xffff  }
0x140: {  	v46 =	vshrl.u32 v34, v14;
	v47 =	vshll.u32 v35, v15;
	v17 =	vor.u32 v44, v18;
	v27 =	vld.idx.msk [tilespmem:v8+s21+$0x300 ss:$0x1], $0xffff  }
0x141: {  	v50 =	vshrl.u32 v38, v12;
	v48 =	vand.u32 $0xFFFF, v46;
	v49 =	vand.u32 $0xFFFF0000, v47;
	[tilespmem:v9+s18+$0x290 ss:$0x1] =	vst.idx.msk $0xffff, v17;
	v41 =	vld.idx.msk [tilespmem:v8+s21+$0x380 ss:$0x1], $0xffff  }
0x142: {  	v53 =	vand.u32 $0xFFFF0000, v23;
	v52 =	vand.u32 $0xFFFF, v50;
	v17 =	vor.u32 v48, v49;
	v51 =	vld.idx.msk [tilespmem:v8+s21+$0x210 ss:$0x1], $0xffff  }
0x143: {  	v20 =	vshll.u32 v45, v13;
	[tilespmem:v9+s18+$0x2A0 ss:$0x1] =	vst.idx.msk $0xffff, v17;
	v54 =	vld.idx.msk [tilespmem:v8+s21+$0x290 ss:$0x1], $0xffff;
	v17 =	vor.u32 v52, v53  }
0x144: {  	v58 =	vand.u32 $0xFFFF0000, v20;
	v53 =	vld.idx.msk [tilespmem:v8+s21+$0xE0 ss:$0x1], $0xffff;
	[tilespmem:v9+s18+$0x230 ss:$0x1] =	vst.idx.msk $0xffff, v17  }
0x145: {  	v17 =	vor.u32 v57, v58;
	v59 =	vld.idx.msk [tilespmem:v8+s21+$0x130 ss:$0x1], $0xffff  }
0x146: {  	v60 =	vld.idx.msk [tilespmem:v8+s21+$0x1B0 ss:$0x1], $0xffff;
	[tilespmem:v9+s18+$0x240 ss:$0x1] =	vst.idx.msk $0xffff, v17  }
0x147: {  	v17 =	vld.idx.msk [tilespmem:v8+s21+$0x140 ss:$0x1], $0xffff  }
0x148: {  	v61 =	vld.idx.msk [tilespmem:v8+s21+$0x1C0 ss:$0x1], $0xffff  }
0x149: {  	s30 =	sor.u32 $0x2, s17;
	v56 =	vld.idx.msk [tilespmem:v8+s21+$0x220 ss:$0x1], $0xffff;
	v24 =	vshrl.u32 v51, v16;
	v23 =	vshll.u32 v54, v19  }
0x14a: {  	s31 =	sshll.u32 s30, $0x3;
	v62 =	vld.idx.msk [tilespmem:v8+s21+$0x2A0 ss:$0x1], $0xffff;
	v24 =	vand.u32 $0xFFFF, v24;
	v23 =	vand.u32 $0xFFFF0000, v23  }
0x14b: {  	s20 =	sand.u32 $0x3FFFFFF8, s31;
	v58 =	vld.idx.msk [tilespmem:v8+s21+$0xF0 ss:$0x1], $0xffff;
	v23 =	vor.u32 v24, v23;
	v20 =	vshrl.u32 v59, v14;
	v18 =	vshll.u32 v60, v15  }
0x14c: {  	s20 =	sadd.s32 s20, s16;
	v51 =	vld.idx.msk [tilespmem:v8+s21+$0x60 ss:$0x1], $0xffff;
	[tilespmem:v9+s18+$0x310 ss:$0x1] =	vst.idx.msk $0xffff, v23;
	v20 =	vand.u32 $0xFFFF, v20;
	v18 =	vand.u32 $0xFFFF0000, v18  }
0x14d: {  	v17 =	vshrl.u32 v17, v14;
	v38 =	vshll.u32 v61, v15;
	v61 =	vld.msk [tilespmem:s20+$0x0 ss:$0x1], $0xff;
	v18 =	vor.u32 v20, v18  }
0x14e: {  	v35 =	vld.idx.msk [tilespmem:v8+s21+$0x310 ss:$0x1], $0xffff;
	v17 =	vand.u32 $0xFFFF, v17;
	v40 =	vand.u32 $0xFFFF0000, v38;
	[tilespmem:v9+s18+$0x2B0 ss:$0x1] =	vst.idx.msk $0xffff, v18  }
0x14f: {  	v46 =	vshrl.u32 v63, v12;
	v24 =	vshll.u32 v36, v13;
	v17 =	vor.u32 v17, v40;
	v44 =	vld.idx.msk [tilespmem:v8+s21+$0x230 ss:$0x1], $0xffff  }
0x150: {  	v57 =	vshll.u32 v53, v13;
	v24 =	vand.u32 $0xFFFF0000, v24;
	v45 =	vld.idx.msk [tilespmem:v8+s21+$0x2B0 ss:$0x1], $0xffff;
	[tilespmem:v9+s18+$0x2C0 ss:$0x1] =	vst.idx.msk $0xffff, v17;
	v17 =	vand.u32 $0xFFFF, v46  }
0x151: {  	v37 =	vshrl.u32 v56, v16;
	v39 =	vshll.u32 v62, v19;
	v47 =	vld.idx.msk [tilespmem:v8+s21+$0x240 ss:$0x1], $0xffff;
	v17 =	vor.u32 v17, v24  }
0x152: {  	v42 =	vand.u32 $0xFFFF, v37;
	v43 =	vand.u32 $0xFFFF0000, v39;
	v13 =	vshll.u32 v58, v13;
	v48 =	vld.idx.msk [tilespmem:v8+s21+$0x2C0 ss:$0x1], $0xffff;
	[tilespmem:v9+s18+$0x250 ss:$0x1] =	vst.idx.msk $0xffff, v17  }
0x153: {  	v20 =	vor.u32 v42, v43;
	v56 =	vshrl.u32 v51, v12;
	v12 =	vshrl.u32 v55, v12;
	v17 =	vld.idx.msk [tilespmem:v8+s21+$0x150 ss:$0x1], $0xffff  }
0x154: {  	s20 =	sshll.u32 s30, $0xB;
	v13 =	vand.u32 $0xFFFF0000, v13;
	[tilespmem:v9+s18+$0x320 ss:$0x1] =	vst.idx.msk $0xffff, v20;
	v12 =	vand.u32 $0xFFFF, v12;
	v50 =	vld.idx.msk [tilespmem:v8+s21+$0x1D0 ss:$0x1], $0xffff  }
0x155: {  	v33 =	vld.idx.msk [tilespmem:v8+s21+$0x390 ss:$0x1], $0xffff;
	s23 =	sand.u32 $0x3FFFF800, s20;
	v12 =	vor.u32 v12, v13;
	v49 =	vshrl.u32 v44, v16;
	v18 =	vshll.u32 v45, v19  }
0x156: {  	v62 =	vld.idx.msk [tilespmem:v8+s23+$0x0 ss:$0x1], $0xffff;
	[tilespmem:v9+s18+$0x270 ss:$0x1] =	vst.idx.msk $0xffff, v12;
	v24 =	vand.u32 $0xFFFF, v49;
	v18 =	vand.u32 $0xFFFF0000, v18  }
0x157: {  	v63 =	vld.idx.msk [tilespmem:v8+s23+$0x80 ss:$0x1], $0xffff;
	v23 =	vshrl.u32 v47, v16;
	v20 =	vshll.u32 v48, v19;
	v18 =	vor.u32 v24, v18  }
0x158: {  	v31 =	vld.idx.msk [tilespmem:v8+s21+$0x320 ss:$0x1], $0xffff;
	v52 =	vand.u32 $0xFFFF, v23;
	v20 =	vand.u32 $0xFFFF0000, v20;
	[tilespmem:v9+s18+$0x330 ss:$0x1] =	vst.idx.msk $0xffff, v18  }
0x159: {  	v32 =	vld.idx.msk [tilespmem:v8+s21+$0x3A0 ss:$0x1], $0xffff;
	v18 =	vor.u32 v52, v20;
	v17 =	vshrl.u32 v17, v14;
	v54 =	vshll.u32 v50, v15  }
0x15a: {  	v43 =	vld.idx.msk [tilespmem:v8+s21+$0x170 ss:$0x1], $0xffff;
	[tilespmem:v9+s18+$0x340 ss:$0x1] =	vst.idx.msk $0xffff, v18;
	v17 =	vand.u32 $0xFFFF, v17;
	v18 =	vand.u32 $0xFFFF0000, v54  }
0x15b: {  	v47 =	vld.idx.msk [tilespmem:v8+s23+$0x90 ss:$0x1], $0xffff;
	v17 =	vor.u32 v17, v18  }
0x15c: {  	v30 =	vld.idx.msk [tilespmem:v8+s21+$0x330 ss:$0x1], $0xffff;
	[tilespmem:v9+s18+$0x2D0 ss:$0x1] =	vst.idx.msk $0xffff, v17  }
0x15d: {  	v20 =	vand.u32 $0xFFFF0000, v57;
	v17 =	vand.u32 $0xFFFF, v56;
	v59 =	vld.idx.msk [tilespmem:v8+s21+$0x250 ss:$0x1], $0xffff  }
0x15e: {  	v60 =	vld.idx.msk [tilespmem:v8+s21+$0x2D0 ss:$0x1], $0xffff;
	v17 =	vor.u32 v17, v20  }
0x15f: {  	v24 =	vld.idx.msk [tilespmem:v8+s21+$0x3B0 ss:$0x1], $0xffff;
	v20 =	vshll.u32 v61, $0x4;
	[tilespmem:v9+s18+$0x260 ss:$0x1] =	vst.idx.msk $0xffff, v17  }
0x160: {  	v44 =	vperm.xlane v20, v2;
	v17 =	vperm.xlane v20, v1;
	v36 =	vld.idx.msk [tilespmem:v8+s21+$0x160 ss:$0x1], $0xffff  }
0x161: {  	v23 =	vld.idx.msk [tilespmem:v8+s21+$0x340 ss:$0x1], $0xffff  }
0x162: {  	v37 =	vld.idx.msk [tilespmem:v8+s21+$0x1E0 ss:$0x1], $0xffff;
	v18 =	vsub.s32 $0x10, v44;
	v28 =	vshrl.u32 v62, v17;
	v38 =	vshrl.u32 v59, v16  }
0x163: {  	v13 =	vshll.u32 v63, v18;
	v39 =	vshll.u32 v60, v19;
	v40 =	vand.u32 $0xFFFF, v38;
	v38 =	vld.idx.msk [tilespmem:v8+s21+$0x1F0 ss:$0x1], $0xffff  }
0x164: {  	v28 =	vand.u32 $0xFFFF, v28;
	v13 =	vand.u32 $0xFFFF0000, v13;
	v42 =	vand.u32 $0xFFFF0000, v39;
	v39 =	vld.idx.msk [tilespmem:v8+s23+$0x10 ss:$0x1], $0xffff  }
0x165: {  	s19 =	sshrl.u32 s20, $0x1;
	v48 =	vor.u32 v28, v13;
	v45 =	vshrl.u32 v36, v14;
	v36 =	vld.idx.msk [tilespmem:v8+s21+$0x3C0 ss:$0x1], $0xffff  }
0x166: {  	[tilespmem:v9+s19+$0x0 ss:$0x1] =	vst.idx.msk $0xffff, v48;
	v48 =	vld.idx.msk [tilespmem:v8+s23+$0xA0 ss:$0x1], $0xffff  }
0x167: {  	v12 =	vor.u32 v40, v42;
	v37 =	vshll.u32 v37, v15;
	v52 =	vld.idx.msk [tilespmem:v8+s23+$0x100 ss:$0x1], $0xffff  }
0x168: {  	v34 =	vand.u32 $0xFFFF, v45;
	v37 =	vand.u32 $0xFFFF0000, v37;
	[tilespmem:v9+s18+$0x350 ss:$0x1] =	vst.idx.msk $0xffff, v12;
	v53 =	vld.idx.msk [tilespmem:v8+s23+$0x180 ss:$0x1], $0xffff  }
0x169: {  	v56 =	vshll.u32 v47, v18;
	v46 =	vor.u32 v34, v37;
	v37 =	vld.idx.msk [tilespmem:v8+s21+$0x350 ss:$0x1], $0xffff  }
0x16a: {  	v58 =	vperm.xlane v20, v4;
	v59 =	vand.u32 $0xFFFF0000, v56;
	v47 =	vld.idx.msk [tilespmem:v8+s21+$0x3D0 ss:$0x1], $0xffff  }
0x16b: {  	v14 =	vshrl.u32 v43, v14;
	[tilespmem:v9+s18+$0x2E0 ss:$0x1] =	vst.idx.msk $0xffff, v46;
	v46 =	vld.idx.msk [tilespmem:v8+s23+$0x20 ss:$0x1], $0xffff;
	v15 =	vshll.u32 v38, v15  }
0x16c: {  	v50 =	vand.u32 $0xFFFF, v14;
	v14 =	vperm.xlane v20, v3;
	v49 =	vld.idx.msk [tilespmem:v8+s21+$0x260 ss:$0x1], $0xffff;
	v51 =	vand.u32 $0xFFFF0000, v15  }
0x16d: {  	v54 =	vld.idx.msk [tilespmem:v8+s21+$0x2E0 ss:$0x1], $0xffff;
	v55 =	vshrl.u32 v39, v17;
	v15 =	vsub.s32 $0x10, v58;
	v12 =	vor.u32 v50, v51  }
0x16e: {  	v43 =	vshll.u32 v48, v18;
	v48 =	vld.idx.msk [tilespmem:v8+s23+$0x40 ss:$0x1], $0xffff;
	v61 =	vshrl.u32 v52, v14;
	[tilespmem:v9+s18+$0x2F0 ss:$0x1] =	vst.idx.msk $0xffff, v12  }
0x16f: {  	v62 =	vshll.u32 v53, v15;
	v51 =	vperm.xlane v20, v5;
	v12 =	vand.u32 $0xFFFF, v55;
	v57 =	vld.idx.msk [tilespmem:v8+s21+$0x270 ss:$0x1], $0xffff  }
0x170: {  	v13 =	vand.u32 $0xFFFF, v61;
	v28 =	vand.u32 $0xFFFF0000, v62;
	v40 =	vld.idx.msk [tilespmem:v8+s21+$0x2F0 ss:$0x1], $0xffff;
	v12 =	vor.u32 v12, v59  }
0x171: {  	v13 =	vor.u32 v13, v28;
	v28 =	vshrl.u32 v46, v17;
	v46 =	vld.idx.msk [tilespmem:v8+s23+$0xB0 ss:$0x1], $0xffff;
	[tilespmem:v9+s19+$0x10 ss:$0x1] =	vst.idx.msk $0xffff, v12  }
0x172: {  	[tilespmem:v9+s19+$0x80 ss:$0x1] =	vst.idx.msk $0xffff, v13;
	v13 =	vsub.s32 $0x10, v51;
	v51 =	vld.idx.msk [tilespmem:v8+s23+$0xC0 ss:$0x1], $0xffff  }
0x173: {  	v63 =	vld.idx.msk [tilespmem:v8+s23+$0x110 ss:$0x1], $0xffff  }
0x174: {  	v53 =	vand.u32 $0xFFFF0000, v43;
	v28 =	vand.u32 $0xFFFF, v28;
	v45 =	vld.idx.msk [tilespmem:v8+s23+$0x190 ss:$0x1], $0xffff  }
0x175: {  	v60 =	vshrl.u32 v49, v16;
	v38 =	vshll.u32 v54, v19;
	v49 =	vld.idx.msk [tilespmem:v8+s23+$0x200 ss:$0x1], $0xffff;
	v28 =	vor.u32 v28, v53  }
0x176: {  	v12 =	vand.u32 $0xFFFF, v60;
	v38 =	vand.u32 $0xFFFF0000, v38;
	v42 =	vld.idx.msk [tilespmem:v8+s23+$0x280 ss:$0x1], $0xffff;
	[tilespmem:v9+s19+$0x20 ss:$0x1] =	vst.idx.msk $0xffff, v28  }
0x177: {  	v12 =	vor.u32 v12, v38;
	v59 =	vld.idx.msk [tilespmem:v8+s23+$0x120 ss:$0x1], $0xffff;
	v16 =	vshrl.u32 v57, v16;
	v19 =	vshll.u32 v40, v19  }
0x178: {  	[tilespmem:v9+s18+$0x360 ss:$0x1] =	vst.idx.msk $0xffff, v12;
	v60 =	vld.idx.msk [tilespmem:v8+s23+$0x1A0 ss:$0x1], $0xffff;
	v16 =	vand.u32 $0xFFFF, v16;
	v19 =	vand.u32 $0xFFFF0000, v19  }
0x179: {  	v12 =	vperm.xlane v20, v0;
	v50 =	vor.u32 v16, v19;
	v16 =	vld.idx.msk [tilespmem:v8+s21+$0x360 ss:$0x1], $0xffff  }
0x17a: {  	v29 =	vshrl.u32 v63, v14;
	v19 =	vld.idx.msk [tilespmem:v8+s21+$0x3E0 ss:$0x1], $0xffff  }
0x17b: {  	v39 =	vshll.u32 v45, v15;
	v34 =	vshrl.u32 v49, v12;
	v63 =	vld.idx.msk [tilespmem:v8+s23+$0x30 ss:$0x1], $0xffff;
	[tilespmem:v9+s18+$0x370 ss:$0x1] =	vst.idx.msk $0xffff, v50  }
0x17c: {  	v38 =	vshll.u32 v42, v13;
	v29 =	vand.u32 $0xFFFF, v29;
	v52 =	vand.u32 $0xFFFF0000, v39;
	v39 =	vld.idx.msk [tilespmem:v8+s21+$0x370 ss:$0x1], $0xffff  }
0x17d: {  	v55 =	vand.u32 $0xFFFF, v34;
	v56 =	vand.u32 $0xFFFF0000, v38;
	v29 =	vor.u32 v29, v52;
	v40 =	vld.idx.msk [tilespmem:v8+s21+$0x3F0 ss:$0x1], $0xffff  }
0x17e: {  	v58 =	vor.u32 v55, v56;
	v56 =	vld.idx.msk [tilespmem:v8+s23+$0x50 ss:$0x1], $0xffff;
	[tilespmem:v9+s19+$0x90 ss:$0x1] =	vst.idx.msk $0xffff, v29  }
0x17f: {  	v54 =	vld.idx.msk [tilespmem:v8+s23+$0x210 ss:$0x1], $0xffff  }
0x180: {  	v28 =	vshll.u32 v60, v15;
	v29 =	vshrl.u32 v59, v14;
	v57 =	vld.idx.msk [tilespmem:v8+s23+$0x290 ss:$0x1], $0xffff  }
0x181: {  	[tilespmem:v9+s19+$0x100 ss:$0x1] =	vst.idx.msk $0xffff, v58;
	v28 =	vand.u32 $0xFFFF0000, v28;
	v58 =	vld.idx.msk [tilespmem:v8+s23+$0xD0 ss:$0x1], $0xffff;
	v29 =	vand.u32 $0xFFFF, v29  }
0x182: {  	v53 =	vshll.u32 v46, v18;
	v44 =	vld.idx.msk [tilespmem:v8+s23+$0x300 ss:$0x1], $0xffff;
	v28 =	vor.u32 v29, v28;
	v52 =	vshrl.u32 v63, v17  }
0x183: {  	v43 =	vand.u32 $0xFFFF0000, v53;
	v38 =	vld.idx.msk [tilespmem:v8+s23+$0x380 ss:$0x1], $0xffff;
	[tilespmem:v9+s19+$0xA0 ss:$0x1] =	vst.idx.msk $0xffff, v28;
	v29 =	vand.u32 $0xFFFF, v52  }
0x184: {  	v28 =	vld.idx.msk [tilespmem:v8+s23+$0x220 ss:$0x1], $0xffff;
	v29 =	vor.u32 v29, v43  }
0x185: {  	[tilespmem:v9+s19+$0x30 ss:$0x1] =	vst.idx.msk $0xffff, v29;
	v61 =	vshrl.u32 v54, v12;
	v62 =	vshll.u32 v57, v13;
	v54 =	vld.idx.msk [tilespmem:v8+s23+$0x2A0 ss:$0x1], $0xffff  }
0x186: {  	v49 =	vld.idx.msk [tilespmem:v8+s23+$0x130 ss:$0x1], $0xffff;
	v34 =	vand.u32 $0xFFFF, v61;
	v42 =	vand.u32 $0xFFFF0000, v62  }
0x187: {  	v59 =	vld.idx.msk [tilespmem:v8+s23+$0x1B0 ss:$0x1], $0xffff;
	v34 =	vor.u32 v34, v42  }
0x188: {  	v55 =	vshrl.u32 v48, v17;
	v63 =	vld.idx.msk [tilespmem:v8+s23+$0x60 ss:$0x1], $0xffff;
	[tilespmem:v9+s19+$0x110 ss:$0x1] =	vst.idx.msk $0xffff, v34;
	v34 =	vshll.u32 v51, v18  }
0x189: {  	v57 =	vand.u32 $0xFFFF, v55;
	v51 =	vld.idx.msk [tilespmem:v8+s23+$0xE0 ss:$0x1], $0xffff;
	v34 =	vand.u32 $0xFFFF0000, v34  }
0x18a: {  	v28 =	vshrl.u32 v28, v12;
	v45 =	vld.idx.msk [tilespmem:v8+s23+$0x310 ss:$0x1], $0xffff;
	v29 =	vor.u32 v57, v34;
	v60 =	vshll.u32 v54, v13  }
0x18b: {  	v43 =	vshll.u32 v58, v18;
	v42 =	vld.idx.msk [tilespmem:v8+s23+$0x390 ss:$0x1], $0xffff;
	v28 =	vand.u32 $0xFFFF, v28;
	[tilespmem:v9+s19+$0x40 ss:$0x1] =	vst.idx.msk $0xffff, v29;
	v29 =	vand.u32 $0xFFFF0000, v60  }
0x18c: {  	v49 =	vshrl.u32 v49, v14;
	v34 =	vshll.u32 v59, v15;
	v61 =	vld.idx.msk [tilespmem:v8+s23+$0x140 ss:$0x1], $0xffff;
	v28 =	vor.u32 v28, v29  }
0x18d: {  	v62 =	vshrl.u32 v56, v17;
	v49 =	vand.u32 $0xFFFF, v49;
	v34 =	vand.u32 $0xFFFF0000, v34;
	v50 =	vld.idx.msk [tilespmem:v8+s23+$0x1C0 ss:$0x1], $0xffff;
	[tilespmem:v9+s19+$0x120 ss:$0x1] =	vst.idx.msk $0xffff, v28  }
0x18e: {  	v43 =	vand.u32 $0xFFFF0000, v43;
	v29 =	vand.u32 $0xFFFF, v62;
	v34 =	vor.u32 v49, v34;
	v28 =	vld.idx.msk [tilespmem:v8+s23+$0x320 ss:$0x1], $0xffff  }
0x18f: {  	v43 =	vor.u32 v29, v43;
	[tilespmem:v9+s19+$0xB0 ss:$0x1] =	vst.idx.msk $0xffff, v34;
	v29 =	vld.idx.msk [tilespmem:v8+s23+$0x3A0 ss:$0x1], $0xffff  }
0x190: {  	[tilespmem:v9+s19+$0x50 ss:$0x1] =	vst.idx.msk $0xffff, v43;
	v60 =	vld.idx.msk [tilespmem:v8+s23+$0x2B0 ss:$0x1], $0xffff  }
0x191: {  	v57 =	vld.idx.msk [tilespmem:v8+s23+$0x150 ss:$0x1], $0xffff  }
0x192: {  	v55 =	vshrl.u32 v61, v14;
	v56 =	vshll.u32 v50, v15;
	v50 =	vld.idx.msk [tilespmem:v8+s23+$0x230 ss:$0x1], $0xffff  }
0x193: {  	v53 =	vand.u32 $0xFFFF, v55;
	v54 =	vand.u32 $0xFFFF0000, v56;
	v55 =	vld.idx.msk [tilespmem:v8+s23+$0x1D0 ss:$0x1], $0xffff  }
0x194: {  	v58 =	vshrl.u32 v63, v17;
	v59 =	vshll.u32 v51, v18;
	v34 =	vor.u32 v53, v54;
	v53 =	vld.idx.msk [tilespmem:v8+s23+$0x70 ss:$0x1], $0xffff  }
0x195: {  	v62 =	vand.u32 $0xFFFF0000, v59;
	v61 =	vand.u32 $0xFFFF, v58;
	v51 =	vshll.u32 v60, v13;
	v60 =	vld.idx.msk [tilespmem:v8+s23+$0xF0 ss:$0x1], $0xffff;
	[tilespmem:v9+s19+$0xC0 ss:$0x1] =	vst.idx.msk $0xffff, v34  }
0x196: {  	v22 =	vshrl.u32 v22, v10;
	v34 =	vor.u32 v61, v62;
	v63 =	vld.idx.msk [tilespmem:v8+s23+$0x240 ss:$0x1], $0xffff  }
0x197: {  	v21 =	vshll.u32 v21, v11;
	v57 =	vshrl.u32 v57, v14;
	v56 =	vld.idx.msk [tilespmem:v8+s23+$0x2C0 ss:$0x1], $0xffff;
	[tilespmem:v9+s19+$0x60 ss:$0x1] =	vst.idx.msk $0xffff, v34  }
0x198: {  	v59 =	vand.u32 $0xFFFF0000, v51;
	v49 =	vld.idx.msk [tilespmem:v8+s23+$0x160 ss:$0x1], $0xffff;
	v50 =	vshrl.u32 v50, v12;
	v46 =	vshll.u32 v55, v15  }
0x199: {  	s22 =	sor.u32 $0x400, s20;
	v34 =	vand.u32 $0xFFFF, v57;
	v52 =	vld.idx.msk [tilespmem:v8+s23+$0x1E0 ss:$0x1], $0xffff;
	v58 =	vand.u32 $0xFFFF, v50;
	v46 =	vand.u32 $0xFFFF0000, v46  }
0x19a: {  	v61 =	vor.u32 v58, v59;
	v58 =	vshrl.u32 v53, v17;
	v51 =	vshll.u32 v60, v18;
	v53 =	vld.idx.msk [tilespmem:v8+s22+$0x0 ss:$0x1], $0xffff  }
0x19b: {  	v21 =	vand.u32 $0xFFFF0000, v21;
	v34 =	vor.u32 v34, v46;
	[tilespmem:v9+s19+$0x130 ss:$0x1] =	vst.idx.msk $0xffff, v61;
	v60 =	vand.u32 $0xFFFF, v58;
	v58 =	vld.idx.msk [tilespmem:v8+s22+$0x80 ss:$0x1], $0xffff  }
0x19c: {  	v26 =	vshrl.u32 v26, v10;
	[tilespmem:v9+s19+$0xD0 ss:$0x1] =	vst.idx.msk $0xffff, v34;
	v62 =	vshrl.u32 v63, v12;
	v46 =	vld.idx.msk [tilespmem:v8+s23+$0x330 ss:$0x1], $0xffff  }
0x19d: {  	v25 =	vshll.u32 v25, v11;
	v43 =	vshll.u32 v56, v13;
	v63 =	vld.idx.msk [tilespmem:v8+s23+$0x250 ss:$0x1], $0xffff;
	v56 =	vand.u32 $0xFFFF, v62  }
0x19e: {  	v43 =	vand.u32 $0xFFFF0000, v43;
	v57 =	vld.idx.msk [tilespmem:v8+s23+$0x2D0 ss:$0x1], $0xffff;
	v49 =	vshrl.u32 v49, v14;
	v52 =	vshll.u32 v52, v15  }
0x19f: {  	v34 =	vor.u32 v56, v43;
	v43 =	vld.idx.msk [tilespmem:v8+s23+$0x3B0 ss:$0x1], $0xffff;
	v49 =	vand.u32 $0xFFFF, v49;
	v52 =	vand.u32 $0xFFFF0000, v52  }
0x1a0: {  	v26 =	vand.u32 $0xFFFF, v26;
	v27 =	vshrl.u32 v27, v10;
	v56 =	vld.idx.msk [tilespmem:v8+s22+$0xA0 ss:$0x1], $0xffff;
	v49 =	vor.u32 v49, v52  }
0x1a1: {  	v41 =	vshll.u32 v41, v11;
	v27 =	vand.u32 $0xFFFF, v27;
	v51 =	vand.u32 $0xFFFF0000, v51;
	v52 =	vld.idx.msk [tilespmem:v8+s22+$0x90 ss:$0x1], $0xffff;
	[tilespmem:v9+s19+$0xE0 ss:$0x1] =	vst.idx.msk $0xffff, v49  }
0x1a2: {  	v41 =	vand.u32 $0xFFFF0000, v41;
	v33 =	vshll.u32 v33, v11;
	v49 =	vor.u32 v60, v51;
	v61 =	vld.idx.msk [tilespmem:v8+s23+$0x260 ss:$0x1], $0xffff  }
0x1a3: {  	v25 =	vand.u32 $0xFFFF0000, v25;
	v41 =	vor.u32 v27, v41;
	v33 =	vand.u32 $0xFFFF0000, v33;
	v62 =	vld.idx.msk [tilespmem:v8+s23+$0x2E0 ss:$0x1], $0xffff;
	[tilespmem:v9+s19+$0x70 ss:$0x1] =	vst.idx.msk $0xffff, v49  }
0x1a4: {  	v31 =	vshrl.u32 v31, v10;
	v32 =	vshll.u32 v32, v11;
	v54 =	vor.u32 v26, v25;
	v49 =	vld.idx.msk [tilespmem:v8+s23+$0x170 ss:$0x1], $0xffff  }
0x1a5: {  	[tilespmem:v9+s19+$0x140 ss:$0x1] =	vst.idx.msk $0xffff, v34;
	v48 =	vshrl.u32 v63, v12;
	v50 =	vshll.u32 v57, v13;
	v63 =	vld.idx.msk [tilespmem:v8+s23+$0x1F0 ss:$0x1], $0xffff  }
0x1a6: {  	v59 =	vand.u32 $0xFFFF, v22;
	v34 =	vld.idx.msk [tilespmem:v8+s23+$0x340 ss:$0x1], $0xffff;
	v48 =	vand.u32 $0xFFFF, v48;
	v50 =	vand.u32 $0xFFFF0000, v50  }
0x1a7: {  	v22 =	vld.idx.msk [tilespmem:v8+s23+$0x3C0 ss:$0x1], $0xffff;
	v27 =	vshll.u32 v58, v18;
	v48 =	vor.u32 v48, v50;
	v50 =	vor.u32 v59, v21  }
0x1a8: {  	v27 =	vand.u32 $0xFFFF0000, v27;
	[tilespmem:v9+s19+$0x150 ss:$0x1] =	vst.idx.msk $0xffff, v48;
	v57 =	vshrl.u32 v61, v12;
	v60 =	vshll.u32 v62, v13  }
0x1a9: {  	v59 =	vshrl.u32 v35, v10;
	v21 =	vld.idx.msk [tilespmem:v8+s23+$0x350 ss:$0x1], $0xffff;
	v25 =	vand.u32 $0xFFFF, v57;
	v35 =	vand.u32 $0xFFFF0000, v60  }
0x1aa: {  	v61 =	vld.idx.msk [tilespmem:v8+s22+$0x10 ss:$0x1], $0xffff;
	v49 =	vshrl.u32 v49, v14;
	v48 =	vshll.u32 v63, v15;
	v57 =	vshrl.u32 v53, v17  }
0x1ab: {  	v26 =	vld.idx.msk [tilespmem:v8+s23+$0x3D0 ss:$0x1], $0xffff;
	v25 =	vor.u32 v25, v35;
	v62 =	vand.u32 $0xFFFF, v49;
	v48 =	vand.u32 $0xFFFF0000, v48  }
0x1ac: {  	v55 =	vand.u32 $0xFFFF, v59;
	v63 =	vld.idx.msk [tilespmem:v8+s22+$0x20 ss:$0x1], $0xffff;
	v59 =	vand.u32 $0xFFFF, v57;
	v48 =	vor.u32 v62, v48;
	[tilespmem:v9+s19+$0x160 ss:$0x1] =	vst.idx.msk $0xffff, v25  }
0x1ad: {  	s24 =	sshrl.u32 s22, $0x1;
	v33 =	vor.u32 v55, v33;
	v55 =	vld.idx.msk [tilespmem:v8+s22+$0x40 ss:$0x1], $0xffff;
	v25 =	vor.u32 v59, v27;
	[tilespmem:v9+s19+$0xF0 ss:$0x1] =	vst.idx.msk $0xffff, v48  }
0x1ae: {  	v31 =	vand.u32 $0xFFFF, v31;
	v32 =	vand.u32 $0xFFFF0000, v32;
	[tilespmem:v9+s24+$0x0 ss:$0x1] =	vst.idx.msk $0xffff, v25;
	v25 =	vld.idx.msk [tilespmem:v8+s23+$0x360 ss:$0x1], $0xffff  }
0x1af: {  	v32 =	vor.u32 v31, v32;
	v24 =	vshll.u32 v24, v11;
	v58 =	vld.idx.msk [tilespmem:v8+s23+$0x270 ss:$0x1], $0xffff  }
0x1b0: {  	v24 =	vand.u32 $0xFFFF0000, v24;
	v62 =	vshll.u32 v52, v18;
	v60 =	vld.idx.msk [tilespmem:v8+s23+$0x2F0 ss:$0x1], $0xffff;
	v61 =	vshrl.u32 v61, v17  }
0x1b1: {  	[tilespmem:v9+s18+$0x380 ss:$0x1] =	vst.idx.msk $0xffff, v41;
	v51 =	vand.u32 $0xFFFF0000, v62;
	v48 =	vand.u32 $0xFFFF, v61;
	v49 =	vshrl.u32 v63, v17;
	v63 =	vld.idx.msk [tilespmem:v8+s22+$0x180 ss:$0x1], $0xffff  }
0x1b2: {  	v35 =	vshll.u32 v56, v18;
	v61 =	vshrl.u32 v30, v10;
	v30 =	vld.idx.msk [tilespmem:v8+s23+$0x3E0 ss:$0x1], $0xffff;
	v48 =	vor.u32 v48, v51  }
0x1b3: {  	v23 =	vshrl.u32 v23, v10;
	v35 =	vand.u32 $0xFFFF0000, v35;
	v51 =	vld.idx.msk [tilespmem:v8+s22+$0x100 ss:$0x1], $0xffff;
	v49 =	vand.u32 $0xFFFF, v49;
	[tilespmem:v9+s19+$0x210 ss:$0x1] =	vst.idx.msk $0xffff, v48  }
0x1b4: {  	v36 =	vshll.u32 v36, v11;
	v37 =	vshrl.u32 v37, v10;
	v35 =	vor.u32 v49, v35;
	v56 =	vld.idx.msk [tilespmem:v8+s22+$0x110 ss:$0x1], $0xffff  }
0x1b5: {  	v23 =	vand.u32 $0xFFFF, v23;
	v31 =	vand.u32 $0xFFFF, v61;
	[tilespmem:v9+s19+$0x220 ss:$0x1] =	vst.idx.msk $0xffff, v35;
	v57 =	vshrl.u32 v58, v12;
	v58 =	vld.idx.msk [tilespmem:v8+s22+$0x190 ss:$0x1], $0xffff  }
0x1b6: {  	[tilespmem:v9+s18+$0x1E0 ss:$0x1] =	vst.idx.msk $0xffff, v50;
	v53 =	vor.u32 v31, v24;
	v27 =	vshll.u32 v60, v13;
	v60 =	vld.idx.msk [tilespmem:v8+s22+$0x120 ss:$0x1], $0xffff  }
0x1b7: {  	v47 =	vshll.u32 v47, v11;
	[tilespmem:v9+s18+$0x3B0 ss:$0x1] =	vst.idx.msk $0xffff, v53;
	v62 =	vld.idx.msk [tilespmem:v8+s22+$0x1A0 ss:$0x1], $0xffff;
	v59 =	vand.u32 $0xFFFF, v57;
	v27 =	vand.u32 $0xFFFF0000, v27  }
0x1b8: {  	v53 =	vld.idx.msk [tilespmem:v8+s22+$0xD0 ss:$0x1], $0xffff;
	v48 =	vshll.u32 v63, v15;
	v27 =	vor.u32 v59, v27;
	v51 =	vshrl.u32 v51, v14  }
0x1b9: {  	v16 =	vshrl.u32 v16, v10;
	v63 =	vld.idx.msk [tilespmem:v8+s22+$0x30 ss:$0x1], $0xffff;
	v48 =	vand.u32 $0xFFFF0000, v48;
	[tilespmem:v9+s19+$0x170 ss:$0x1] =	vst.idx.msk $0xffff, v27;
	v51 =	vand.u32 $0xFFFF, v51  }
0x1ba: {  	v57 =	vld.idx.msk [tilespmem:v8+s22+$0xB0 ss:$0x1], $0xffff;
	v48 =	vor.u32 v51, v48;
	v49 =	vshrl.u32 v56, v14;
	v35 =	vshll.u32 v58, v15  }
0x1bb: {  	v19 =	vshll.u32 v19, v11;
	v27 =	vld.idx.msk [tilespmem:v8+s23+$0x370 ss:$0x1], $0xffff;
	[tilespmem:v9+s19+$0x280 ss:$0x1] =	vst.idx.msk $0xffff, v48;
	v56 =	vand.u32 $0xFFFF, v49;
	v35 =	vand.u32 $0xFFFF0000, v35  }
0x1bc: {  	v52 =	vshrl.u32 v60, v14;
	v50 =	vshll.u32 v62, v15;
	v58 =	vld.idx.msk [tilespmem:v8+s22+$0x200 ss:$0x1], $0xffff;
	v35 =	vor.u32 v56, v35  }
0x1bd: {  	v16 =	vand.u32 $0xFFFF, v16;
	v59 =	vld.idx.msk [tilespmem:v8+s22+$0x280 ss:$0x1], $0xffff;
	v52 =	vand.u32 $0xFFFF, v52;
	v50 =	vand.u32 $0xFFFF0000, v50;
	[tilespmem:v9+s19+$0x290 ss:$0x1] =	vst.idx.msk $0xffff, v35  }
0x1be: {  	v11 =	vshll.u32 v40, v11;
	[tilespmem:v9+s18+$0x1F0 ss:$0x1] =	vst.idx.msk $0xffff, v54;
	v50 =	vor.u32 v52, v50;
	v60 =	vld.idx.msk [tilespmem:v8+s22+$0x210 ss:$0x1], $0xffff  }
0x1bf: {  	v11 =	vand.u32 $0xFFFF0000, v11;
	v10 =	vshrl.u32 v39, v10;
	v61 =	vand.u32 $0xFFFF0000, v36;
	[tilespmem:v9+s19+$0x2A0 ss:$0x1] =	vst.idx.msk $0xffff, v50;
	v62 =	vld.idx.msk [tilespmem:v8+s22+$0x290 ss:$0x1], $0xffff  }
0x1c0: {  	v63 =	vshrl.u32 v63, v17;
	v51 =	vshll.u32 v57, v18;
	v50 =	vor.u32 v23, v61;
	v23 =	vld.idx.msk [tilespmem:v8+s22+$0x220 ss:$0x1], $0xffff  }
0x1c1: {  	[tilespmem:v9+s18+$0x390 ss:$0x1] =	vst.idx.msk $0xffff, v33;
	v10 =	vand.u32 $0xFFFF, v10;
	v24 =	vand.u32 $0xFFFF, v63;
	v36 =	vand.u32 $0xFFFF0000, v51;
	v54 =	vld.idx.msk [tilespmem:v8+s22+$0x2A0 ss:$0x1], $0xffff  }
0x1c2: {  	v24 =	vor.u32 v24, v36;
	v48 =	vshrl.u32 v58, v12;
	v57 =	vshll.u32 v59, v13;
	v58 =	vld.idx.msk [tilespmem:v8+s22+$0xC0 ss:$0x1], $0xffff  }
0x1c3: {  	v10 =	vor.u32 v10, v11;
	v35 =	vld.idx.msk [tilespmem:v8+s23+$0x3F0 ss:$0x1], $0xffff;
	[tilespmem:v9+s19+$0x230 ss:$0x1] =	vst.idx.msk $0xffff, v24;
	v56 =	vand.u32 $0xFFFF, v48;
	v48 =	vand.u32 $0xFFFF0000, v57  }
0x1c4: {  	v63 =	vld.idx.msk [tilespmem:v8+s22+$0x1B0 ss:$0x1], $0xffff;
	v59 =	vshrl.u32 v60, v12;
	v31 =	vshll.u32 v62, v13;
	v60 =	vor.u32 v56, v48  }
0x1c5: {  	v49 =	vshrl.u32 v55, v17;
	v62 =	vld.idx.msk [tilespmem:v8+s22+$0x130 ss:$0x1], $0xffff;
	v61 =	vand.u32 $0xFFFF, v59;
	v31 =	vand.u32 $0xFFFF0000, v31;
	[tilespmem:v9+s19+$0x300 ss:$0x1] =	vst.idx.msk $0xffff, v60  }
0x1c6: {  	v23 =	vshrl.u32 v23, v12;
	v41 =	vshll.u32 v54, v13;
	v31 =	vor.u32 v61, v31;
	v36 =	vld.idx.msk [tilespmem:v8+s22+$0x300 ss:$0x1], $0xffff  }
0x1c7: {  	v23 =	vand.u32 $0xFFFF, v23;
	v33 =	vand.u32 $0xFFFF0000, v41;
	v24 =	vshll.u32 v58, v18;
	[tilespmem:v9+s19+$0x310 ss:$0x1] =	vst.idx.msk $0xffff, v31;
	v31 =	vld.idx.msk [tilespmem:v8+s22+$0x380 ss:$0x1], $0xffff  }
0x1c8: {  	[tilespmem:v9+s18+$0x3A0 ss:$0x1] =	vst.idx.msk $0xffff, v32;
	v52 =	vand.u32 $0xFFFF, v49;
	v23 =	vor.u32 v23, v33;
	v24 =	vand.u32 $0xFFFF0000, v24;
	v32 =	vld.idx.msk [tilespmem:v8+s22+$0x310 ss:$0x1], $0xffff  }
0x1c9: {  	v55 =	vand.u32 $0xFFFF0000, v47;
	v54 =	vand.u32 $0xFFFF, v37;
	[tilespmem:v9+s19+$0x320 ss:$0x1] =	vst.idx.msk $0xffff, v23;
	v24 =	vor.u32 v52, v24;
	v33 =	vld.idx.msk [tilespmem:v8+s22+$0x390 ss:$0x1], $0xffff  }
0x1ca: {  	v57 =	vshll.u32 v63, v15;
	v23 =	vld.idx.msk [tilespmem:v8+s22+$0x3A0 ss:$0x1], $0xffff;
	[tilespmem:v9+s19+$0x240 ss:$0x1] =	vst.idx.msk $0xffff, v24;
	v56 =	vshrl.u32 v62, v14  }
0x1cb: {  	v62 =	vand.u32 $0xFFFF0000, v19;
	v19 =	vperm.xlane v20, v6;
	v20 =	vperm.xlane v20, v7;
	v60 =	vld.idx.msk [tilespmem:v8+s22+$0x140 ss:$0x1], $0xffff  }
0x1cc: {  	[tilespmem:v9+s18+$0x3F0 ss:$0x1] =	vst.idx.msk $0xffff, v10;
	v37 =	vor.u32 v54, v55;
	v59 =	vand.u32 $0xFFFF0000, v57;
	v58 =	vand.u32 $0xFFFF, v56;
	v61 =	vld.idx.msk [tilespmem:v8+s22+$0x1C0 ss:$0x1], $0xffff  }
0x1cd: {  	v52 =	vld.idx.msk [tilespmem:v8+s22+$0x50 ss:$0x1], $0xffff;
	v40 =	vor.u32 v16, v62;
	v41 =	vor.u32 v58, v59;
	v16 =	vsub.s32 $0x10, v20  }
0x1ce: {  	v24 =	vld.idx.msk [tilespmem:v8+s22+$0x320 ss:$0x1], $0xffff;
	v11 =	vshrl.u32 v44, v19;
	v45 =	vshrl.u32 v45, v19;
	v20 =	vshll.u32 v53, v18  }
0x1cf: {  	s25 =	sor.u32 $0x3, s17;
	v56 =	vld.idx.msk [tilespmem:v8+s22+$0x60 ss:$0x1], $0xffff;
	v28 =	vshrl.u32 v28, v19;
	v48 =	vshrl.u32 v34, v19;
	[tilespmem:v9+s19+$0x2B0 ss:$0x1] =	vst.idx.msk $0xffff, v41  }
0x1d0: {  	s26 =	sshll.u32 s25, $0x3;
	v21 =	vshrl.u32 v21, v19;
	v25 =	vshrl.u32 v25, v19;
	v11 =	vand.u32 $0xFFFF, v11;
	v63 =	vld.idx.msk [tilespmem:v8+s22+$0x230 ss:$0x1], $0xffff  }
0x1d1: {  	s21 =	sand.u32 $0x3FFFFFF8, s26;
	v57 =	vshll.u32 v38, v16;
	v54 =	vshrl.u32 v60, v14;
	v55 =	vshll.u32 v61, v15;
	v60 =	vld.idx.msk [tilespmem:v8+s22+$0xE0 ss:$0x1], $0xffff  }
0x1d2: {  	s21 =	sadd.s32 s21, s16;
	s23 =	sshll.u32 s25, $0xB;
	[tilespmem:v9+s18+$0x3D0 ss:$0x1] =	vst.idx.msk $0xffff, v37;
	v37 =	vand.u32 $0xFFFF0000, v57;
	v61 =	vld.idx.msk [tilespmem:v8+s22+$0x2B0 ss:$0x1], $0xffff;
	v58 =	vand.u32 $0xFFFF, v54;
	v59 =	vand.u32 $0xFFFF0000, v55  }
0x1d3: {  	s20 =	sor.u32 $0x400, s23;
	v42 =	vshll.u32 v42, v16;
	v44 =	vor.u32 v11, v37;
	v11 =	vld.msk [tilespmem:s21+$0x0 ss:$0x1], $0xff;
	v38 =	vor.u32 v58, v59  }
0x1d4: {  	v20 =	vand.u32 $0xFFFF0000, v20;
	v41 =	vshrl.u32 v52, v17;
	v55 =	vld.idx.msk [tilespmem:v8+s20+$0x0 ss:$0x1], $0xffff;
	[tilespmem:v9+s19+$0x2C0 ss:$0x1] =	vst.idx.msk $0xffff, v38  }
0x1d5: {  	v41 =	vand.u32 $0xFFFF, v41;
	v53 =	vshrl.u32 v56, v17;
	v62 =	vshrl.u32 v63, v12;
	v63 =	vld.idx.msk [tilespmem:v8+s22+$0x240 ss:$0x1], $0xffff  }
0x1d6: {  	v20 =	vor.u32 v41, v20;
	v57 =	vand.u32 $0xFFFF, v53;
	v52 =	vld.idx.msk [tilespmem:v8+s22+$0x2C0 ss:$0x1], $0xffff;
	v54 =	vshll.u32 v60, v18  }
0x1d7: {  	[tilespmem:v9+s19+$0x250 ss:$0x1] =	vst.idx.msk $0xffff, v20;
	v59 =	vld.idx.msk [tilespmem:v8+s20+$0x80 ss:$0x1], $0xffff;
	v38 =	vand.u32 $0xFFFF, v62;
	v56 =	vshll.u32 v61, v13;
	v58 =	vand.u32 $0xFFFF0000, v54  }
0x1d8: {  	[tilespmem:v9+s18+$0x3E0 ss:$0x1] =	vst.idx.msk $0xffff, v40;
	v20 =	vshll.u32 v11, $0x4;
	v60 =	vld.idx.msk [tilespmem:v8+s22+$0x150 ss:$0x1], $0xffff;
	v10 =	vand.u32 $0xFFFF0000, v56;
	v41 =	vor.u32 v57, v58  }
0x1d9: {  	v61 =	vld.idx.msk [tilespmem:v8+s22+$0x1D0 ss:$0x1], $0xffff;
	v62 =	vperm.xlane v20, v2;
	v11 =	vor.u32 v38, v10;
	[tilespmem:v9+s19+$0x260 ss:$0x1] =	vst.idx.msk $0xffff, v41  }
0x1da: {  	v29 =	vshll.u32 v29, v16;
	v37 =	vand.u32 $0xFFFF, v45;
	v10 =	vperm.xlane v20, v1;
	[tilespmem:v9+s19+$0x330 ss:$0x1] =	vst.idx.msk $0xffff, v11  }
0x1db: {  	v11 =	vsub.s32 $0x10, v62;
	v39 =	vshrl.u32 v63, v12;
	v40 =	vshll.u32 v52, v13;
	v41 =	vld.idx.msk [tilespmem:v8+s22+$0x160 ss:$0x1], $0xffff  }
0x1dc: {  	v63 =	vld.idx.msk [tilespmem:v8+s22+$0x1E0 ss:$0x1], $0xffff;
	v53 =	vshrl.u32 v55, v10;
	v45 =	vshll.u32 v59, v11;
	v39 =	vand.u32 $0xFFFF, v39  }
0x1dd: {  	v52 =	vld.idx.msk [tilespmem:v8+s22+$0x70 ss:$0x1], $0xffff;
	v40 =	vand.u32 $0xFFFF0000, v40;
	v55 =	vand.u32 $0xFFFF, v53;
	v56 =	vand.u32 $0xFFFF0000, v45  }
0x1de: {  	v54 =	vld.idx.msk [tilespmem:v8+s22+$0xF0 ss:$0x1], $0xffff;
	v57 =	vshrl.u32 v60, v14;
	v58 =	vshll.u32 v61, v15;
	v51 =	vor.u32 v39, v40  }
0x1df: {  	[tilespmem:v9+s18+$0x3C0 ss:$0x1] =	vst.idx.msk $0xffff, v50;
	s29 =	sand.u32 $0x3FFFF800, s23;
	s28 =	sshrl.u32 s20, $0x1;
	v38 =	vld.idx.msk [tilespmem:v8+s22+$0x330 ss:$0x1], $0xffff;
	v40 =	vor.u32 v55, v56;
	v59 =	vand.u32 $0xFFFF, v57;
	v60 =	vand.u32 $0xFFFF0000, v58  }
0x1e0: {  	v42 =	vand.u32 $0xFFFF0000, v42;
	v61 =	vld.idx.msk [tilespmem:v8+s29+$0x0 ss:$0x1], $0xffff;
	[tilespmem:v9+s28+$0x0 ss:$0x1] =	vst.idx.msk $0xffff, v40;
	v40 =	vor.u32 v59, v60  }
0x1e1: {  	v42 =	vor.u32 v37, v42;
	[tilespmem:v9+s19+$0x2D0 ss:$0x1] =	vst.idx.msk $0xffff, v40;
	v62 =	vshll.u32 v63, v15;
	v63 =	vld.idx.msk [tilespmem:v8+s29+$0x80 ss:$0x1], $0xffff  }
0x1e2: {  	v53 =	vshrl.u32 v46, v19;
	v41 =	vshrl.u32 v41, v14;
	v39 =	vshrl.u32 v52, v17;
	v52 =	vld.idx.msk [tilespmem:v8+s22+$0x250 ss:$0x1], $0xffff  }
0x1e3: {  	v18 =	vshll.u32 v54, v18;
	[tilespmem:v9+s19+$0x340 ss:$0x1] =	vst.idx.msk $0xffff, v51;
	v54 =	vld.idx.msk [tilespmem:v8+s22+$0x2D0 ss:$0x1], $0xffff;
	v50 =	vand.u32 $0xFFFF, v41;
	v51 =	vand.u32 $0xFFFF0000, v62  }
0x1e4: {  	v37 =	vld.idx.msk [tilespmem:v8+s22+$0x3B0 ss:$0x1], $0xffff;
	v18 =	vand.u32 $0xFFFF0000, v18;
	v39 =	vand.u32 $0xFFFF, v39;
	v40 =	vor.u32 v50, v51  }
0x1e5: {  	v57 =	vshll.u32 v43, v16;
	v17 =	vld.idx.msk [tilespmem:v8+s22+$0x340 ss:$0x1], $0xffff;
	v18 =	vor.u32 v39, v18;
	[tilespmem:v9+s19+$0x2E0 ss:$0x1] =	vst.idx.msk $0xffff, v40  }
0x1e6: {  	v55 =	vand.u32 $0xFFFF, v53;
	v45 =	vshrl.u32 v61, v10;
	[tilespmem:v9+s19+$0x270 ss:$0x1] =	vst.idx.msk $0xffff, v18;
	v18 =	vand.u32 $0xFFFF0000, v57;
	v56 =	vld.idx.msk [tilespmem:v8+s22+$0x260 ss:$0x1], $0xffff  }
0x1e7: {  	v45 =	vand.u32 $0xFFFF, v45;
	v58 =	vld.idx.msk [tilespmem:v8+s22+$0x170 ss:$0x1], $0xffff;
	v61 =	vor.u32 v55, v18;
	v59 =	vshll.u32 v63, v11  }
0x1e8: {  	v60 =	vld.idx.msk [tilespmem:v8+s22+$0x1F0 ss:$0x1], $0xffff;
	v41 =	vshrl.u32 v52, v12;
	v40 =	vshll.u32 v54, v13;
	v46 =	vand.u32 $0xFFFF0000, v59  }
0x1e9: {  	s30 =	sshrl.u32 s23, $0x1;
	v18 =	vld.idx.msk [tilespmem:v8+s22+$0x3C0 ss:$0x1], $0xffff;
	v49 =	vand.u32 $0xFFFF, v41;
	v50 =	vand.u32 $0xFFFF0000, v40;
	v62 =	vor.u32 v45, v46  }
0x1ea: {  	v28 =	vand.u32 $0xFFFF, v28;
	v29 =	vand.u32 $0xFFFF0000, v29;
	v63 =	vld.idx.msk [tilespmem:v8+s22+$0x2E0 ss:$0x1], $0xffff;
	v53 =	vor.u32 v49, v50;
	[tilespmem:v9+s30+$0x0 ss:$0x1] =	vst.idx.msk $0xffff, v62  }
0x1eb: {  	v27 =	vshrl.u32 v27, v19;
	v28 =	vor.u32 v28, v29;
	[tilespmem:v9+s19+$0x350 ss:$0x1] =	vst.idx.msk $0xffff, v53;
	v53 =	vld.idx.msk [tilespmem:v8+s29+$0xA0 ss:$0x1], $0xffff  }
0x1ec: {  	v47 =	vshrl.u32 v36, v19;
	v26 =	vshll.u32 v26, v16;
	[tilespmem:v9+s19+$0x1A0 ss:$0x1] =	vst.idx.msk $0xffff, v28;
	v51 =	vld.idx.msk [tilespmem:v8+s29+$0x100 ss:$0x1], $0xffff  }
0x1ed: {  	v30 =	vshll.u32 v30, v16;
	v35 =	vshll.u32 v35, v16;
	[tilespmem:v9+s19+$0x190 ss:$0x1] =	vst.idx.msk $0xffff, v42;
	v54 =	vld.idx.msk [tilespmem:v8+s29+$0x180 ss:$0x1], $0xffff  }
0x1ee: {  	v55 =	vshrl.u32 v56, v12;
	v14 =	vshrl.u32 v58, v14;
	v15 =	vshll.u32 v60, v15;
	v56 =	vld.idx.msk [tilespmem:v8+s29+$0x10 ss:$0x1], $0xffff  }
0x1ef: {  	v57 =	vperm.xlane v20, v4;
	[tilespmem:v9+s19+$0x1B0 ss:$0x1] =	vst.idx.msk $0xffff, v61;
	v58 =	vld.idx.msk [tilespmem:v8+s29+$0x90 ss:$0x1], $0xffff;
	v14 =	vand.u32 $0xFFFF, v14;
	v15 =	vand.u32 $0xFFFF0000, v15  }
0x1f0: {  	v52 =	vand.u32 $0xFFFF, v48;
	v29 =	vld.idx.msk [tilespmem:v8+s22+$0x350 ss:$0x1], $0xffff;
	v45 =	vshll.u32 v63, v13;
	v15 =	vor.u32 v14, v15  }
0x1f1: {  	v28 =	vld.idx.msk [tilespmem:v8+s22+$0x3D0 ss:$0x1], $0xffff;
	v60 =	vshll.u32 v22, v16;
	v39 =	vand.u32 $0xFFFF, v55;
	v45 =	vand.u32 $0xFFFF0000, v45;
	[tilespmem:v9+s19+$0x2F0 ss:$0x1] =	vst.idx.msk $0xffff, v15  }
0x1f2: {  	v14 =	vperm.xlane v20, v3;
	v39 =	vor.u32 v39, v45;
	v45 =	vand.u32 $0xFFFF0000, v60;
	v59 =	vld.idx.msk [tilespmem:v8+s22+$0x270 ss:$0x1], $0xffff  }
0x1f3: {  	v15 =	vsub.s32 $0x10, v57;
	[tilespmem:v9+s19+$0x360 ss:$0x1] =	vst.idx.msk $0xffff, v39;
	v61 =	vld.idx.msk [tilespmem:v8+s22+$0x2F0 ss:$0x1], $0xffff;
	v41 =	vor.u32 v52, v45  }
0x1f4: {  	v52 =	vld.idx.msk [tilespmem:v8+s29+$0x20 ss:$0x1], $0xffff;
	v40 =	vshrl.u32 v51, v14;
	v34 =	vshll.u32 v54, v15;
	v42 =	vshrl.u32 v56, v10  }
0x1f5: {  	[tilespmem:v9+s19+$0x180 ss:$0x1] =	vst.idx.msk $0xffff, v44;
	v22 =	vld.idx.msk [tilespmem:v8+s22+$0x360 ss:$0x1], $0xffff;
	v44 =	vshll.u32 v58, v11;
	v40 =	vand.u32 $0xFFFF, v40;
	v34 =	vand.u32 $0xFFFF0000, v34  }
0x1f6: {  	v62 =	vand.u32 $0xFFFF, v42;
	v63 =	vand.u32 $0xFFFF0000, v44;
	v40 =	vor.u32 v40, v34;
	v34 =	vld.idx.msk [tilespmem:v8+s22+$0x3E0 ss:$0x1], $0xffff  }
0x1f7: {  	v21 =	vand.u32 $0xFFFF, v21;
	v27 =	vand.u32 $0xFFFF, v27;
	[tilespmem:v9+s30+$0x80 ss:$0x1] =	vst.idx.msk $0xffff, v40;
	v40 =	vor.u32 v62, v63;
	v62 =	vld.idx.msk [tilespmem:v8+s29+$0xB0 ss:$0x1], $0xffff  }
0x1f8: {  	v26 =	vand.u32 $0xFFFF0000, v26;
	v35 =	vand.u32 $0xFFFF0000, v35;
	v32 =	vshrl.u32 v32, v19;
	v49 =	vld.idx.msk [tilespmem:v8+s29+$0x280 ss:$0x1], $0xffff  }
0x1f9: {  	v33 =	vshll.u32 v33, v16;
	[tilespmem:v9+s30+$0x10 ss:$0x1] =	vst.idx.msk $0xffff, v40;
	v12 =	vshrl.u32 v59, v12;
	v59 =	vld.idx.msk [tilespmem:v8+s29+$0x30 ss:$0x1], $0xffff  }
0x1fa: {  	v23 =	vshll.u32 v23, v16;
	v26 =	vor.u32 v21, v26;
	v13 =	vshll.u32 v61, v13;
	v50 =	vld.idx.msk [tilespmem:v8+s29+$0x110 ss:$0x1], $0xffff  }
0x1fb: {  	v51 =	vperm.xlane v20, v5;
	v12 =	vand.u32 $0xFFFF, v12;
	v13 =	vand.u32 $0xFFFF0000, v13;
	v40 =	vld.idx.msk [tilespmem:v8+s29+$0x190 ss:$0x1], $0xffff  }
0x1fc: {  	v27 =	vor.u32 v27, v35;
	[tilespmem:v9+s19+$0x1C0 ss:$0x1] =	vst.idx.msk $0xffff, v41;
	v48 =	vld.idx.msk [tilespmem:v8+s29+$0x200 ss:$0x1], $0xffff;
	v13 =	vor.u32 v12, v13  }
0x1fd: {  	v41 =	vshrl.u32 v52, v10;
	v52 =	vld.idx.msk [tilespmem:v8+s29+$0xC0 ss:$0x1], $0xffff;
	[tilespmem:v9+s19+$0x370 ss:$0x1] =	vst.idx.msk $0xffff, v13;
	v13 =	vsub.s32 $0x10, v51  }
0x1fe: {  	v54 =	vand.u32 $0xFFFF0000, v30;
	v63 =	vshll.u32 v53, v11;
	v51 =	vld.idx.msk [tilespmem:v8+s29+$0x40 ss:$0x1], $0xffff;
	v42 =	vshll.u32 v49, v13  }
0x1ff: {  	v41 =	vand.u32 $0xFFFF, v41;
	v30 =	vld.idx.msk [tilespmem:v8+s22+$0x370 ss:$0x1], $0xffff;
	v56 =	vand.u32 $0xFFFF0000, v42;
	v57 =	vshrl.u32 v50, v14  }
0x200: {  	v21 =	vld.idx.msk [tilespmem:v8+s22+$0x3F0 ss:$0x1], $0xffff;
	v58 =	vshll.u32 v40, v15;
	v42 =	vand.u32 $0xFFFF0000, v63;
	v40 =	vshrl.u32 v59, v10  }
0x201: {  	[tilespmem:v9+s19+$0x1D0 ss:$0x1] =	vst.idx.msk $0xffff, v26;
	v59 =	vld.idx.msk [tilespmem:v8+s29+$0x50 ss:$0x1], $0xffff;
	v60 =	vand.u32 $0xFFFF, v57;
	v61 =	vand.u32 $0xFFFF0000, v58;
	v41 =	vor.u32 v41, v42  }
0x202: {  	v39 =	vshll.u32 v62, v11;
	v26 =	vor.u32 v60, v61;
	[tilespmem:v9+s30+$0x20 ss:$0x1] =	vst.idx.msk $0xffff, v41;
	v61 =	vld.idx.msk [tilespmem:v8+s29+$0xD0 ss:$0x1], $0xffff  }
0x203: {  	v12 =	vperm.xlane v20, v0;
	v39 =	vand.u32 $0xFFFF0000, v39;
	v40 =	vand.u32 $0xFFFF, v40;
	v41 =	vld.idx.msk [tilespmem:v8+s29+$0x120 ss:$0x1], $0xffff  }
0x204: {  	v25 =	vand.u32 $0xFFFF, v25;
	v35 =	vand.u32 $0xFFFF, v47;
	v39 =	vor.u32 v40, v39;
	[tilespmem:v9+s30+$0x90 ss:$0x1] =	vst.idx.msk $0xffff, v26;
	v50 =	vld.idx.msk [tilespmem:v8+s29+$0x1A0 ss:$0x1], $0xffff  }
0x205: {  	v44 =	vshrl.u32 v48, v12;
	v49 =	vshll.u32 v31, v16;
	[tilespmem:v9+s30+$0x30 ss:$0x1] =	vst.idx.msk $0xffff, v39;
	v46 =	vld.idx.msk [tilespmem:v8+s29+$0x210 ss:$0x1], $0xffff  }
0x206: {  	[tilespmem:v9+s19+$0x1F0 ss:$0x1] =	vst.idx.msk $0xffff, v27;
	v38 =	vshrl.u32 v38, v19;
	v55 =	vand.u32 $0xFFFF, v44;
	v27 =	vand.u32 $0xFFFF0000, v49;
	v57 =	vld.idx.msk [tilespmem:v8+s29+$0x1B0 ss:$0x1], $0xffff  }
0x207: {  	v45 =	vor.u32 v25, v54;
	v25 =	vor.u32 v55, v56;
	v27 =	vor.u32 v35, v27;
	v48 =	vld.idx.msk [tilespmem:v8+s29+$0x290 ss:$0x1], $0xffff  }
0x208: {  	v32 =	vand.u32 $0xFFFF, v32;
	v55 =	vand.u32 $0xFFFF0000, v33;
	v35 =	vshll.u32 v52, v11;
	[tilespmem:v9+s30+$0x100 ss:$0x1] =	vst.idx.msk $0xffff, v25;
	v54 =	vld.idx.msk [tilespmem:v8+s29+$0x130 ss:$0x1], $0xffff  }
0x209: {  	v62 =	vshrl.u32 v51, v10;
	v25 =	vld.idx.msk [tilespmem:v8+s29+$0x300 ss:$0x1], $0xffff;
	v58 =	vshrl.u32 v41, v14;
	v31 =	vshll.u32 v50, v15  }
0x20a: {  	v35 =	vand.u32 $0xFFFF0000, v35;
	v26 =	vld.idx.msk [tilespmem:v8+s29+$0x380 ss:$0x1], $0xffff;
	v60 =	vand.u32 $0xFFFF, v58;
	v31 =	vand.u32 $0xFFFF0000, v31  }
0x20b: {  	v43 =	vand.u32 $0xFFFF, v62;
	v39 =	vshll.u32 v57, v15;
	v57 =	vld.idx.msk [tilespmem:v8+s29+$0x60 ss:$0x1], $0xffff;
	v31 =	vor.u32 v60, v31  }
0x20c: {  	v53 =	vshrl.u32 v46, v12;
	v36 =	vshll.u32 v48, v13;
	v60 =	vld.idx.msk [tilespmem:v8+s29+$0xE0 ss:$0x1], $0xffff;
	[tilespmem:v9+s30+$0xA0 ss:$0x1] =	vst.idx.msk $0xffff, v31  }
0x20d: {  	[tilespmem:v9+s19+$0x1E0 ss:$0x1] =	vst.idx.msk $0xffff, v45;
	v45 =	vshrl.u32 v54, v14;
	v56 =	vand.u32 $0xFFFF, v53;
	v36 =	vand.u32 $0xFFFF0000, v36;
	v44 =	vld.idx.msk [tilespmem:v8+s29+$0x220 ss:$0x1], $0xffff  }
0x20e: {  	v39 =	vand.u32 $0xFFFF0000, v39;
	v31 =	vor.u32 v43, v35;
	v43 =	vshll.u32 v18, v16;
	v46 =	vld.idx.msk [tilespmem:v8+s29+$0x2A0 ss:$0x1], $0xffff  }
0x20f: {  	v33 =	vor.u32 v56, v36;
	v36 =	vand.u32 $0xFFFF, v45;
	v45 =	vand.u32 $0xFFFF0000, v43;
	v43 =	vld.idx.msk [tilespmem:v8+s20+$0x10 ss:$0x1], $0xffff  }
0x210: {  	v23 =	vand.u32 $0xFFFF0000, v23;
	v38 =	vand.u32 $0xFFFF, v38;
	[tilespmem:v9+s30+$0x40 ss:$0x1] =	vst.idx.msk $0xffff, v31;
	v36 =	vor.u32 v36, v39;
	v39 =	vld.idx.msk [tilespmem:v8+s20+$0x40 ss:$0x1], $0xffff  }
0x211: {  	v17 =	vshrl.u32 v17, v19;
	v29 =	vshrl.u32 v29, v19;
	[tilespmem:v9+s19+$0x380 ss:$0x1] =	vst.idx.msk $0xffff, v27;
	v47 =	vld.idx.msk [tilespmem:v8+s29+$0x140 ss:$0x1], $0xffff  }
0x212: {  	v28 =	vshll.u32 v28, v16;
	v63 =	vshrl.u32 v24, v19;
	[tilespmem:v9+s30+$0x110 ss:$0x1] =	vst.idx.msk $0xffff, v33;
	v48 =	vld.idx.msk [tilespmem:v8+s29+$0x1C0 ss:$0x1], $0xffff  }
0x213: {  	v41 =	vshrl.u32 v59, v10;
	v33 =	vshll.u32 v61, v11;
	v27 =	vld.idx.msk [tilespmem:v8+s29+$0x310 ss:$0x1], $0xffff;
	[tilespmem:v9+s30+$0xB0 ss:$0x1] =	vst.idx.msk $0xffff, v36  }
0x214: {  	v32 =	vor.u32 v32, v55;
	v41 =	vand.u32 $0xFFFF, v41;
	v33 =	vand.u32 $0xFFFF0000, v33;
	v49 =	vld.idx.msk [tilespmem:v8+s29+$0x230 ss:$0x1], $0xffff  }
0x215: {  	v51 =	vshll.u32 v37, v16;
	v33 =	vor.u32 v41, v33;
	v50 =	vld.idx.msk [tilespmem:v8+s29+$0x2B0 ss:$0x1], $0xffff;
	v35 =	vshrl.u32 v44, v12  }
0x216: {  	v40 =	vand.u32 $0xFFFF, v63;
	v24 =	vld.idx.msk [tilespmem:v8+s29+$0x390 ss:$0x1], $0xffff;
	[tilespmem:v9+s30+$0x50 ss:$0x1] =	vst.idx.msk $0xffff, v33;
	v31 =	vshll.u32 v46, v13;
	v54 =	vand.u32 $0xFFFF, v35  }
0x217: {  	v52 =	vld.idx.msk [tilespmem:v8+s29+$0x150 ss:$0x1], $0xffff;
	v31 =	vand.u32 $0xFFFF0000, v31;
	v56 =	vshrl.u32 v47, v14;
	v36 =	vshll.u32 v48, v15  }
0x218: {  	v55 =	vld.idx.msk [tilespmem:v8+s29+$0x1D0 ss:$0x1], $0xffff;
	v31 =	vor.u32 v54, v31;
	v58 =	vand.u32 $0xFFFF, v56;
	v59 =	vand.u32 $0xFFFF0000, v36  }
0x219: {  	v23 =	vor.u32 v40, v23;
	[tilespmem:v9+s30+$0x120 ss:$0x1] =	vst.idx.msk $0xffff, v31;
	v31 =	vor.u32 v58, v59;
	v59 =	vld.idx.msk [tilespmem:v8+s29+$0x70 ss:$0x1], $0xffff  }
0x21a: {  	v30 =	vshrl.u32 v30, v19;
	v41 =	vshrl.u32 v49, v12;
	v40 =	vshll.u32 v50, v13;
	v33 =	vld.idx.msk [tilespmem:v8+s29+$0x320 ss:$0x1], $0xffff  }
0x21b: {  	[tilespmem:v9+s19+$0x390 ss:$0x1] =	vst.idx.msk $0xffff, v32;
	v21 =	vshll.u32 v21, v16;
	v61 =	vand.u32 $0xFFFF, v41;
	v40 =	vand.u32 $0xFFFF0000, v40;
	v32 =	vld.idx.msk [tilespmem:v8+s29+$0x3A0 ss:$0x1], $0xffff  }
0x21c: {  	v17 =	vand.u32 $0xFFFF, v17;
	v30 =	vand.u32 $0xFFFF, v30;
	[tilespmem:v9+s30+$0xC0 ss:$0x1] =	vst.idx.msk $0xffff, v31;
	v31 =	vor.u32 v61, v40;
	v61 =	vld.idx.msk [tilespmem:v8+s29+$0xF0 ss:$0x1], $0xffff  }
0x21d: {  	v21 =	vand.u32 $0xFFFF0000, v21;
	v37 =	vshrl.u32 v52, v14;
	v35 =	vshll.u32 v55, v15;
	v62 =	vld.idx.msk [tilespmem:v8+s29+$0x240 ss:$0x1], $0xffff  }
0x21e: {  	v53 =	vand.u32 $0xFFFF0000, v51;
	[tilespmem:v9+s30+$0x130 ss:$0x1] =	vst.idx.msk $0xffff, v31;
	v63 =	vld.idx.msk [tilespmem:v8+s29+$0x2C0 ss:$0x1], $0xffff;
	v37 =	vand.u32 $0xFFFF, v37;
	v35 =	vand.u32 $0xFFFF0000, v35  }
0x21f: {  	v21 =	vor.u32 v30, v21;
	v38 =	vor.u32 v38, v53;
	v35 =	vor.u32 v37, v35;
	v31 =	vld.idx.msk [tilespmem:v8+s29+$0x330 ss:$0x1], $0xffff  }
0x220: {  	v42 =	vshrl.u32 v57, v10;
	v36 =	vshll.u32 v60, v11;
	v18 =	vld.idx.msk [tilespmem:v8+s29+$0x3B0 ss:$0x1], $0xffff;
	[tilespmem:v9+s30+$0xD0 ss:$0x1] =	vst.idx.msk $0xffff, v35  }
0x221: {  	v44 =	vand.u32 $0xFFFF, v42;
	v47 =	vand.u32 $0xFFFF, v29;
	v36 =	vand.u32 $0xFFFF0000, v36;
	v46 =	vld.idx.msk [tilespmem:v8+s29+$0x250 ss:$0x1], $0xffff  }
0x222: {  	v60 =	vshll.u32 v34, v16;
	v52 =	vand.u32 $0xFFFF0000, v28;
	v35 =	vor.u32 v44, v36;
	v48 =	vld.idx.msk [tilespmem:v8+s29+$0x2D0 ss:$0x1], $0xffff  }
0x223: {  	v56 =	vor.u32 v47, v52;
	[tilespmem:v9+s30+$0x60 ss:$0x1] =	vst.idx.msk $0xffff, v35;
	v47 =	vshrl.u32 v59, v10;
	v59 =	vld.idx.msk [tilespmem:v8+s20+$0x20 ss:$0x1], $0xffff  }
0x224: {  	v16 =	vperm.xlane v20, v6;
	v51 =	vld.idx.msk [tilespmem:v8+s29+$0x160 ss:$0x1], $0xffff;
	v49 =	vshrl.u32 v62, v12;
	v50 =	vshll.u32 v63, v13  }
0x225: {  	[tilespmem:v9+s19+$0x3A0 ss:$0x1] =	vst.idx.msk $0xffff, v23;
	v57 =	vshrl.u32 v22, v19;
	v55 =	vld.idx.msk [tilespmem:v8+s29+$0x1E0 ss:$0x1], $0xffff;
	v53 =	vand.u32 $0xFFFF, v49;
	v54 =	vand.u32 $0xFFFF0000, v50  }
0x226: {  	v23 =	vand.u32 $0xFFFF0000, v60;
	v25 =	vshrl.u32 v25, v16;
	v58 =	vor.u32 v53, v54;
	v54 =	vld.idx.msk [tilespmem:v8+s20+$0x100 ss:$0x1], $0xffff  }
0x227: {  	v27 =	vshrl.u32 v27, v16;
	[tilespmem:v9+s30+$0x140 ss:$0x1] =	vst.idx.msk $0xffff, v58;
	v62 =	vshrl.u32 v46, v12;
	v46 =	vld.idx.msk [tilespmem:v8+s20+$0x90 ss:$0x1], $0xffff  }
0x228: {  	v37 =	vor.u32 v17, v45;
	v17 =	vand.u32 $0xFFFF, v57;
	v29 =	vshll.u32 v48, v13;
	v22 =	vld.idx.msk [tilespmem:v8+s29+$0x340 ss:$0x1], $0xffff  }
0x229: {  	[tilespmem:v9+s19+$0x3B0 ss:$0x1] =	vst.idx.msk $0xffff, v38;
	v63 =	vor.u32 v17, v23;
	v23 =	vld.idx.msk [tilespmem:v8+s29+$0x3C0 ss:$0x1], $0xffff;
	v38 =	vand.u32 $0xFFFF, v62;
	v29 =	vand.u32 $0xFFFF0000, v29  }
0x22a: {  	v34 =	vshll.u32 v61, v11;
	v42 =	vshll.u32 v55, v15;
	v55 =	vld.idx.msk [tilespmem:v8+s20+$0x180 ss:$0x1], $0xffff;
	v17 =	vor.u32 v38, v29  }
0x22b: {  	v49 =	vand.u32 $0xFFFF, v47;
	v50 =	vand.u32 $0xFFFF0000, v34;
	v40 =	vshrl.u32 v51, v14;
	v62 =	vld.idx.msk [tilespmem:v8+s20+$0xA0 ss:$0x1], $0xffff;
	[tilespmem:v9+s30+$0x150 ss:$0x1] =	vst.idx.msk $0xffff, v17  }
0x22c: {  	[tilespmem:v9+s19+$0x3D0 ss:$0x1] =	vst.idx.msk $0xffff, v56;
	v44 =	vand.u32 $0xFFFF, v40;
	v45 =	vand.u32 $0xFFFF0000, v42;
	v29 =	vor.u32 v49, v50;
	v19 =	vld.idx.msk [tilespmem:v8+s29+$0x350 ss:$0x1], $0xffff  }
0x22d: {  	v25 =	vand.u32 $0xFFFF, v25;
	v17 =	vor.u32 v44, v45;
	[tilespmem:v9+s30+$0x70 ss:$0x1] =	vst.idx.msk $0xffff, v29;
	v28 =	vld.idx.msk [tilespmem:v8+s29+$0x3D0 ss:$0x1], $0xffff  }
0x22e: {  	v47 =	vshrl.u32 v31, v16;
	v48 =	vperm.xlane v20, v7;
	[tilespmem:v9+s30+$0xE0 ss:$0x1] =	vst.idx.msk $0xffff, v17;
	v29 =	vld.idx.msk [tilespmem:v8+s29+$0x170 ss:$0x1], $0xffff  }
0x22f: {  	v27 =	vand.u32 $0xFFFF, v27;
	[tilespmem:v9+s19+$0x3C0 ss:$0x1] =	vst.idx.msk $0xffff, v37;
	v38 =	vshrl.u32 v43, v10;
	v50 =	vand.u32 $0xFFFF, v47;
	v51 =	vld.idx.msk [tilespmem:v8+s29+$0x260 ss:$0x1], $0xffff  }
0x230: {  	[tilespmem:v9+s19+$0x3E0 ss:$0x1] =	vst.idx.msk $0xffff, v63;
	v38 =	vand.u32 $0xFFFF, v38;
	v17 =	vsub.s32 $0x10, v48;
	v52 =	vld.idx.msk [tilespmem:v8+s29+$0x2E0 ss:$0x1], $0xffff;
	v35 =	vshll.u32 v46, v11  }
0x231: {  	v53 =	vld.idx.msk [tilespmem:v8+s29+$0x1F0 ss:$0x1], $0xffff;
	v63 =	vshrl.u32 v54, v14;
	v26 =	vshll.u32 v26, v17;
	v35 =	vand.u32 $0xFFFF0000, v35  }
0x232: {  	v54 =	vld.idx.msk [tilespmem:v8+s20+$0x30 ss:$0x1], $0xffff;
	v18 =	vshll.u32 v18, v17;
	v26 =	vand.u32 $0xFFFF0000, v26;
	v35 =	vor.u32 v38, v35  }
0x233: {  	v18 =	vand.u32 $0xFFFF0000, v18;
	v25 =	vor.u32 v25, v26;
	v26 =	vshll.u32 v55, v15;
	[tilespmem:v9+s30+$0x210 ss:$0x1] =	vst.idx.msk $0xffff, v35  }
0x234: {  	v37 =	vand.u32 $0xFFFF, v63;
	v26 =	vand.u32 $0xFFFF0000, v26;
	[tilespmem:v9+s30+$0x180 ss:$0x1] =	vst.idx.msk $0xffff, v25;
	v25 =	vor.u32 v50, v18;
	v50 =	vld.idx.msk [tilespmem:v8+s20+$0x60 ss:$0x1], $0xffff  }
0x235: {  	v57 =	vld.idx.msk [tilespmem:v8+s20+$0x110 ss:$0x1], $0xffff;
	v26 =	vor.u32 v37, v26;
	v20 =	vshrl.u32 v51, v12;
	v56 =	vshll.u32 v52, v13  }
0x236: {  	v33 =	vshrl.u32 v33, v16;
	v35 =	vld.idx.msk [tilespmem:v8+s20+$0x190 ss:$0x1], $0xffff;
	[tilespmem:v9+s30+$0x280 ss:$0x1] =	vst.idx.msk $0xffff, v26;
	v20 =	vand.u32 $0xFFFF, v20;
	v30 =	vand.u32 $0xFFFF0000, v56  }
0x237: {  	v29 =	vshrl.u32 v29, v14;
	v58 =	vshll.u32 v53, v15;
	v42 =	vld.idx.msk [tilespmem:v8+s20+$0x200 ss:$0x1], $0xffff;
	v20 =	vor.u32 v20, v30  }
0x238: {  	v36 =	vshrl.u32 v59, v10;
	v60 =	vand.u32 $0xFFFF, v29;
	v61 =	vand.u32 $0xFFFF0000, v58;
	v43 =	vld.idx.msk [tilespmem:v8+s20+$0x280 ss:$0x1], $0xffff;
	[tilespmem:v9+s30+$0x160 ss:$0x1] =	vst.idx.msk $0xffff, v20  }
0x239: {  	[tilespmem:v9+s19+$0x3F0 ss:$0x1] =	vst.idx.msk $0xffff, v21;
	v36 =	vand.u32 $0xFFFF, v36;
	v44 =	vand.u32 $0xFFFF, v33;
	v20 =	vor.u32 v60, v61;
	v29 =	vld.idx.msk [tilespmem:v8+s29+$0x360 ss:$0x1], $0xffff  }
0x23a: {  	v24 =	vshll.u32 v24, v17;
	v30 =	vshll.u32 v62, v11;
	[tilespmem:v9+s30+$0xF0 ss:$0x1] =	vst.idx.msk $0xffff, v20;
	v20 =	vld.idx.msk [tilespmem:v8+s29+$0x3E0 ss:$0x1], $0xffff  }
0x23b: {  	v32 =	vshll.u32 v32, v17;
	v30 =	vand.u32 $0xFFFF0000, v30;
	v34 =	vshrl.u32 v57, v14;
	v57 =	vld.idx.msk [tilespmem:v8+s20+$0xB0 ss:$0x1], $0xffff  }
0x23c: {  	v24 =	vand.u32 $0xFFFF0000, v24;
	v35 =	vshll.u32 v35, v15;
	v30 =	vor.u32 v36, v30;
	v40 =	vld.idx.msk [tilespmem:v8+s29+$0x270 ss:$0x1], $0xffff  }
0x23d: {  	v32 =	vand.u32 $0xFFFF0000, v32;
	v41 =	vld.idx.msk [tilespmem:v8+s29+$0x2F0 ss:$0x1], $0xffff;
	v34 =	vand.u32 $0xFFFF, v34;
	v35 =	vand.u32 $0xFFFF0000, v35;
	[tilespmem:v9+s30+$0x220 ss:$0x1] =	vst.idx.msk $0xffff, v30  }
0x23e: {  	v22 =	vshrl.u32 v22, v16;
	v23 =	vshll.u32 v23, v17;
	v34 =	vor.u32 v34, v35;
	v49 =	vld.idx.msk [tilespmem:v8+s20+$0x120 ss:$0x1], $0xffff  }
0x23f: {  	v24 =	vor.u32 v27, v24;
	v21 =	vor.u32 v44, v32;
	v52 =	vld.idx.msk [tilespmem:v8+s20+$0x1A0 ss:$0x1], $0xffff;
	[tilespmem:v9+s30+$0x290 ss:$0x1] =	vst.idx.msk $0xffff, v34  }
0x240: {  	v22 =	vand.u32 $0xFFFF, v22;
	v62 =	vshrl.u32 v54, v10;
	v34 =	vshll.u32 v43, v13;
	v45 =	vld.idx.msk [tilespmem:v8+s20+$0x210 ss:$0x1], $0xffff  }
0x241: {  	[tilespmem:v9+s30+$0x190 ss:$0x1] =	vst.idx.msk $0xffff, v24;
	v37 =	vand.u32 $0xFFFF, v62;
	v46 =	vld.idx.msk [tilespmem:v8+s20+$0x290 ss:$0x1], $0xffff;
	v56 =	vand.u32 $0xFFFF0000, v34;
	v34 =	vshll.u32 v57, v11  }
0x242: {  	v48 =	vshrl.u32 v40, v12;
	v26 =	vshll.u32 v41, v13;
	v38 =	vand.u32 $0xFFFF0000, v34;
	v41 =	vld.idx.msk [tilespmem:v8+s20+$0xC0 ss:$0x1], $0xffff  }
0x243: {  	v23 =	vand.u32 $0xFFFF0000, v23;
	[tilespmem:v9+s30+$0x1A0 ss:$0x1] =	vst.idx.msk $0xffff, v21;
	v51 =	vand.u32 $0xFFFF, v48;
	v40 =	vor.u32 v37, v38;
	v48 =	vld.idx.msk [tilespmem:v8+s20+$0xD0 ss:$0x1], $0xffff  }
0x244: {  	v22 =	vor.u32 v22, v23;
	v31 =	vshll.u32 v52, v15;
	v52 =	vld.idx.msk [tilespmem:v8+s20+$0xE0 ss:$0x1], $0xffff;
	[tilespmem:v9+s30+$0x230 ss:$0x1] =	vst.idx.msk $0xffff, v40  }
0x245: {  	v19 =	vshrl.u32 v19, v16;
	[tilespmem:v9+s30+$0x1B0 ss:$0x1] =	vst.idx.msk $0xffff, v25;
	v26 =	vand.u32 $0xFFFF0000, v26;
	v43 =	vld.idx.msk [tilespmem:v8+s20+$0x130 ss:$0x1], $0xffff  }
0x246: {  	v53 =	vshrl.u32 v42, v12;
	v26 =	vor.u32 v51, v26;
	v27 =	vshll.u32 v46, v13;
	v46 =	vld.idx.msk [tilespmem:v8+s20+$0x50 ss:$0x1], $0xffff  }
0x247: {  	v19 =	vand.u32 $0xFFFF, v19;
	v42 =	vshll.u32 v28, v17;
	v55 =	vand.u32 $0xFFFF, v53;
	[tilespmem:v9+s30+$0x170 ss:$0x1] =	vst.idx.msk $0xffff, v26;
	v54 =	vld.idx.msk [tilespmem:v8+s20+$0x1B0 ss:$0x1], $0xffff  }
0x248: {  	v62 =	vshrl.u32 v50, v10;
	v44 =	vand.u32 $0xFFFF0000, v42;
	v26 =	vor.u32 v55, v56;
	v58 =	vld.idx.msk [tilespmem:v8+s29+$0x370 ss:$0x1], $0xffff  }
0x249: {  	v19 =	vor.u32 v19, v44;
	v33 =	vshrl.u32 v45, v12;
	[tilespmem:v9+s30+$0x300 ss:$0x1] =	vst.idx.msk $0xffff, v26;
	v59 =	vld.idx.msk [tilespmem:v8+s29+$0x3F0 ss:$0x1], $0xffff  }
0x24a: {  	[tilespmem:v9+s30+$0x1C0 ss:$0x1] =	vst.idx.msk $0xffff, v22;
	v20 =	vshll.u32 v20, v17;
	v33 =	vand.u32 $0xFFFF, v33;
	v27 =	vand.u32 $0xFFFF0000, v27;
	v36 =	vld.idx.msk [tilespmem:v8+s20+$0x300 ss:$0x1], $0xffff  }
0x24b: {  	[tilespmem:v9+s30+$0x1D0 ss:$0x1] =	vst.idx.msk $0xffff, v19;
	v61 =	vshrl.u32 v49, v14;
	v60 =	vor.u32 v33, v27;
	v32 =	vld.idx.msk [tilespmem:v8+s20+$0x380 ss:$0x1], $0xffff  }
0x24c: {  	v20 =	vand.u32 $0xFFFF0000, v20;
	v31 =	vand.u32 $0xFFFF0000, v31;
	v27 =	vand.u32 $0xFFFF, v61;
	v61 =	vld.idx.msk [tilespmem:v8+s20+$0x70 ss:$0x1], $0xffff;
	[tilespmem:v9+s30+$0x310 ss:$0x1] =	vst.idx.msk $0xffff, v60  }
0x24d: {  	v49 =	vshrl.u32 v39, v10;
	v45 =	vshrl.u32 v29, v16;
	v63 =	vor.u32 v27, v31;
	v18 =	vld.idx.msk [tilespmem:v8+s20+$0x310 ss:$0x1], $0xffff  }
0x24e: {  	v24 =	vand.u32 $0xFFFF, v49;
	v47 =	vand.u32 $0xFFFF, v45;
	v27 =	vshll.u32 v41, v11;
	[tilespmem:v9+s30+$0x2A0 ss:$0x1] =	vst.idx.msk $0xffff, v63;
	v63 =	vld.idx.msk [tilespmem:v8+s20+$0xF0 ss:$0x1], $0xffff  }
0x24f: {  	v20 =	vor.u32 v47, v20;
	v23 =	vshll.u32 v48, v11;
	v51 =	vand.u32 $0xFFFF0000, v27;
	v31 =	vld.idx.msk [tilespmem:v8+s20+$0x220 ss:$0x1], $0xffff  }
0x250: {  	[tilespmem:v9+s30+$0x1E0 ss:$0x1] =	vst.idx.msk $0xffff, v20;
	v27 =	vshll.u32 v52, v11;
	v24 =	vor.u32 v24, v51;
	v56 =	vld.idx.msk [tilespmem:v8+s20+$0x2A0 ss:$0x1], $0xffff  }
0x251: {  	v28 =	vand.u32 $0xFFFF, v62;
	v29 =	vshrl.u32 v46, v10;
	v27 =	vand.u32 $0xFFFF0000, v27;
	v46 =	vld.idx.msk [tilespmem:v8+s20+$0x390 ss:$0x1], $0xffff;
	[tilespmem:v9+s30+$0x240 ss:$0x1] =	vst.idx.msk $0xffff, v24  }
0x252: {  	v30 =	vshll.u32 v54, v15;
	v53 =	vshrl.u32 v58, v16;
	v27 =	vor.u32 v28, v27;
	v58 =	vld.idx.msk [tilespmem:v8+s20+$0x140 ss:$0x1], $0xffff  }
0x253: {  	v23 =	vand.u32 $0xFFFF0000, v23;
	v55 =	vshll.u32 v59, v17;
	v60 =	vand.u32 $0xFFFF, v29;
	v37 =	vld.idx.msk [tilespmem:v8+s20+$0x1C0 ss:$0x1], $0xffff;
	[tilespmem:v9+s30+$0x260 ss:$0x1] =	vst.idx.msk $0xffff, v27  }
0x254: {  	v59 =	vshrl.u32 v43, v14;
	v39 =	vand.u32 $0xFFFF0000, v30;
	v23 =	vor.u32 v60, v23;
	v44 =	vld.idx.msk [tilespmem:v8+s20+$0x160 ss:$0x1], $0xffff  }
0x255: {  	v21 =	vand.u32 $0xFFFF, v53;
	v57 =	vand.u32 $0xFFFF0000, v55;
	v38 =	vand.u32 $0xFFFF, v59;
	[tilespmem:v9+s30+$0x250 ss:$0x1] =	vst.idx.msk $0xffff, v23;
	v45 =	vld.idx.msk [tilespmem:v8+s20+$0x1E0 ss:$0x1], $0xffff  }
0x256: {  	v10 =	vshrl.u32 v61, v10;
	v21 =	vor.u32 v21, v57;
	v19 =	vor.u32 v38, v39;
	v40 =	vld.idx.msk [tilespmem:v8+s20+$0x150 ss:$0x1], $0xffff  }
0x257: {  	v10 =	vand.u32 $0xFFFF, v10;
	v41 =	vld.idx.msk [tilespmem:v8+s20+$0x1D0 ss:$0x1], $0xffff;
	v11 =	vshll.u32 v63, v11;
	[tilespmem:v9+s30+$0x2B0 ss:$0x1] =	vst.idx.msk $0xffff, v19  }
0x258: {  	[tilespmem:v9+s30+$0x1F0 ss:$0x1] =	vst.idx.msk $0xffff, v21;
	v18 =	vshrl.u32 v18, v16;
	v43 =	vshrl.u32 v31, v12;
	v11 =	vand.u32 $0xFFFF0000, v11  }
0x259: {  	v48 =	vld.idx.msk [tilespmem:v8+s20+$0x2B0 ss:$0x1], $0xffff;
	v10 =	vor.u32 v10, v11;
	v25 =	vshrl.u32 v58, v14;
	v23 =	vshll.u32 v37, v15  }
0x25a: {  	v26 =	vshll.u32 v56, v13;
	v11 =	vld.idx.msk [tilespmem:v8+s20+$0x230 ss:$0x1], $0xffff;
	[tilespmem:v9+s30+$0x270 ss:$0x1] =	vst.idx.msk $0xffff, v10;
	v47 =	vand.u32 $0xFFFF, v25;
	v23 =	vand.u32 $0xFFFF0000, v23  }
0x25b: {  	v51 =	vld.idx.msk [tilespmem:v8+s20+$0x170 ss:$0x1], $0xffff;
	v52 =	vshrl.u32 v44, v14;
	v53 =	vshll.u32 v45, v15;
	v20 =	vor.u32 v47, v23  }
0x25c: {  	v19 =	vshll.u32 v46, v17;
	v54 =	vld.idx.msk [tilespmem:v8+s20+$0x1F0 ss:$0x1], $0xffff;
	v56 =	vand.u32 $0xFFFF, v52;
	v57 =	vand.u32 $0xFFFF0000, v53;
	[tilespmem:v9+s30+$0x2C0 ss:$0x1] =	vst.idx.msk $0xffff, v20  }
0x25d: {  	v49 =	vshrl.u32 v40, v14;
	v50 =	vshll.u32 v41, v15;
	v21 =	vor.u32 v56, v57;
	v55 =	vld.idx.msk [tilespmem:v8+s20+$0x240 ss:$0x1], $0xffff  }
0x25e: {  	v18 =	vand.u32 $0xFFFF, v18;
	v10 =	vand.u32 $0xFFFF, v49;
	v20 =	vand.u32 $0xFFFF0000, v50;
	v58 =	vld.idx.msk [tilespmem:v8+s20+$0x2C0 ss:$0x1], $0xffff;
	[tilespmem:v9+s30+$0x2E0 ss:$0x1] =	vst.idx.msk $0xffff, v21  }
0x25f: {  	v26 =	vand.u32 $0xFFFF0000, v26;
	v10 =	vor.u32 v10, v20;
	v11 =	vshrl.u32 v11, v12;
	v62 =	vld.idx.msk [tilespmem:v8+s20+$0x260 ss:$0x1], $0xffff  }
0x260: {  	v23 =	vshll.u32 v48, v13;
	[tilespmem:v9+s30+$0x2D0 ss:$0x1] =	vst.idx.msk $0xffff, v10;
	v10 =	vand.u32 $0xFFFF, v43;
	v11 =	vand.u32 $0xFFFF, v11;
	v63 =	vld.idx.msk [tilespmem:v8+s20+$0x2E0 ss:$0x1], $0xffff  }
0x261: {  	v10 =	vor.u32 v10, v26;
	v59 =	vld.idx.msk [tilespmem:v8+s20+$0x250 ss:$0x1], $0xffff;
	v14 =	vshrl.u32 v51, v14;
	v15 =	vshll.u32 v54, v15  }
0x262: {  	v61 =	vld.idx.msk [tilespmem:v8+s20+$0x2D0 ss:$0x1], $0xffff;
	[tilespmem:v9+s30+$0x320 ss:$0x1] =	vst.idx.msk $0xffff, v10;
	v10 =	vand.u32 $0xFFFF0000, v23;
	v14 =	vand.u32 $0xFFFF, v14;
	v15 =	vand.u32 $0xFFFF0000, v15  }
0x263: {  	v19 =	vand.u32 $0xFFFF0000, v19;
	v10 =	vor.u32 v11, v10;
	v11 =	vld.idx.msk [tilespmem:v8+s20+$0x320 ss:$0x1], $0xffff;
	v14 =	vor.u32 v14, v15  }
0x264: {  	v42 =	vshrl.u32 v36, v16;
	v18 =	vor.u32 v18, v19;
	v30 =	vld.idx.msk [tilespmem:v8+s20+$0x3A0 ss:$0x1], $0xffff;
	[tilespmem:v9+s30+$0x2F0 ss:$0x1] =	vst.idx.msk $0xffff, v14  }
0x265: {  	[tilespmem:v9+s30+$0x390 ss:$0x1] =	vst.idx.msk $0xffff, v18;
	v20 =	vshrl.u32 v55, v12;
	v25 =	vshll.u32 v58, v13;
	v33 =	vld.idx.msk [tilespmem:v8+s20+$0x270 ss:$0x1], $0xffff  }
0x266: {  	v60 =	vshll.u32 v32, v17;
	[tilespmem:v9+s30+$0x330 ss:$0x1] =	vst.idx.msk $0xffff, v10;
	v10 =	vand.u32 $0xFFFF, v20;
	v31 =	vand.u32 $0xFFFF0000, v25;
	v36 =	vld.idx.msk [tilespmem:v8+s20+$0x2F0 ss:$0x1], $0xffff  }
0x267: {  	v37 =	vld.idx.msk [tilespmem:v8+s20+$0x330 ss:$0x1], $0xffff;
	v32 =	vshrl.u32 v59, v12;
	v10 =	vor.u32 v10, v31;
	v35 =	vshll.u32 v61, v13  }
0x268: {  	v24 =	vand.u32 $0xFFFF, v42;
	v38 =	vld.idx.msk [tilespmem:v8+s20+$0x3B0 ss:$0x1], $0xffff;
	v34 =	vand.u32 $0xFFFF, v32;
	v20 =	vand.u32 $0xFFFF0000, v35;
	[tilespmem:v9+s30+$0x340 ss:$0x1] =	vst.idx.msk $0xffff, v10  }
0x269: {  	v27 =	vshrl.u32 v62, v12;
	v23 =	vshll.u32 v63, v13;
	v10 =	vor.u32 v34, v20;
	v40 =	vld.idx.msk [tilespmem:v8+s20+$0x340 ss:$0x1], $0xffff  }
0x26a: {  	v26 =	vand.u32 $0xFFFF0000, v60;
	v39 =	vand.u32 $0xFFFF, v27;
	v23 =	vand.u32 $0xFFFF0000, v23;
	v41 =	vld.idx.msk [tilespmem:v8+s20+$0x3C0 ss:$0x1], $0xffff;
	[tilespmem:v9+s30+$0x350 ss:$0x1] =	vst.idx.msk $0xffff, v10  }
0x26b: {  	v10 =	vor.u32 v39, v23;
	v12 =	vshrl.u32 v33, v12;
	v13 =	vshll.u32 v36, v13;
	v42 =	vld.idx.msk [tilespmem:v8+s20+$0x350 ss:$0x1], $0xffff  }
0x26c: {  	v24 =	vor.u32 v24, v26;
	v43 =	vld.idx.msk [tilespmem:v8+s20+$0x3D0 ss:$0x1], $0xffff;
	[tilespmem:v9+s30+$0x360 ss:$0x1] =	vst.idx.msk $0xffff, v10;
	v10 =	vand.u32 $0xFFFF, v12;
	v44 =	vand.u32 $0xFFFF0000, v13  }
0x26d: {  	v11 =	vshrl.u32 v11, v16;
	v45 =	vshll.u32 v30, v17;
	v46 =	vld.idx.msk [tilespmem:v8+s20+$0x360 ss:$0x1], $0xffff;
	v10 =	vor.u32 v10, v44  }
0x26e: {  	v11 =	vand.u32 $0xFFFF, v11;
	v47 =	vand.u32 $0xFFFF0000, v45;
	v50 =	vshll.u32 v38, v17;
	v49 =	vld.idx.msk [tilespmem:v8+s20+$0x3E0 ss:$0x1], $0xffff;
	[tilespmem:v9+s30+$0x370 ss:$0x1] =	vst.idx.msk $0xffff, v10  }
0x26f: {  	v48 =	vshrl.u32 v37, v16;
	v12 =	vand.u32 $0xFFFF0000, v50;
	v10 =	vor.u32 v11, v47;
	v51 =	vld.idx.msk [tilespmem:v8+s20+$0x370 ss:$0x1], $0xffff  }
0x270: {  	v11 =	vand.u32 $0xFFFF, v48;
	v52 =	vshrl.u32 v40, v16;
	v53 =	vshll.u32 v41, v17;
	v54 =	vld.idx.msk [tilespmem:v8+s20+$0x3F0 ss:$0x1], $0xffff  }
0x271: {  	[tilespmem:v9+s30+$0x380 ss:$0x1] =	vst.idx.msk $0xffff, v24;
	v11 =	vor.u32 v11, v12;
	v55 =	vand.u32 $0xFFFF, v52;
	v56 =	vand.u32 $0xFFFF0000, v53  }
0x272: {  	v12 =	vor.u32 v55, v56;
	v57 =	vshrl.u32 v42, v16;
	v58 =	vshll.u32 v43, v17  }
0x273: {  	p1 =	slt.u32 s17, $0xC;
	[tilespmem:v9+s30+$0x3A0 ss:$0x1] =	vst.idx.msk $0xffff, v10;
	v10 =	vand.u32 $0xFFFF, v57;
	v59 =	vand.u32 $0xFFFF0000, v58;
	v15 =	vshrl.u32 v46, v16  }
.Ltmp6:
0x274: {  	[tilespmem:v9+s30+$0x3B0 ss:$0x1] =	vst.idx.msk $0xffff, v11;
	v60 =	vshll.u32 v49, v17;
	v10 =	vor.u32 v10, v59;
	v11 =	vand.u32 $0xFFFF, v15;
	(pc) =	sbr.rel @p1 .LBB2_8-.Ltmp6, $4  }
0x275: {  	[tilespmem:v9+s30+$0x3C0 ss:$0x1] =	vst.idx.msk $0xffff, v12;
	v61 =	vand.u32 $0xFFFF0000, v60;
	v13 =	vshrl.u32 v51, v16;
	v62 =	vshll.u32 v54, v17  }
0x276: {  	[tilespmem:v9+s30+$0x3D0 ss:$0x1] =	vst.idx.msk $0xffff, v10;
	v10 =	vor.u32 v11, v61;
	v11 =	vand.u32 $0xFFFF, v13;
	v63 =	vand.u32 $0xFFFF0000, v62  }
0x277: {  	s31 =	sadd.s32 $0x4, s17;
	[tilespmem:v9+s30+$0x3E0 ss:$0x1] =	vst.idx.msk $0xffff, v10;
	v10 =	vor.u32 v11, v63  }
0x278: {  	s17 =	smov.u32 s31;
	[tilespmem:v9+s30+$0x3F0 ss:$0x1] =	vst.idx.msk $0xffff, v10  }
0x279: {  	s16 =	sshll.u32 s14, $0x4  }
0x27a: {  	s31 =	sshll.u32 s14, $0x3;
	s16 =	sand.u32 $0xFFFFFF80, s16  }
0x27b: {  	s14 =	sand.u32 $0x38, s31;
	s16 =	sadd.s32 s16, s6  }
0x27c: {  	s14 =	sadd.s32 s14, s16  }
0x27d: {  	s17 =	sadd.s32 $0x400, s15;
	s16 =	simm.s32 $0x80;
	s18 =	sadd.s32 $0x0, s14  }
.LBB2_10:
0x27e: {  	[hbm:s18] =	stream.linear.scatter [tilespmem:s15], [sflag:$0x3], $0x400, $0x38;
	[tilespmem:$0x18180] =	vst v63  }
0x27f: {  	s18 =	smov.u32 s16;
	s15 =	smov.u32 s17;
	p1 =	sne.s32 s16, $0x780  }
.Ltmp7:
0x280: {  	s16 =	sadd.s32 $0x80, s16;
	(pc) =	sbr.rel @p1 .LBB2_10-.Ltmp7, $2  }
0x281: {  	_ =	sdelay $0x2  }
0x282: {  	s17 =	sadd.s32 $0x400, s17;
	s18 =	sadd.s32 s18, s14  }
.Ltmp8:
0x283: {  	(pc) =	sbr.rel .LBB2_12-.Ltmp8, $2  }
0x284: {  	_ =	sdelay $0x2  }
0x285: {  	[hbm:s18] =	stream.linear.scatter [tilespmem:s15], [sflag:$0x3], $0x400, $0x38;
	[tilespmem:$0x18180] =	vst v63  }
.LBB2_13:
0x286: {  	_ =	sfence.sel $0x180000  }
0x287: {  	s2 =	simm.s32 $0x1;
	[bflag:$0x0] =	sbarrier.arrive $0xFFFF  }
0x288: {  	s30 =	simm.s32 $0x2;
	[sflag:s2] =	ssyncpa.u1 $0x1  }
0x289: {  	s31 =	simm.s32 $0x3;
	[sflag:s30] =	ssyncpa.u1 $0x1  }
0x28a: {  	[sflag:s31] =	ssyncpa.u1 $0x1  }
0x28b: {  	p0 =	sne.s32 s0, $0x0;
	_ =	strace $0x9000004A  }
0x28c: {  	s0 =	sadd.s32 @!p0 $0x100000, s1;
	[bflag:$0x2] =	sbarrier.arrive $0xFFFF  }
0x28d: {  	[sflag:s0] =	ssyncadd.tile.s32 @!p0 $0x1;
	_ =	shalt  }
.Lfunc_end2:
_tile_overlayer_lowered:
.L_overlay_start_2:
0x28e: {  	(tag) =	ssettag $0x2  }
0x28f: {  	s0 =	rddreg [dreg:$0x0];
	s2 =	stileid.u32  }
0x290: {  	s1 =	rddreg [dreg:$0x1];
	p0 =	sne.s32 s2, $0x0  }
0x291: {  	s3 =	rddreg [dreg:$0x2];
	[bflag:$0x3] =	sbarrier.arrive $0xFFFF;
	s2 =	simm.s32 @!p0 $0x1C01  }
0x292: {  	[timem:s3], [sflag:s2] =	dma.local @!p0 [hbm:s0], s1  }
0x293: {  	s0 =	simm.s32 @!p0 $0x1  }
0x294: {  	_ =	swait.ge @!p0 [sflag:s0], s1  }
0x295: {  	s1 =	ssub.s32 @!p0 $0x0, s1;
	[sflag:s0] =	ssyncset.done @!p0 $0x0  }
0x296: {  	[sflag:s0] =	ssyncadd.s32 @!p0 s1  }
0x297: {  	[bflag:$0x3] =	sbarrier.arrive $0xFFFF  }
0x298: {  	_ =	shalt  }

// kernel: scatter_offload_async_start.1
scs
__scs_entry_jumppad:
0x0: {  	(pc) =	sbr.rel $0x88, $3  }
0x1: {  	(tag) =	ssettag $0x0;
	lr =	simm.s32 $0x1  }
0x2: {  	[smem:$0x3F9A] =	sst lr;
	_ =	strace $0xD0000000  }
0x3: {  	_ = 	snop  }
0x4: {  	_ = 	snop  }
0x5: {  	_ = 	snop  }
0x6: {  	_ = 	snop  }
0x7: {  	_ = 	snop  }
__scs_overlays_trampoline_lowered:
0x8: {  	[smem:$0x3FA9] =	sst s0  }
0x9: {  	[smem:$0x3FAA] =	sst s1  }
0xa: {  	[smem:$0x3FAB] =	sst s2  }
0xb: {  	[smem:$0x3FAC] =	sst s3  }
0xc: {  	[smem:$0x3FAD] =	sst s4  }
0xd: {  	[smem:$0x3FAE] =	sst s5  }
0xe: {  	[smem:$0x3FAF] =	sst s6  }
0xf: {  	[smem:$0x3FB0] =	sst s7  }
0x10: {  	[smem:$0x3FB1] =	sst s8  }
0x11: {  	[smem:$0x3FB2] =	sst s9;
	s0 =	simm.s32 @!p0 $0x0  }
0x12: {  	s1 =	sld [smem:$0x3F98];
	s0 =	simm.s32 @p0 $0x1  }
0x13: {  	[smem:$0x3FB3] =	sst s0;
	s0 =	simm.s32 @!p1 $0x0  }
0x14: {  	s2 =	sld [smem:$0x3F97];
	s0 =	simm.s32 @p1 $0x1  }
0x15: {  	[smem:$0x3FB4] =	sst s0;
	s0 =	simm.s32 @!p2 $0x0  }
0x16: {  	s3 =	sld [smem:$0x3FDB];
	s0 =	simm.s32 @p2 $0x1  }
0x17: {  	s4 =	simm.s32 $0x1BF5;
	[smem:$0x3FB6] =	sst s0  }
0x18: {  	s0 =	sld [smem:$0x3F99];
	_ =	swait.ge [sflag:s4], $0x0  }
0x19: {  	s7 =	sld [smem:$0x3F9A]  }
0x1a: {  	s8 =	sadd.s32 $0xFFFFE003, lr  }
0x1b: {  	s9 =	sadd.s32 $0xFFFFFEF7, lr;
	s5 =	simm.s32 $0xFFFFFFFF;
	p2 =	slt.u32 s8, $0xFFFFF086  }
0x1c: {  	p1 =	slt.u32 s9, $0xF7A;
	s5 =	simm.s32 @!p2 $0x0  }
0x1d: {  	s5 =	simm.s32 @p1 $0x1;
	p0 =	seq.s32 s7, s2  }
0x1e: {  	s7 =	smul.u32 @!p0 $0xF7A, s2;
	p2 =	seq.s32 @!p0 s5, $0x0  }
0x1f: {  	s9 =	smul.u32 $0xF7A, s1;
	s8 =	simm.s32 @!p0 $0x1BF5;
	p2 =	por !p2, p0  }
0x20: {  	[sflag:s8] =	ssyncset.s32 @!p0 $0xFFFFF086;
	s6 =	sadd.s32 @!p0 s3, s7;
	s7 =	simm.s32 @!p0 $0x108  }
0x21: {  	s3 =	sadd.s32 s3, s9;
	s6 =	sadd.s32 @!p0 $0x88, s6;
	s7 =	simm.s32 @p2 $0x1082  }
0x22: {  	[simem:s7], [sflag:s8] =	dma.local @!p0 [hbm:s6], $0xF7A  }
0x23: {  	s9 =	sor.u32 $0xD0000000, s2;
	s6 =	simm.s32 $0x108;
	_ =	swait.ge @!p0 [sflag:s8], $0x0  }
0x24: {  	s3 =	sadd.s32 $0x88, s3;
	s6 =	simm.s32 @!p1 $0x1082;
	[sflag:s4] =	ssyncset.s32 $0xFFFFF086  }
0x25: {  	[simem:s6], [sflag:s4] =	dma.local [hbm:s3], $0xF7A  }
0x26: {  	[smem:$0x3F9A] =	sst s1;
	(tag) =	ssettag s2;
	_ =	strace s9  }
0x27: {  	s1 =	sld [smem:$0x3FAA]  }
0x28: {  	s2 =	sld [smem:$0x3FAB]  }
0x29: {  	s4 =	sld [smem:$0x3FAD]  }
0x2a: {  	p0 =	seq.s32 s5, $0x0;
	s5 =	sld [smem:$0x3FAE]  }
0x2b: {  	s6 =	sld [smem:$0x3FAF]  }
0x2c: {  	s7 =	sld [smem:$0x3FB0]  }
0x2d: {  	s3 =	simm.s32 $0x108;
	s8 =	sld [smem:$0x3FB1]  }
0x2e: {  	s3 =	simm.s32 @!p0 $0x1082;
	s9 =	sld [smem:$0x3FB2]  }
0x2f: {  	lr =	sadd.s32 s0, s3;
	s0 =	sld [smem:$0x3FA9]  }
0x30: {  	s3 =	sld [smem:$0x3FAC]  }
0x31: {  	[smem:$0x3FB5] =	sst s10  }
0x32: {  	s10 =	sld [smem:$0x3FB3];
	_ =	sdelay $0x3  }
0x33: {  	p0 =	seq.s32 s10, $0x1;
	s10 =	sld [smem:$0x3FB5];
	_ =	sdelay $0x3  }
0x34: {  	[smem:$0x3FB5] =	sst s10  }
0x35: {  	s10 =	sld [smem:$0x3FB4];
	_ =	sdelay $0x3  }
0x36: {  	p1 =	seq.s32 s10, $0x1;
	s10 =	sld [smem:$0x3FB5];
	_ =	sdelay $0x3  }
0x37: {  	[smem:$0x3FB5] =	sst s10  }
0x38: {  	s10 =	sld [smem:$0x3FB6]  }
0x39: {  	_ = 	snop;
	(pc) =	sbr.ind lr, $3  }
0x3a: {  	_ = 	snop  }
0x3b: {  	_ = 	snop  }
0x3c: {  	p2 =	seq.s32 s10, $0x1;
	s10 =	sld [smem:$0x3FB5]  }
0x3d: {  	_ =	shalt  }
0x3e: {  	_ =	shalt  }
0x3f: {  	_ =	shalt  }
0x40: {  	_ =	shalt  }
0x41: {  	_ =	shalt  }
0x42: {  	_ =	shalt  }
0x43: {  	_ =	shalt  }
0x44: {  	_ =	shalt  }
0x45: {  	_ =	shalt  }
0x46: {  	_ =	shalt  }
0x47: {  	_ =	shalt  }
0x48: {  	_ =	shalt  }
0x49: {  	_ =	shalt  }
0x4a: {  	_ =	shalt  }
0x4b: {  	_ =	shalt  }
0x4c: {  	_ =	shalt  }
0x4d: {  	_ =	shalt  }
0x4e: {  	_ =	shalt  }
0x4f: {  	_ =	shalt  }
0x50: {  	_ =	shalt  }
0x51: {  	_ =	shalt  }
0x52: {  	_ =	shalt  }
0x53: {  	_ =	shalt  }
0x54: {  	_ =	shalt  }
0x55: {  	_ =	shalt  }
0x56: {  	_ =	shalt  }
0x57: {  	_ =	shalt  }
0x58: {  	_ =	shalt  }
0x59: {  	_ =	shalt  }
0x5a: {  	_ =	shalt  }
0x5b: {  	_ =	shalt  }
0x5c: {  	_ =	shalt  }
0x5d: {  	_ =	shalt  }
0x5e: {  	_ =	shalt  }
0x5f: {  	_ =	shalt  }
0x60: {  	_ =	shalt  }
0x61: {  	_ =	shalt  }
0x62: {  	_ =	shalt  }
0x63: {  	_ =	shalt  }
0x64: {  	_ =	shalt  }
0x65: {  	_ =	shalt  }
0x66: {  	_ =	shalt  }
0x67: {  	_ =	shalt  }
0x68: {  	_ =	shalt  }
0x69: {  	_ =	shalt  }
0x6a: {  	_ =	shalt  }
0x6b: {  	_ =	shalt  }
0x6c: {  	_ =	shalt  }
0x6d: {  	_ =	shalt  }
0x6e: {  	_ =	shalt  }
0x6f: {  	_ =	shalt  }
0x70: {  	_ =	shalt  }
0x71: {  	_ =	shalt  }
0x72: {  	_ =	shalt  }
0x73: {  	_ =	shalt  }
0x74: {  	_ =	shalt  }
0x75: {  	_ =	shalt  }
0x76: {  	_ =	shalt  }
0x77: {  	_ =	shalt  }
0x78: {  	_ =	shalt  }
0x79: {  	_ =	shalt  }
0x7a: {  	_ =	shalt  }
0x7b: {  	_ =	shalt  }
0x7c: {  	_ =	shalt  }
0x7d: {  	_ =	shalt  }
0x7e: {  	_ =	shalt  }
0x7f: {  	_ =	shalt  }
0x80: {  	_ =	shalt  }
0x81: {  	_ =	shalt  }
0x82: {  	_ =	shalt  }
0x83: {  	_ =	shalt  }
0x84: {  	_ =	shalt  }
0x85: {  	_ =	shalt  }
0x86: {  	_ =	shalt  }
0x87: {  	_ =	shalt  }
.Lfunc_end0:
.L_simem_size_0:
called_computation.1_lowered:
.L_overlay_start_0:
0x88: {  	s2 =	sld [smem:$0x3FD9]  }
0x89: {  	s3 =	sld [smem:$0x3FFE];
	_ =	sdelay $0x1  }
0x8a: {  	s1 =	srdreg.scid  }
0x8b: {  	s0 =	sand.u32 $0x1, s1  }
0x8c: {  	s15 =	sshll.u32 s0, $0xA;
	s2 =	sadd.s32 s3, s2  }
0x8d: {  	s2 =	sadd.s32 s2, s15  }
0x8e: {  	[smem:$0x3FC1] =	sst s2  }
0x8f: {  	_ = 	snop  }
0x90: {  	(tm) =	ssettm $0x1  }
0x91: {  	s16 =	sld [smem:$0x3FFB];
	_ =	sdelay $0x3  }
0x92: {  	_ =	strace s16  }
0x93: {  	s2 =	sld [smem:$0x3FFC];
	_ =	sdelay $0x3  }
0x94: {  	_ =	strace s2  }
0x95: {  	s2 =	sld [smem:$0x3FFD];
	_ =	sdelay $0x3  }
0x96: {  	_ =	strace s2  }
0x97: {  	_ =	strace $0x8FFFFFFF  }
0x98: {  	s17 =	sld [smem:$0x3FDB];
	_ =	sdelay $0x1  }
0x99: {  	s18 =	simm.s32 $_scs_section_size  }
0x9a: {  	s4 =	simm.s32 $_size__tile_overlayer_lowered;
	s5 =	simm.s32 $_tile_overlayer_lowered  }
0x9b: {  	s21 =	simm.s32 $0x1BFF;
	s20 =	sshll.u32 s5, $0x1;
	s2 =	sadd.s32 s18, s17  }
0x9c: {  	s6 =	simm.s32 $0x0;
	s19 =	sshll.u32 s4, $0x1;
	s4 =	sadd.s32 s20, s2  }
0x9d: {  	[timem:s6], [sflag:s21] =	dma.local [hbm:s4], s19  }
0x9e: {  	_ =	swait.ge [sflag:s21], s19  }
0x9f: {  	s3 =	ssub.s32 $0x0, s19;
	[sflag:s21] =	ssyncset.done $0x0  }
0xa0: {  	[sflag:s21] =	ssyncadd.s32 s3;
	_ =	sdelay $0x1  }
0xa1: {  	s22 =	simm.s32 $0x1B8B  }
0xa2: {  	_ =	swait.ge [sflag:s22], $0x1  }
0xa3: {  	[sflag:s22] =	ssyncset.done $0x0  }
0xa4: {  	s23 =	sld [smem:$0x3FFE];
	[sflag:s22] =	ssyncadd.s32 $0xFFFFFFFF  }
0xa5: {  	s25 =	simm.s32 $0x1B8E;
	s24 =	sld [smem:$0x0]  }
0xa6: {  	s26 =	simm.s32 $execute0_lowered;
	[smem:$0x3FD2] =	sst s25  }
0xa7: {  	s5 =	sshll.u32 s26, $0x1;
	_ =	strace $0x8000004C;
	[dreg:$0x1] =	wrdreg $0xFFFFFFFF  }
0xa8: {  	s28 =	simm.s32 $_size_execute0_lowered;
	s2 =	sadd.s32 s2, s5;
	[dreg:$0x0] =	wrdreg $0x0  }
0xa9: {  	s5 =	sshll.u32 s28, $0x1;
	[dreg:$0x2] =	wrdreg s2  }
0xaa: {  	[dreg:$0x3] =	wrdreg s5  }
0xab: {  	[dreg:$0x4] =	wrdreg $0xC0  }
0xac: {  	_ =	task [dreg:s6], $0x5FFFF  }
0xad: {  	[dreg:$0x1] =	wrdreg $0xFFFFFFFF  }
0xae: {  	[dreg:$0x0] =	wrdreg $0x60  }
0xaf: {  	[dreg:$0x2] =	wrdreg s23  }
0xb0: {  	[dreg:$0x3] =	wrdreg s1  }
0xb1: {  	[dreg:$0x4] =	wrdreg s24  }
0xb2: {  	[dreg:$0x5] =	wrdreg $0x9  }
0xb3: {  	_ =	task.clear_ibuf [dreg:s6], $0x6FFFF;
	_ =	strace $0x9000004C  }
0xb4: {  	s29 =	simm.s32 $0x9;
	_ =	strace $0x8000004E  }
0xb5: {  	_ =	swait.ge [sflag:s29], $0x1  }
0xb6: {  	[sflag:s29] =	ssyncadd.s32 $0xFFFFFFFF  }
0xb7: {  	_ =	strace $0x9000004E  }
0xb8: {  	_ =	sfence  }
0xb9: {  	s30 =	sld [smem:$0x0];
	_ =	sdelay $0x2  }
0xba: {  	s31 =	sshll.u32 s1, $0xD;
	s1 =	sshrl.u32 s1, $0x2  }
0xbb: {  	s3 =	sand.u32 $0x4000, s31;
	s1 =	sadd.s32 s1, s30  }
0xbc: {  	s0 =	sor.u32 s3, s0;
	s1 =	sshll.u32 s1, $0x11  }
0xbd: {  	s0 =	sor.u32 s1, s0  }
0xbe: {  	s0 =	sadd.s32 $0x8F2B, s0  }
0xbf: {  	[sflag:s0] =	ssyncadd.remote.s32 $0x1  }
0xc0: {  	_ =	sfence.sel $0xFFFF  }
0xc1: {  	[dreg:$0x0] =	wrdreg $0xFFFFFFFF;
	(pc) =	sbr.abs _section_cstart, $3  }
0xc2: {  	[dreg:$0x1] =	wrdreg $0xFFFFFFFF  }
0xc3: {  	_ =	task.clear_ibuf [dreg:s6], $0x2FFFF;
	_ =	strace $0x9FFFFFFF  }
0xc4: {  	(tm) =	ssettm $0x7FFFFFFF  }
0xc5: {  	_ =	shalt  }
tec
execute0_lowered:
.L_overlay_start_1:
0x0: {  	(tag) =	ssettag $0x1  }
0x1: {  	s2 =	rddreg [dreg:$0x0];
	_ =	strace $0x8000004D;
	s0 =	simm.s32 $0x1  }
0x2: {  	v0 =	vimm.s32 $0x0;
	[sflag:s0] =	ssyncpa.u1 $0x0;
	s0 =	simm.s32 $0x208  }
0x3: {  	[tilespmem:s0+$0x70] =	vst v0  }
0x4: {  	[tilespmem:s0+$0x60] =	vst v0  }
0x5: {  	[tilespmem:s0+$0x50] =	vst v0  }
0x6: {  	[tilespmem:s0+$0x40] =	vst v0  }
0x7: {  	[tilespmem:s0+$0x30] =	vst v0  }
0x8: {  	s1 =	sadd.s32 $0x91600, s2;
	[tilespmem:s0+$0x20] =	vst v0  }
0x9: {  	s5 =	sadd.s32 $0xF000, s2;
	s6 =	sadd.s32 $0x302600, s2;
	s2 =	simm.s32 $0x40;
	[tilespmem:s0+$0x10] =	vst v0  }
.LBB2_1:
0xa: {  	s2 =	sadd.s32 $0x40, s2;
	[tilespmem:s0+$0x0] =	vst v0;
	s0 =	sadd.s32 $0x80, s0  }
0xb: {  	p0 =	slt.u32 s2, $0x4880;
	[tilespmem:s0+$0x70] =	vst v0  }
0xc: {  	[tilespmem:s0+$0x60] =	vst v0  }
.Ltmp0:
0xd: {  	[tilespmem:s0+$0x50] =	vst v0;
	(pc) =	sbr.rel @p0 .LBB2_1-.Ltmp0, $4  }
0xe: {  	[tilespmem:s0+$0x40] =	vst v0  }
0xf: {  	[tilespmem:s0+$0x30] =	vst v0  }
0x10: {  	[tilespmem:s0+$0x20] =	vst v0  }
0x11: {  	[tilespmem:s0+$0x10] =	vst v0  }
0x12: {  	s2 =	srdreg.scid  }
0x13: {  	s2 =	sshll.u32 s2, $0x4  }
0x14: {  	s9 =	stileid.u32;
	s2 =	sand.u32 $0x10, s2  }
0x15: {  	s2 =	sor.u32 s9, s2  }
0x16: {  	s3 =	smul.u32 $0x22, s2  }
0x17: {  	s4 =	smin.u32 s2, $0x18  }
0x18: {  	s3 =	sadd.s32 s4, s3  }
0x19: {  	p0 =	slt.u32 s2, $0x18;
	s2 =	simm.s32 $0x13B0;
	s7 =	smul.u32 $0x90, s3  }
0x1a: {  	s2 =	simm.s32 @!p0 $0x1320  }
0x1b: {  	s2 =	sadd.s32 s2, s7  }
0x1c: {  	s8 =	smin.u32 s2, $0x27180  }
0x1d: {  	s2 =	ssub.s32 s8, s7  }
0x1e: {  	p0 =	sgt.s32 s2, $0x0  }
0x1f: {  	s2 =	simm.s32 @!p0 $0x0  }
0x20: {  	s29 =	smulhi.u32 $0x38E38E39, s2;
	_ =	sdelay $0x1  }
0x21: {  	s30 =	simm.s32 $0x2;
	s10 =	simm.s32 $0x9;
	s3 =	sshrl.u32 s29, $0x5  }
0x22: {  	[tilespmem:s0+$0x0] =	vst v0;
	s0 =	simm.s32 $0x1;
	s11 =	simm.s32 $0x1;
	s31 =	smul.u32 $0x90, s3  }
.Ltmp1:
0x23: {  	p1 =	por $0x0, $0x0;
	s14 =	simm.s32 $0xA;
	(pc) =	sbr.rel .LBB2_3-.Ltmp1, $4  }
0x24: {  	s15 =	simm.s32 $0x80;
	s16 =	simm.s32 $0x40;
	s18 =	simm.s32 $0x0  }
0x25: {  	v0 =	vimm.s32 $0xFFFFFFFF;
	[sflag:s30] =	ssyncpa.u1 $0x0;
	s13 =	sshll.u32 s9, $0x9;
	p0 =	sne.s32 s2, s31  }
0x26: {  	[tilespmem:$0x12408] =	vst v0;
	[sflag:s10] =	ssyncpa.u1 $0x0;
	s17 =	smov.u32 s7;
	s0 =	simm.s32 @!p0 $0x0  }
0x27: {  	v0 =	vlaneseq.u32;
	p0 =	por $0x1, $0x1;
	s12 =	sadd.s32 s0, s3;
	s0 =	simm.s32 $0x0  }
.LBB2_29:
0x28: {  	s0 =	sshrl.u32 s25, $0x2  }
.LBB2_31:
0x29: {  	_ =	swait.ge [sflag:s14], s0;
	v1 =	vmov s21;
	vm0 =	veq.s32 v0, $0x0  }
0x2a: {  	s31 =	ssub.s32 $0x0, s0;
	vm14 =	veq.s32 v0, $0x2;
	[sflag:s14] =	ssyncset.done $0x0;
	v1 =	vsel vm0, s20, v1  }
0x2b: {  	vm15 =	veq.s32 v0, $0x3;
	[sflag:s14] =	ssyncadd.s32 s31;
	v1 =	vsel vm14, s22, v1  }
0x2c: {  	[sflag:s14] =	ssyncpa.u1 $0x1;
	v1 =	vsel vm15, s28, v1  }
0x2d: {  	[tilespmem:$0x12408] =	vst v1  }
.LBB2_32:
0x2e: {  	s0 =	sadd.s32 $0x90, s17  }
0x2f: {  	s2 =	smov.u32 s7;
	p2 =	slt.s32 s0, s8  }
0x30: {  	s2 =	smov.u32 @p2 s0;
	p2 =	sne.s32 s18, s12  }
.Ltmp2:
0x31: {  	_ = 	snop;
	(pc) =	sbr.rel @!p2 .LBB2_33-.Ltmp2, $3  }
0x32: {  	_ =	sdelay $0x1  }
0x33: {  	s3 =	sadd.s32 $0x1, s18;
	p0 =	por !p0, !p0;
	p1 =	por !p1, !p1  }
0x34: {  	s0 =	smov.u32 s17;
	s18 =	smov.u32 s3;
	s17 =	smov.u32 s2  }
.LBB2_3:
0x35: {  	p2 =	sge.u32 s18, s12  }
0x36: {  	p3 =	sgt.s32 @!p2 s17, $0x270F0  }
0x37: {  	s2 =	smov.u32 s17;
	s3 =	sshra.s32 @!p2 s17, $0x1F;
	p3 =	por !p3, p2  }
0x38: {  	s3 =	sand.u32 @!p2 s3, s17;
	s2 =	simm.s32 @p3 $0x270F0  }
0x39: {  	s2 =	ssub.s32 @!p2 s2, s3;
	s3 =	sxor.u32 @!p2 $0xFFFFFFFF, s18  }
0x3a: {  	s2 =	sadd.s32 @!p2 $0xFFFD8F10, s2;
	s3 =	sand.u32 @!p2 $0x1, s3  }
0x3b: {  	s4 =	sshll.u32 @!p2 s2, $0x2;
	p3 =	sgt.s32 @!p2 s2, $0x8F;
	s3 =	smul.u32 @!p2 $0x240, s3  }
0x3c: {  	s19 =	sand.u32 @!p2 $0x7, s17;
	s2 =	ssub.s32 @!p2 $0x240, s4;
	p3 =	por !p3, p2  }
0x3d: {  	s4 =	sshrl.u32 @!p2 s17, $0x3;
	s2 =	sshrl.u32 @!p2 s2, $0x2;
	s3 =	sshrl.u32 @!p2 s3, $0x2  }
0x3e: {  	s4 =	sadd.s32 @!p2 s5, s4;
	s2 =	simm.s32 @!p3 $0x0;
	s3 =	sadd.s32 @!p2 $0x14448, s3  }
0x3f: {  	[tilespmem:s3], [sflag:$0x9] =	stream.linear.gather @!p2 [hbm4b:s4+s19], s2, $0x38;
	[tilespmem:$0x1D568] =	vst v63  }
0x40: {  	s2 =	ssub.s32 @!p2 $0x27100, s17  }
0x41: {  	p3 =	slt.s32 @!p2 s2, $0x1  }
0x42: {  	p3 =	por p2, p3  }
.Ltmp3:
0x43: {  	_ = 	snop;
	(pc) =	sbr.rel @p3 .LBB2_7-.Ltmp3, $1  }
0x44: {  	_ =	sdelay $0x3  }
0x45: {  	p3 =	sgt.s32 @!p2 s2, $0x0  }
0x46: {  	p3 =	por !p3, p2  }
0x47: {  	s3 =	simm.s32 $0x1;
	s2 =	simm.s32 @p3 $0x0  }
0x48: {  	s3 =	simm.s32 @!p0 $0x0;
	s19 =	smin.u32 @!p2 s2, $0x90  }
0x49: {  	s3 =	smul.u32 $0x12000, s3;
	p2 =	sgt.u32 s19, $0x2  }
.Ltmp4:
0x4a: {  	s21 =	sshll.u32 s17, $0x7;
	s4 =	sshll.u32 s17, $0x8;
	(pc) =	sbr.rel @!p2 .LBB2_6-.Ltmp4, $4  }
0x4b: {  	s22 =	sand.u32 $0xFFFFF800, s4;
	s23 =	sand.u32 $0x300, s21  }
0x4c: {  	s20 =	simm.s32 $0x2;
	s31 =	sor.u32 s23, s22;
	s3 =	sshrl.u32 s3, $0x2  }
0x4d: {  	s21 =	sadd.s32 $0x100, s21;
	s22 =	sshrl.u32 s31, $0x4;
	s3 =	sadd.s32 $0x14568, s3  }
0x4e: {  	s2 =	sadd.s32 $0x200, s4;
	s22 =	sadd.s32 s6, s22;
	s4 =	sadd.s32 $0x100, s3  }
.LBB2_5:
0x4f: {  	[tilespmem:s3], [sflag:$0x9] =	stream.strided.gather [hbm:s22], $0x100, s16, s15, $0x38;
	[tilespmem:$0x1D568] =	vst v63  }
0x50: {  	s20 =	sadd.s32 $0x2, s20  }
0x51: {  	p2 =	slt.u32 s20, s19  }
.Ltmp5:
0x52: {  	s3 =	smov.u32 s4;
	(pc) =	sbr.rel @p2 .LBB2_5-.Ltmp5, $4  }
0x53: {  	s22 =	sand.u32 $0xFFFFF800, s2;
	s23 =	sand.u32 $0x300, s21  }
0x54: {  	s22 =	sor.u32 s23, s22  }
0x55: {  	s2 =	sadd.s32 $0x200, s2;
	s22 =	sshrl.u32 s22, $0x4  }
0x56: {  	s4 =	sadd.s32 $0x100, s4;
	s21 =	sadd.s32 $0x100, s21;
	s22 =	sadd.s32 s6, s22  }
.LBB2_6:
0x57: {  	[tilespmem:s3], [sflag:$0x9] =	stream.strided.gather [hbm:s22], $0x100, s16, s15, $0x38;
	[tilespmem:$0x1D568] =	vst v63  }
.LBB2_7:
0x58: {  	p2 =	seq.s32 s18, $0x0  }
.Ltmp6:
0x59: {  	_ = 	snop;
	(pc) =	sbr.rel @p2 .LBB2_32-.Ltmp6, $1  }
0x5a: {  	_ =	sdelay $0x3  }
0x5b: {  	p2 =	sgt.s32 s0, $0x270F0  }
0x5c: {  	s2 =	smov.u32 s0;
	s3 =	sshra.s32 s0, $0x1F;
	s4 =	ssub.s32 $0x27100, s0  }
0x5d: {  	s2 =	simm.s32 @!p2 $0x270F0;
	s3 =	sand.u32 s3, s0;
	p2 =	sgt.s32 s4, $0x0  }
0x5e: {  	s2 =	ssub.s32 s2, s3;
	s4 =	simm.s32 @!p2 $0x0  }
0x5f: {  	s2 =	sadd.s32 $0xFFFD8F10, s2;
	s29 =	smin.u32 s4, $0x90  }
0x60: {  	s19 =	sshll.u32 s2, $0x2;
	s3 =	sshll.u32 s29, $0x7  }
0x61: {  	p2 =	sgt.s32 s2, $0x8F;
	s30 =	ssub.s32 $0x240, s19;
	_ =	swait.ge [sflag:s10], s3  }
0x62: {  	s3 =	ssub.s32 $0x0, s3;
	[sflag:s10] =	ssyncset.done $0x0;
	s2 =	sshrl.u32 s30, $0x2  }
0x63: {  	[sflag:s10] =	ssyncadd.s32 s3;
	s2 =	simm.s32 @p2 $0x0  }
0x64: {  	_ =	swait.ge [sflag:s10], s2  }
0x65: {  	s2 =	ssub.s32 $0x0, s2;
	[sflag:s10] =	ssyncset.done $0x0  }
0x66: {  	[sflag:s10] =	ssyncadd.s32 s2  }
0x67: {  	v1 =	vld [tilespmem:$0x12408];
	_ =	sdelay $0x4  }
0x68: {  	(v2sf) =	vpush v1, $0x0  }
0x69: {  	(v2sf) =	vpush v1, $0x1  }
0x6a: {  	(v2sf) =	vpush v1, $0x2  }
0x6b: {  	(v2sf) =	vpush v1, $0x3;
	_ =	sdelay $0x3  }
0x6c: {  	s2 =	sadd.s32 $0x90, s0  }
0x6d: {  	p2 =	slt.s32 s8, s2  }
0x6e: {  	s2 =	smov.u32 @p2 s8  }
0x6f: {  	s19 =	ssub.s32 s2, s0  }
0x70: {  	p2 =	slt.s32 s4, s19  }
0x71: {  	s19 =	smov.u32 @p2 s4  }
0x72: {  	s3 =	simm.s32 $0x1;
	p2 =	slt.s32 s19, $0x1  }
.Ltmp7:
0x73: {  	s3 =	simm.s32 @!p1 $0x0;
	(pc) =	sbr.rel @p2 .LBB2_12-.Ltmp7, $4  }
0x74: {  	s31 =	smul.u32 $0x240, s3;
	s23 =	spop (v2sf)  }
0x75: {  	s25 =	spop (v2sf)  }
0x76: {  	s0 =	sshrl.u32 s31, $0x2;
	s22 =	spop (v2sf)  }
0x77: {  	s24 =	sadd.s32 $0x14448, s0;
	s28 =	spop (v2sf)  }
0x78: {  	s0 =	smin.u32 s19, $0x10  }
0x79: {  	v1 =	vmov s0  }
0x7a: {  	vm1 =	vgt.u32 v1, v0;
	_ =	sdelay $0x1  }
0x7b: {  	p3 =	sgt.s32 s19, $0x10  }
.Ltmp8:
0x7c: {  	_ = 	snop;
	(pc) =	sbr.rel @!p3 .LBB2_11-.Ltmp8, $3  }
0x7d: {  	_ =	sdelay $0x1  }
0x7e: {  	v1 =	vld.msk [tilespmem:s24+$0x0 ss:$0x1], vm1  }
0x7f: {  	s3 =	simm.s32 $0x10;
	s20 =	sadd.s32 $0xFFFFFFF0, s19;
	s0 =	smov.u32 s24;
	vm0 =	vmmov vm1  }
.LBB2_10:
0x80: {  	s2 =	smin.u32 s20, $0x10;
	s3 =	sadd.s32 $0x10, s3  }
0x81: {  	v2 =	vmov s2;
	p3 =	slt.s32 s3, s19  }
0x82: {  	vm1 =	vgt.u32 v2, v0  }
0x83: {  	v2 =	vshll.u32 v1, $0x7  }
0x84: {  	v3 =	vand.u32 $0x1, v1;
	v1 =	vshll.u32 v1, $0x8;
	v2 =	vand.u32 $0x300, v2  }
0x85: {  	v1 =	vand.u32 $0xFFFFF800, v1;
	v2 =	vor.u32 v3, v2  }
.Ltmp9:
0x86: {  	v1 =	vor.u32 v1, v2;
	(pc) =	sbr.rel @p3 .LBB2_10-.Ltmp9, $3  }
0x87: {  	[tilespmem:s0+$0x0] =	vst.msk vm0, v1;
	s0 =	sadd.s32 $0x10, s0;
	vm0 =	vmmov vm1  }
0x88: {  	v1 =	vld.msk [tilespmem:s0+$0x0 ss:$0x1], vm1;
	_ =	sdelay $0x1  }
0x89: {  	s20 =	sadd.s32 $0xFFFFFFF0, s20  }
.LBB2_11:
0x8a: {  	_ =	sdelay $0x2  }
0x8b: {  	v2 =	vshll.u32 v1, $0x7  }
0x8c: {  	v3 =	vand.u32 $0x1, v1;
	v1 =	vshll.u32 v1, $0x8;
	v2 =	vand.u32 $0x300, v2  }
0x8d: {  	v1 =	vand.u32 $0xFFFFF800, v1;
	v2 =	vor.u32 v3, v2  }
0x8e: {  	v1 =	vor.u32 v1, v2  }
0x8f: {  	[tilespmem:s0+$0x0] =	vst.msk vm0, v1  }
.LBB2_12:
0x90: {  	s0 =	sand.u32 $0x1, s18  }
0x91: {  	s30 =	smul.u32 $0x90, s0  }
0x92: {  	p3 =	sne.s32 s25, $0xFFFFFFFF  }
0x93: {  	v1 =	vld.msk @!p3 [tilespmem:s30+$0x14448], $0x1;
	_ =	sdelay $0x4  }
0x94: {  	(v2sf) =	vpush @!p3 v1, $0x0;
	_ =	sdelay $0xc  }
.Ltmp10:
0x95: {  	_ = 	snop;
	(pc) =	sbr.rel @p2 .LBB2_30-.Ltmp10, $4  }
0x96: {  	_ = 	snop  }
0x97: {  	s20 =	spop @!p3 (v2sf)  }
0x98: {  	s28 =	simm.s32 @!p3 $0x1;
	s22 =	simm.s32 @!p3 $0x0;
	s21 =	smov.u32 s20  }
0x99: {  	[sflag:s14] =	ssyncpa.u1 $0x0;
	s20 =	smov.u32 @p3 s23;
	s21 =	smov.u32 @p3 s25  }
0x9a: {  	v1 =	vld.msk [tilespmem:s24+$0x0], $0x1;
	_ =	sdelay $0x4  }
0x9b: {  	(v2sf) =	vpush v1, $0x0;
	_ =	sdelay $0xe  }
0x9c: {  	s29 =	spop (v2sf)  }
0x9d: {  	s2 =	sxor.u32 s20, s29  }
0x9e: {  	p2 =	slt.u32 s2, $0x2  }
0x9f: {  	s23 =	simm.s32 $0x0;
	p3 =	sgt.s32 @!p2 s20, $0x0  }
0xa0: {  	s26 =	sadd.s32 $0xFFFFFFFF, s19;
	s2 =	smov.u32 s20;
	p3 =	por !p3, p2  }
0xa1: {  	s24 =	sadd.s32 $0x1, s24;
	s2 =	simm.s32 @p3 $0x0;
	p3 =	sne.s32 s26, $0x0  }
.Ltmp11:
0xa2: {  	s3 =	simm.s32 @!p2 $0x1;
	s2 =	smin.u32 @!p2 s2, $0x27FB01;
	(pc) =	sbr.rel @!p3 .LBB2_15-.Ltmp11, $4  }
0xa3: {  	s25 =	simm.s32 @!p2 $0x9308;
	s4 =	sshrl.u32 @!p2 s2, $0x1;
	s2 =	sshrl.u32 @!p2 s2, $0x4  }
0xa4: {  	s3 =	smov.u32 @p2 s23;
	s31 =	sadd.s32 @!p2 s1, s2;
	s4 =	sand.u32 @!p2 $0x7, s4  }
0xa5: {  	[tilespmem:s25], [sflag:$0x2] =	stream.linear.gather @!p2 [hbm4b:s31+s4], $0x80, $0x38;
	[tilespmem:$0x1D568] =	vst v63  }
0xa6: {  	s2 =	simm.s32 @!p2 $0x9388;
	s25 =	sadd.s32 $0x14448, s30;
	s30 =	sadd.s32 @!p2 $0x40, s31  }
.LBB2_14:
0xa7: {  	s31 =	smov.u32 s3  }
0xa8: {  	[tilespmem:s2], [sflag:$0x2] =	stream.linear.gather @!p2 [hbm4b:s30+s4], $0x80, $0x38;
	[tilespmem:$0x1D568] =	vst v63  }
0xa9: {  	s26 =	sadd.s32 $0xFFFFFFFF, s26;
	s4 =	smov.u32 s29;
	v1 =	vld.msk [tilespmem:s24+$0x0], $0x1  }
0xaa: {  	p3 =	sne.s32 s26, $0x0;
	_ =	sdelay $0x3  }
0xab: {  	(v2sf) =	vpush v1, $0x0;
	_ =	sdelay $0xe  }
0xac: {  	s29 =	spop (v2sf)  }
0xad: {  	s2 =	sxor.u32 s4, s29  }
0xae: {  	p2 =	slt.u32 s2, $0x2  }
0xaf: {  	p4 =	sgt.s32 @!p2 s4, $0x0;
	s2 =	sshll.u32 @!p2 s3, $0xA;
	s3 =	sadd.s32 @!p2 $0x1, s3  }
0xb0: {  	p4 =	por !p4, p2;
	s2 =	sshra.s32 @!p2 s2, $0x2;
	s3 =	smov.u32 @p2 s31  }
0xb1: {  	s4 =	simm.s32 @p4 $0x0;
	s30 =	sadd.s32 @!p2 $0x9308, s2;
	s2 =	sadd.s32 @!p2 $0x9388, s2  }
.Ltmp12:
0xb2: {  	s4 =	smin.u32 @!p2 s4, $0x27FB01;
	(pc) =	sbr.rel @p3 .LBB2_14-.Ltmp12, $4  }
0xb3: {  	s31 =	sshrl.u32 @!p2 s4, $0x1;
	s4 =	sshrl.u32 @!p2 s4, $0x4  }
0xb4: {  	s9 =	sadd.s32 @!p2 s1, s4;
	s4 =	sand.u32 @!p2 $0x7, s31  }
0xb5: {  	[tilespmem:s30], [sflag:$0x2] =	stream.linear.gather @!p2 [hbm4b:s9+s4], $0x80, $0x38;
	[tilespmem:$0x1D568] =	vst v63  }
0xb6: {  	s24 =	sadd.s32 $0x1, s24;
	s30 =	sadd.s32 @!p2 $0x40, s9  }
.LBB2_15:
0xb7: {  	[tilespmem:s2], [sflag:$0x2] =	stream.linear.gather @!p2 [hbm4b:s30+s4], $0x80, $0x38;
	[tilespmem:$0x1D568] =	vst v63  }
0xb8: {  	s0 =	smul.u32 $0x12000, s0  }
.Ltmp13:
0xb9: {  	s30 =	sshll.u32 s3, $0x8;
	(pc) =	sbr.rel .LBB2_16-.Ltmp13, $4  }
0xba: {  	s31 =	simm.s32 $0x2;
	s2 =	sand.u32 $0x3FFFFF00, s30  }
0xbb: {  	s24 =	sand.u32 $0xFFFFFFFE, s21;
	_ =	swait.ge [sflag:s31], s2;
	s0 =	sshrl.u32 s0, $0x2  }
0xbc: {  	s2 =	ssub.s32 $0x0, s2;
	[sflag:s31] =	ssyncset.done $0x0;
	s0 =	sadd.s32 $0x14568, s0  }
0xbd: {  	v1 =	vmov s25;
	s25 =	simm.s32 $0x0;
	s26 =	simm.s32 $0x0;
	[sflag:s31] =	ssyncadd.s32 s2;
	v2 =	vmov s0  }
.LBB2_17:
0xbe: {  	_ =	sdelay $0x1  }
0xbf: {  	s2 =	sshll.u32 s26, $0x7  }
0xc0: {  	s3 =	sand.u32 $0x7FFFFF00, s2  }
0xc1: {  	v3 =	vld.idx.msk [tilespmem:v2+s3+$0x0 ss:$0x1], $0xffff  }
0xc2: {  	v4 =	vld.idx.msk [tilespmem:v2+s3+$0x10 ss:$0x1], $0xffff;
	_ =	sdelay $0x2  }
0xc3: {  	s0 =	sand.u32 $0x1, s26  }
0xc4: {  	s29 =	sshll.u32 s22, $0xA;
	p2 =	seq.s32 s0, $0x1;
	v5 =	vunpack.i.u.bf16.f32 v3;
	v3 =	vunpack.i.l.bf16.f32 v3  }
0xc5: {  	s0 =	sshra.s32 s29, $0x2;
	v34 =	vunpack.i.u.bf16.f32 v4;
	v4 =	vunpack.i.l.bf16.f32 v4;
	v3 =	vpsel p2, v5, v3  }
0xc6: {  	[tilespmem:s0+$0x208] =	vst.add.f32.msk $0xffff, v3;
	v3 =	vpsel p2, v34, v4  }
0xc7: {  	[tilespmem:s0+$0x218] =	vst.add.f32.msk $0xffff, v3  }
0xc8: {  	v3 =	vld.idx.msk [tilespmem:v2+s3+$0x20 ss:$0x1], $0xffff  }
0xc9: {  	v35 =	vld.idx.msk [tilespmem:v2+s3+$0x30 ss:$0x1], $0xffff  }
0xca: {  	v36 =	vld.idx.msk [tilespmem:v2+s3+$0x40 ss:$0x1], $0xffff  }
0xcb: {  	v6 =	vld.idx.msk [tilespmem:v2+s3+$0x50 ss:$0x1], $0xffff  }
0xcc: {  	s2 =	sand.u32 $0x7FFFFF80, s2;
	v7 =	vld.idx.msk [tilespmem:v2+s3+$0x60 ss:$0x1], $0xffff  }
0xcd: {  	v9 =	vld.idx.msk [tilespmem:v2+s3+$0x70 ss:$0x1], $0xffff;
	s30 =	sor.u32 $0x80, s2;
	v8 =	vunpack.i.u.bf16.f32 v3;
	v3 =	vunpack.i.l.bf16.f32 v3  }
0xce: {  	v10 =	vld.idx.msk [tilespmem:v2+s30+$0x0 ss:$0x1], $0xffff;
	v37 =	vunpack.i.u.bf16.f32 v35;
	v4 =	vunpack.i.l.bf16.f32 v35;
	v3 =	vpsel p2, v8, v3  }
0xcf: {  	v38 =	vunpack.i.u.bf16.f32 v36;
	v5 =	vunpack.i.l.bf16.f32 v36;
	[tilespmem:s0+$0x228] =	vst.add.f32.msk $0xffff, v3;
	v3 =	vpsel p2, v37, v4  }
0xd0: {  	v39 =	vunpack.i.u.bf16.f32 v6;
	v40 =	vunpack.i.l.bf16.f32 v6;
	[tilespmem:s0+$0x238] =	vst.add.f32.msk $0xffff, v3;
	v3 =	vpsel p2, v38, v5  }
0xd1: {  	v41 =	vunpack.i.u.bf16.f32 v7;
	v42 =	vunpack.i.l.bf16.f32 v7;
	[tilespmem:s0+$0x248] =	vst.add.f32.msk $0xffff, v3;
	v3 =	vpsel p2, v39, v40  }
0xd2: {  	v43 =	vunpack.i.u.bf16.f32 v9;
	v44 =	vunpack.i.l.bf16.f32 v9;
	[tilespmem:s0+$0x258] =	vst.add.f32.msk $0xffff, v3;
	v3 =	vpsel p2, v41, v42  }
0xd3: {  	v45 =	vunpack.i.u.bf16.f32 v10;
	v46 =	vunpack.i.l.bf16.f32 v10;
	[tilespmem:s0+$0x268] =	vst.add.f32.msk $0xffff, v3;
	v3 =	vpsel p2, v43, v44  }
0xd4: {  	[tilespmem:s0+$0x278] =	vst.add.f32.msk $0xffff, v3;
	v3 =	vpsel p2, v45, v46  }
0xd5: {  	s31 =	sor.u32 $0x90, s2;
	[tilespmem:s0+$0x288] =	vst.add.f32.msk $0xffff, v3  }
0xd6: {  	s4 =	sor.u32 $0xA0, s2;
	v3 =	vld.idx.msk [tilespmem:v2+s31+$0x0 ss:$0x1], $0xffff  }
0xd7: {  	s9 =	sor.u32 $0xB0, s2;
	v47 =	vld.idx.msk [tilespmem:v2+s4+$0x0 ss:$0x1], $0xffff  }
0xd8: {  	s29 =	sor.u32 $0xC0, s2;
	v48 =	vld.idx.msk [tilespmem:v2+s9+$0x0 ss:$0x1], $0xffff  }
0xd9: {  	v49 =	vld.idx.msk [tilespmem:v2+s29+$0x0 ss:$0x1], $0xffff;
	s30 =	sor.u32 $0xD0, s2  }
0xda: {  	v50 =	vld.idx.msk [tilespmem:v2+s30+$0x0 ss:$0x1], $0xffff;
	s31 =	sor.u32 $0xE0, s2  }
0xdb: {  	s2 =	sor.u32 $0xF0, s2;
	v52 =	vld.idx.msk [tilespmem:v2+s31+$0x0 ss:$0x1], $0xffff;
	v51 =	vunpack.i.u.bf16.f32 v3;
	v3 =	vunpack.i.l.bf16.f32 v3  }
0xdc: {  	v53 =	vunpack.i.u.bf16.f32 v47;
	v4 =	vunpack.i.l.bf16.f32 v47;
	v54 =	vld.idx.msk [tilespmem:v2+s2+$0x0 ss:$0x1], $0xffff;
	v3 =	vpsel p2, v51, v3  }
0xdd: {  	v55 =	vunpack.i.u.bf16.f32 v48;
	v5 =	vunpack.i.l.bf16.f32 v48;
	[tilespmem:s0+$0x298] =	vst.add.f32.msk $0xffff, v3;
	v3 =	vpsel p2, v53, v4  }
0xde: {  	v56 =	vunpack.i.u.bf16.f32 v49;
	v57 =	vunpack.i.l.bf16.f32 v49;
	[tilespmem:s0+$0x2A8] =	vst.add.f32.msk $0xffff, v3;
	v3 =	vpsel p2, v55, v5  }
0xdf: {  	v58 =	vunpack.i.u.bf16.f32 v50;
	v59 =	vunpack.i.l.bf16.f32 v50;
	[tilespmem:s0+$0x2B8] =	vst.add.f32.msk $0xffff, v3;
	v3 =	vpsel p2, v56, v57  }
0xe0: {  	v60 =	vunpack.i.u.bf16.f32 v52;
	v61 =	vunpack.i.l.bf16.f32 v52;
	[tilespmem:s0+$0x2C8] =	vst.add.f32.msk $0xffff, v3;
	v3 =	vpsel p2, v58, v59  }
0xe1: {  	v62 =	vunpack.i.u.bf16.f32 v54;
	v63 =	vunpack.i.l.bf16.f32 v54;
	[tilespmem:s0+$0x2D8] =	vst.add.f32.msk $0xffff, v3;
	v3 =	vpsel p2, v60, v61  }
0xe2: {  	[tilespmem:s0+$0x2E8] =	vst.add.f32.msk $0xffff, v3;
	v3 =	vpsel p2, v62, v63  }
0xe3: {  	[tilespmem:s0+$0x2F8] =	vst.add.f32.msk $0xffff, v3  }
.LBB2_28:
0xe4: {  	s26 =	sadd.s32 $0x1, s26  }
0xe5: {  	p2 =	sne.s32 s26, s19  }
.Ltmp14:
0xe6: {  	_ = 	snop;
	(pc) =	sbr.rel @!p2 .LBB2_29-.Ltmp14, $1  }
0xe7: {  	_ =	sdelay $0x3  }
.LBB2_16:
0xe8: {  	_ =	sdelay $0x3  }
0xe9: {  	v3 =	vld.idx.msk [tilespmem:v1+s26+$0x0 ss:$0x1], $0x1;
	_ =	sdelay $0x4  }
0xea: {  	(v2sf) =	vpush v3, $0x0;
	_ =	sdelay $0xe  }
0xeb: {  	s31 =	smov.u32 s20;
	s20 =	spop (v2sf)  }
0xec: {  	p2 =	sne.s32 s31, s20  }
.Ltmp15:
0xed: {  	_ = 	snop;
	(pc) =	sbr.rel @!p2 .LBB2_17-.Ltmp15, $1  }
0xee: {  	_ =	sdelay $0x3  }
0xef: {  	s0 =	sand.u32 $0xFFFFFFFE, s31;
	s2 =	sand.u32 $0xFFFFFFFE, s20  }
0xf0: {  	p2 =	sne.s32 s0, s2  }
.Ltmp16:
0xf1: {  	_ = 	snop;
	(pc) =	sbr.rel @p2 .LBB2_20-.Ltmp16, $3  }
0xf2: {  	_ =	sdelay $0x1  }
0xf3: {  	s29 =	sadd.s32 $0x1, s22  }
0xf4: {  	s30 =	smulhi.u32 $0x38E38E39, s29  }
0xf5: {  	_ =	sdelay $0x1  }
0xf6: {  	s0 =	sshll.u32 s26, $0x7  }
0xf7: {  	s2 =	sand.u32 $0x7FFFFF00, s0  }
0xf8: {  	v3 =	vld.idx.msk [tilespmem:v2+s2+$0x0 ss:$0x1], $0xffff  }
0xf9: {  	v4 =	vld.idx.msk [tilespmem:v2+s2+$0x10 ss:$0x1], $0xffff  }
0xfa: {  	s3 =	sshrl.u32 s30, $0x5;
	v5 =	vld.idx.msk [tilespmem:v2+s2+$0x20 ss:$0x1], $0xffff  }
0xfb: {  	s3 =	smul.u32 $0x90, s3;
	v6 =	vld.idx.msk [tilespmem:v2+s2+$0x30 ss:$0x1], $0xffff  }
0xfc: {  	s4 =	sand.u32 $0x1, s26;
	v7 =	vld.idx.msk [tilespmem:v2+s2+$0x40 ss:$0x1], $0xffff  }
0xfd: {  	p2 =	seq.s32 s4, $0x1;
	v9 =	vld.idx.msk [tilespmem:v2+s2+$0x50 ss:$0x1], $0xffff;
	s22 =	ssub.s32 s29, s3;
	v8 =	vunpack.i.u.bf16.f32 v3;
	v3 =	vunpack.i.l.bf16.f32 v3  }
0xfe: {  	v10 =	vld.idx.msk [tilespmem:v2+s2+$0x60 ss:$0x1], $0xffff;
	s3 =	sand.u32 $0x7FFFFF80, s0;
	s0 =	sshll.u32 s22, $0x8;
	v27 =	vunpack.i.u.bf16.f32 v4;
	v4 =	vunpack.i.l.bf16.f32 v4;
	v3 =	vpsel p2, v8, v3  }
0xff: {  	v29 =	vld.idx.msk [tilespmem:v2+s2+$0x70 ss:$0x1], $0xffff;
	s29 =	sor.u32 $0x80, s3;
	v28 =	vunpack.i.u.bf16.f32 v5;
	v5 =	vunpack.i.l.bf16.f32 v5;
	[tilespmem:s0+$0x208] =	vst v3;
	v3 =	vpsel p2, v27, v4  }
0x100: {  	s30 =	sor.u32 $0x90, s3;
	v32 =	vld.idx.msk [tilespmem:v2+s29+$0x0 ss:$0x1], $0xffff;
	v30 =	vunpack.i.u.bf16.f32 v6;
	v31 =	vunpack.i.l.bf16.f32 v6;
	[tilespmem:s0+$0x218] =	vst v3;
	v3 =	vpsel p2, v28, v5  }
0x101: {  	s31 =	sor.u32 $0xA0, s3;
	v35 =	vld.idx.msk [tilespmem:v2+s30+$0x0 ss:$0x1], $0xffff;
	v33 =	vunpack.i.u.bf16.f32 v7;
	v34 =	vunpack.i.l.bf16.f32 v7;
	[tilespmem:s0+$0x228] =	vst v3;
	v3 =	vpsel p2, v30, v31  }
0x102: {  	s4 =	sor.u32 $0xB0, s3;
	v38 =	vld.idx.msk [tilespmem:v2+s31+$0x0 ss:$0x1], $0xffff;
	v36 =	vunpack.i.u.bf16.f32 v9;
	v37 =	vunpack.i.l.bf16.f32 v9;
	[tilespmem:s0+$0x238] =	vst v3;
	v3 =	vpsel p2, v33, v34  }
0x103: {  	s9 =	sor.u32 $0xC0, s3;
	v41 =	vld.idx.msk [tilespmem:v2+s4+$0x0 ss:$0x1], $0xffff;
	v39 =	vunpack.i.u.bf16.f32 v10;
	v40 =	vunpack.i.l.bf16.f32 v10;
	[tilespmem:s0+$0x248] =	vst v3;
	v3 =	vpsel p2, v36, v37  }
0x104: {  	v44 =	vld.idx.msk [tilespmem:v2+s9+$0x0 ss:$0x1], $0xffff;
	s29 =	sor.u32 $0xD0, s3;
	v42 =	vunpack.i.u.bf16.f32 v29;
	v43 =	vunpack.i.l.bf16.f32 v29;
	[tilespmem:s0+$0x258] =	vst v3;
	v3 =	vpsel p2, v39, v40  }
0x105: {  	s30 =	sor.u32 $0xE0, s3;
	v47 =	vld.idx.msk [tilespmem:v2+s29+$0x0 ss:$0x1], $0xffff;
	v45 =	vunpack.i.u.bf16.f32 v32;
	v46 =	vunpack.i.l.bf16.f32 v32;
	[tilespmem:s0+$0x268] =	vst v3;
	v3 =	vpsel p2, v42, v43  }
0x106: {  	s31 =	sor.u32 $0xF0, s3;
	v50 =	vld.idx.msk [tilespmem:v2+s30+$0x0 ss:$0x1], $0xffff;
	v48 =	vunpack.i.u.bf16.f32 v35;
	v49 =	vunpack.i.l.bf16.f32 v35;
	[tilespmem:s0+$0x278] =	vst v3;
	v3 =	vpsel p2, v45, v46  }
0x107: {  	v53 =	vld.idx.msk [tilespmem:v2+s31+$0x0 ss:$0x1], $0xffff;
	v51 =	vunpack.i.u.bf16.f32 v38;
	v52 =	vunpack.i.l.bf16.f32 v38;
	[tilespmem:s0+$0x288] =	vst v3;
	v3 =	vpsel p2, v48, v49  }
0x108: {  	v54 =	vunpack.i.u.bf16.f32 v41;
	v55 =	vunpack.i.l.bf16.f32 v41;
	[tilespmem:s0+$0x298] =	vst v3;
	v3 =	vpsel p2, v51, v52  }
0x109: {  	v56 =	vunpack.i.u.bf16.f32 v44;
	v57 =	vunpack.i.l.bf16.f32 v44;
	[tilespmem:s0+$0x2A8] =	vst v3;
	v3 =	vpsel p2, v54, v55  }
.Ltmp17:
0x10a: {  	v58 =	vunpack.i.u.bf16.f32 v47;
	v59 =	vunpack.i.l.bf16.f32 v47;
	[tilespmem:s0+$0x2B8] =	vst v3;
	v3 =	vpsel p2, v56, v57;
	(pc) =	sbr.rel .LBB2_28-.Ltmp17, $4  }
0x10b: {  	v60 =	vunpack.i.u.bf16.f32 v50;
	v61 =	vunpack.i.l.bf16.f32 v50;
	[tilespmem:s0+$0x2C8] =	vst v3;
	v3 =	vpsel p2, v58, v59  }
0x10c: {  	v62 =	vunpack.i.u.bf16.f32 v53;
	v63 =	vunpack.i.l.bf16.f32 v53;
	[tilespmem:s0+$0x2D8] =	vst v3;
	v3 =	vpsel p2, v60, v61  }
0x10d: {  	[tilespmem:s0+$0x2E8] =	vst v3;
	v3 =	vpsel p2, v62, v63  }
0x10e: {  	s28 =	sadd.s32 $0x1, s28;
	[tilespmem:s0+$0x2F8] =	vst v3  }
.LBB2_20:
0x10f: {  	p2 =	sne.s32 s28, $0x2  }
.Ltmp18:
0x110: {  	_ = 	snop;
	(pc) =	sbr.rel @p2 .LBB2_22-.Ltmp18, $1  }
0x111: {  	_ =	sdelay $0x3  }
0x112: {  	s2 =	sadd.s32 $0x8F, s22  }
0x113: {  	s3 =	smulhi.u32 $0x38E38E39, s2;
	_ =	sdelay $0x1  }
0x114: {  	s3 =	sshrl.u32 s3, $0x5  }
0x115: {  	s3 =	smul.u32 $0x90, s3  }
0x116: {  	s28 =	sshll.u32 s22, $0xA  }
0x117: {  	s28 =	sshra.s32 s28, $0x2;
	s2 =	ssub.s32 s2, s3  }
0x118: {  	v4 =	vld [tilespmem:s28+$0x208];
	s3 =	sshll.u32 s2, $0x8  }
0x119: {  	v3 =	vld [tilespmem:s3+$0x208];
	_ =	sdelay $0x4  }
0x11a: {  	v3 =	vpack.i.f32.bf16 v4, v3  }
0x11b: {  	v49 =	vld [tilespmem:s28+$0x218];
	[tilespmem:s28+$0x208] =	vst v3  }
0x11c: {  	v3 =	vld [tilespmem:s3+$0x218];
	_ =	sdelay $0x4  }
0x11d: {  	v3 =	vpack.i.f32.bf16 v49, v3  }
0x11e: {  	v50 =	vld [tilespmem:s28+$0x228];
	[tilespmem:s28+$0x218] =	vst v3  }
0x11f: {  	v3 =	vld [tilespmem:s3+$0x228];
	_ =	sdelay $0x4  }
0x120: {  	v3 =	vpack.i.f32.bf16 v50, v3  }
0x121: {  	v51 =	vld [tilespmem:s28+$0x238];
	[tilespmem:s28+$0x228] =	vst v3  }
0x122: {  	v3 =	vld [tilespmem:s3+$0x238];
	_ =	sdelay $0x4  }
0x123: {  	v3 =	vpack.i.f32.bf16 v51, v3  }
0x124: {  	v52 =	vld [tilespmem:s28+$0x248];
	[tilespmem:s28+$0x238] =	vst v3  }
0x125: {  	v3 =	vld [tilespmem:s3+$0x248];
	_ =	sdelay $0x4  }
0x126: {  	v3 =	vpack.i.f32.bf16 v52, v3  }
0x127: {  	v53 =	vld [tilespmem:s28+$0x258];
	[tilespmem:s28+$0x248] =	vst v3  }
0x128: {  	v3 =	vld [tilespmem:s3+$0x258];
	_ =	sdelay $0x4  }
0x129: {  	v3 =	vpack.i.f32.bf16 v53, v3  }
0x12a: {  	v54 =	vld [tilespmem:s28+$0x268];
	[tilespmem:s28+$0x258] =	vst v3  }
0x12b: {  	v3 =	vld [tilespmem:s3+$0x268];
	_ =	sdelay $0x4  }
0x12c: {  	v3 =	vpack.i.f32.bf16 v54, v3  }
0x12d: {  	v55 =	vld [tilespmem:s28+$0x278];
	[tilespmem:s28+$0x268] =	vst v3  }
0x12e: {  	v3 =	vld [tilespmem:s3+$0x278];
	_ =	sdelay $0x4  }
0x12f: {  	v3 =	vpack.i.f32.bf16 v55, v3  }
0x130: {  	v56 =	vld [tilespmem:s28+$0x288];
	[tilespmem:s28+$0x278] =	vst v3  }
0x131: {  	v3 =	vld [tilespmem:s3+$0x288];
	_ =	sdelay $0x4  }
0x132: {  	v3 =	vpack.i.f32.bf16 v56, v3  }
0x133: {  	v57 =	vld [tilespmem:s28+$0x298];
	[tilespmem:s28+$0x288] =	vst v3  }
0x134: {  	v3 =	vld [tilespmem:s3+$0x298];
	_ =	sdelay $0x4  }
0x135: {  	v3 =	vpack.i.f32.bf16 v57, v3  }
0x136: {  	v58 =	vld [tilespmem:s28+$0x2A8];
	[tilespmem:s28+$0x298] =	vst v3  }
0x137: {  	v3 =	vld [tilespmem:s3+$0x2A8];
	_ =	sdelay $0x4  }
0x138: {  	v3 =	vpack.i.f32.bf16 v58, v3  }
0x139: {  	v59 =	vld [tilespmem:s28+$0x2B8];
	[tilespmem:s28+$0x2A8] =	vst v3  }
0x13a: {  	v3 =	vld [tilespmem:s3+$0x2B8];
	_ =	sdelay $0x4  }
0x13b: {  	v3 =	vpack.i.f32.bf16 v59, v3  }
0x13c: {  	v60 =	vld [tilespmem:s28+$0x2C8];
	[tilespmem:s28+$0x2B8] =	vst v3  }
0x13d: {  	v3 =	vld [tilespmem:s3+$0x2C8];
	_ =	sdelay $0x4  }
0x13e: {  	v3 =	vpack.i.f32.bf16 v60, v3  }
0x13f: {  	v61 =	vld [tilespmem:s28+$0x2D8];
	[tilespmem:s28+$0x2C8] =	vst v3  }
0x140: {  	v3 =	vld [tilespmem:s3+$0x2D8];
	_ =	sdelay $0x4  }
0x141: {  	v3 =	vpack.i.f32.bf16 v61, v3  }
0x142: {  	v62 =	vld [tilespmem:s28+$0x2E8];
	[tilespmem:s28+$0x2D8] =	vst v3  }
0x143: {  	v3 =	vld [tilespmem:s3+$0x2E8];
	_ =	sdelay $0x4  }
0x144: {  	v3 =	vpack.i.f32.bf16 v62, v3  }
0x145: {  	v63 =	vld [tilespmem:s28+$0x2F8];
	[tilespmem:s28+$0x2E8] =	vst v3  }
0x146: {  	v3 =	vld [tilespmem:s3+$0x2F8];
	_ =	sdelay $0x1  }
.Ltmp19:
0x147: {  	_ = 	snop;
	(pc) =	sbr.rel .LBB2_23-.Ltmp19, $3  }
0x148: {  	_ =	sdelay $0x1  }
0x149: {  	v3 =	vpack.i.f32.bf16 v63, v3  }
0x14a: {  	[tilespmem:s28+$0x2F8] =	vst v3  }
.LBB2_22:
0x14b: {  	s2 =	sshll.u32 s22, $0xA  }
0x14c: {  	s3 =	sand.u32 $0x1, s31;
	s28 =	sshra.s32 s2, $0x2  }
0x14d: {  	p2 =	seq.s32 s3, $0x0;
	v3 =	vld [tilespmem:s28+$0x208]  }
0x14e: {  	v4 =	vld @p2 [tilespmem:s28+$0x218]  }
0x14f: {  	v5 =	vld @p2 [tilespmem:s28+$0x228]  }
0x150: {  	v6 =	vld @p2 [tilespmem:s28+$0x238]  }
0x151: {  	v7 =	vimm.f32 @p2 $0.0e+00;
	v8 =	vld @p2 [tilespmem:s28+$0x248]  }
0x152: {  	v10 =	vld @p2 [tilespmem:s28+$0x258];
	v9 =	vpack.i.f32.bf16 @p2 v7, v3  }
0x153: {  	v4 =	vpack.i.f32.bf16 @p2 v7, v4;
	[tilespmem:s28+$0x208] =	vst @p2 v9;
	v9 =	vld @p2 [tilespmem:s28+$0x268]  }
0x154: {  	[tilespmem:s28+$0x218] =	vst @p2 v4;
	v4 =	vpack.i.f32.bf16 @p2 v7, v5;
	v5 =	vld @p2 [tilespmem:s28+$0x278]  }
0x155: {  	[tilespmem:s28+$0x228] =	vst @p2 v4;
	v4 =	vpack.i.f32.bf16 @p2 v7, v6;
	v6 =	vld @p2 [tilespmem:s28+$0x288]  }
0x156: {  	[tilespmem:s28+$0x238] =	vst @p2 v4;
	v4 =	vpack.i.f32.bf16 @p2 v7, v8;
	v8 =	vld @p2 [tilespmem:s28+$0x298]  }
0x157: {  	[tilespmem:s28+$0x248] =	vst @p2 v4;
	v4 =	vpack.i.f32.bf16 @p2 v7, v10;
	v10 =	vld @p2 [tilespmem:s28+$0x2A8]  }
0x158: {  	[tilespmem:s28+$0x258] =	vst @p2 v4;
	v4 =	vpack.i.f32.bf16 @p2 v7, v9;
	v9 =	vld @p2 [tilespmem:s28+$0x2B8]  }
0x159: {  	[tilespmem:s28+$0x268] =	vst @p2 v4;
	v4 =	vpack.i.f32.bf16 @p2 v7, v5;
	v5 =	vld @p2 [tilespmem:s28+$0x2C8]  }
0x15a: {  	[tilespmem:s28+$0x278] =	vst @p2 v4;
	v4 =	vpack.i.f32.bf16 @p2 v7, v6;
	v6 =	vld @p2 [tilespmem:s28+$0x2D8]  }
0x15b: {  	[tilespmem:s28+$0x288] =	vst @p2 v4;
	v4 =	vpack.i.f32.bf16 @p2 v7, v8;
	v8 =	vld @p2 [tilespmem:s28+$0x2E8]  }
0x15c: {  	[tilespmem:s28+$0x298] =	vst @p2 v4;
	v4 =	vpack.i.f32.bf16 @p2 v7, v10;
	v10 =	vld @p2 [tilespmem:s28+$0x2F8]  }
0x15d: {  	[tilespmem:s28+$0x2A8] =	vst @p2 v4;
	v4 =	vpack.i.f32.bf16 @p2 v7, v9  }
0x15e: {  	[tilespmem:s28+$0x2B8] =	vst @p2 v4;
	v4 =	vpack.i.f32.bf16 @p2 v7, v5;
	v5 =	vld @!p2 [tilespmem:s28+$0x218]  }
0x15f: {  	[tilespmem:s28+$0x2C8] =	vst @p2 v4;
	v4 =	vpack.i.f32.bf16 @p2 v7, v6;
	v6 =	vld @!p2 [tilespmem:s28+$0x228]  }
0x160: {  	[tilespmem:s28+$0x2D8] =	vst @p2 v4;
	v4 =	vpack.i.f32.bf16 @p2 v7, v8;
	v8 =	vld @!p2 [tilespmem:s28+$0x238]  }
0x161: {  	v9 =	vld @!p2 [tilespmem:s28+$0x248];
	[tilespmem:s28+$0x2E8] =	vst @p2 v4;
	v4 =	vpack.i.f32.bf16 @p2 v7, v10;
	v7 =	vimm.f32 @!p2 $0.0e+00  }
0x162: {  	[tilespmem:s28+$0x2F8] =	vst @p2 v4;
	v3 =	vpack.i.f32.bf16 @!p2 v3, v7;
	v4 =	vld @!p2 [tilespmem:s28+$0x258]  }
0x163: {  	[tilespmem:s28+$0x208] =	vst @!p2 v3;
	v3 =	vpack.i.f32.bf16 @!p2 v5, v7;
	v5 =	vld @!p2 [tilespmem:s28+$0x268]  }
0x164: {  	[tilespmem:s28+$0x218] =	vst @!p2 v3;
	v3 =	vpack.i.f32.bf16 @!p2 v6, v7;
	v6 =	vld @!p2 [tilespmem:s28+$0x278]  }
0x165: {  	[tilespmem:s28+$0x228] =	vst @!p2 v3;
	v3 =	vpack.i.f32.bf16 @!p2 v8, v7;
	v8 =	vld @!p2 [tilespmem:s28+$0x288]  }
0x166: {  	[tilespmem:s28+$0x238] =	vst @!p2 v3;
	v3 =	vpack.i.f32.bf16 @!p2 v9, v7;
	v9 =	vld @!p2 [tilespmem:s28+$0x298]  }
0x167: {  	[tilespmem:s28+$0x248] =	vst @!p2 v3;
	v3 =	vpack.i.f32.bf16 @!p2 v4, v7;
	v4 =	vld @!p2 [tilespmem:s28+$0x2A8]  }
0x168: {  	[tilespmem:s28+$0x258] =	vst @!p2 v3;
	v3 =	vpack.i.f32.bf16 @!p2 v5, v7;
	v5 =	vld @!p2 [tilespmem:s28+$0x2B8]  }
0x169: {  	[tilespmem:s28+$0x268] =	vst @!p2 v3;
	v3 =	vpack.i.f32.bf16 @!p2 v6, v7;
	v6 =	vld @!p2 [tilespmem:s28+$0x2C8]  }
0x16a: {  	[tilespmem:s28+$0x278] =	vst @!p2 v3;
	v3 =	vpack.i.f32.bf16 @!p2 v8, v7;
	v8 =	vld @!p2 [tilespmem:s28+$0x2D8]  }
0x16b: {  	[tilespmem:s28+$0x288] =	vst @!p2 v3;
	v3 =	vpack.i.f32.bf16 @!p2 v9, v7;
	v9 =	vld @!p2 [tilespmem:s28+$0x2E8]  }
0x16c: {  	[tilespmem:s28+$0x298] =	vst @!p2 v3;
	v3 =	vpack.i.f32.bf16 @!p2 v4, v7;
	v4 =	vld @!p2 [tilespmem:s28+$0x2F8]  }
0x16d: {  	[tilespmem:s28+$0x2A8] =	vst @!p2 v3;
	v3 =	vpack.i.f32.bf16 @!p2 v5, v7  }
0x16e: {  	[tilespmem:s28+$0x2B8] =	vst @!p2 v3;
	v3 =	vpack.i.f32.bf16 @!p2 v6, v7  }
0x16f: {  	[tilespmem:s28+$0x2C8] =	vst @!p2 v3;
	v3 =	vpack.i.f32.bf16 @!p2 v8, v7  }
0x170: {  	[tilespmem:s28+$0x2D8] =	vst @!p2 v3;
	v3 =	vpack.i.f32.bf16 @!p2 v9, v7  }
0x171: {  	[tilespmem:s28+$0x2E8] =	vst @!p2 v3;
	v3 =	vpack.i.f32.bf16 @!p2 v4, v7  }
0x172: {  	[tilespmem:s28+$0x2F8] =	vst @!p2 v3  }
.LBB2_23:
0x173: {  	p2 =	seq.s32 s0, s24  }
.Ltmp20:
0x174: {  	_ = 	snop;
	(pc) =	sbr.rel @!p2 .LBB2_24-.Ltmp20, $1  }
0x175: {  	_ =	sdelay $0x3  }
0x176: {  	s0 =	sshll.u32 s22, $0xA  }
0x177: {  	s0 =	sshra.s32 s0, $0x2  }
.Ltmp21:
0x178: {  	s0 =	sadd.s32 $0x208, s0;
	(pc) =	sbr.rel .LBB2_27-.Ltmp21, $4  }
0x179: {  	[spmem:s13] =	stream.linear.scatter [tilespmem:s0], [sflag:$0x1], $0x100, $0x38;
	[tilespmem:$0x1D568] =	vst v63  }
0x17a: {  	_ =	swait.ge [sflag:s11], $0x100  }
0x17b: {  	[sflag:s11] =	ssyncset.done $0x0  }
0x17c: {  	[sflag:s11] =	ssyncadd.s32 $0xFFFFFF00  }
.LBB2_24:
0x17d: {  	s2 =	sshll.u32 s23, $0xA  }
0x17e: {  	s3 =	sshll.u32 s22, $0xA;
	s2 =	sshra.s32 s2, $0x2  }
0x17f: {  	s3 =	sshra.s32 s3, $0x2;
	s4 =	sadd.s32 $0x9308, s2  }
0x180: {  	s2 =	sadd.s32 $0x208, s3;
	v3 =	vld [tilespmem:s4+$0x0]  }
0x181: {  	v4 =	vld [tilespmem:s2+$0x0];
	_ =	sdelay $0x3  }
0x182: {  	v5 =	vunpack.i.u.bf16.f32 v3  }
0x183: {  	v3 =	vunpack.i.l.bf16.f32 v3;
	v6 =	vunpack.i.u.bf16.f32 v4;
	v4 =	vunpack.i.l.bf16.f32 v4  }
0x184: {  	v5 =	vadd.f32 v6, v5;
	v3 =	vadd.f32 v4, v3;
	_ =	sdelay $0x1  }
0x185: {  	v3 =	vpack.i.f32.bf16 v5, v3  }
0x186: {  	s28 =	simm.s32 $0x0;
	s4 =	sadd.s32 $0x10, s4;
	s22 =	smov.u32 s2;
	[tilespmem:s2+$0x0] =	vst v3  }
.LBB2_25:
0x187: {  	v3 =	vld [tilespmem:s4+$0x0];
	s22 =	sadd.s32 $0x10, s22  }
0x188: {  	s28 =	sadd.s32 $0x10, s28;
	v4 =	vld [tilespmem:s22+$0x0]  }
0x189: {  	p2 =	slt.u32 s28, $0xF0;
	_ =	sdelay $0x2  }
0x18a: {  	v5 =	vunpack.i.u.bf16.f32 v3  }
.Ltmp22:
0x18b: {  	v3 =	vunpack.i.l.bf16.f32 v3;
	v6 =	vunpack.i.u.bf16.f32 v4;
	v4 =	vunpack.i.l.bf16.f32 v4;
	(pc) =	sbr.rel @p2 .LBB2_25-.Ltmp22, $3  }
0x18c: {  	v5 =	vadd.f32 v6, v5;
	v3 =	vadd.f32 v4, v3;
	_ =	sdelay $0x1  }
0x18d: {  	v3 =	vpack.i.f32.bf16 v5, v3  }
0x18e: {  	s4 =	sadd.s32 $0x10, s4;
	[tilespmem:s22+$0x0] =	vst v3  }
0x18f: {  	p2 =	slt.s32 s31, $0x0;
	p3 =	sgt.s32 s0, $0x27FB01  }
0x190: {  	p2 =	por p2, p3  }
0x191: {  	s0 =	sshrl.u32 @!p2 s31, $0x1;
	s4 =	sshrl.u32 @!p2 s31, $0x4  }
0x192: {  	s4 =	sadd.s32 @!p2 s1, s4;
	s0 =	sand.u32 @!p2 $0x7, s0  }
0x193: {  	[hbm4b:s4+s0] =	stream.linear.scatter @!p2 [tilespmem:s2], [sflag:$0xA], $0x80, $0x38;
	[tilespmem:$0x1D568] =	vst v63  }
0x194: {  	s2 =	simm.s32 $0x0  }
0x195: {  	s3 =	sadd.s32 @!p2 $0x288, s3;
	s4 =	sadd.s32 @!p2 $0x40, s4;
	s2 =	simm.s32 @!p2 $0x400  }
0x196: {  	[hbm4b:s4+s0] =	stream.linear.scatter @!p2 [tilespmem:s3], [sflag:$0xA], $0x80, $0x38;
	[tilespmem:$0x1D568] =	vst v63  }
0x197: {  	s25 =	sadd.s32 s25, s2  }
.LBB2_27:
0x198: {  	_ =	sdelay $0x1  }
0x199: {  	s0 =	sshll.u32 s26, $0x7  }
0x19a: {  	s2 =	sand.u32 $0x7FFFFF00, s0  }
0x19b: {  	v3 =	vld.idx.msk [tilespmem:v2+s2+$0x0 ss:$0x1], $0xffff  }
0x19c: {  	v4 =	vld.idx.msk [tilespmem:v2+s2+$0x10 ss:$0x1], $0xffff  }
0x19d: {  	s3 =	sshrl.u32 s30, $0x5;
	v5 =	vld.idx.msk [tilespmem:v2+s2+$0x20 ss:$0x1], $0xffff  }
0x19e: {  	s3 =	smul.u32 $0x90, s3;
	v6 =	vld.idx.msk [tilespmem:v2+s2+$0x30 ss:$0x1], $0xffff  }
0x19f: {  	s4 =	sand.u32 $0x1, s26;
	v7 =	vld.idx.msk [tilespmem:v2+s2+$0x40 ss:$0x1], $0xffff  }
0x1a0: {  	p2 =	seq.s32 s4, $0x1;
	v9 =	vld.idx.msk [tilespmem:v2+s2+$0x50 ss:$0x1], $0xffff;
	s22 =	ssub.s32 s29, s3;
	v8 =	vunpack.i.u.bf16.f32 v3;
	v3 =	vunpack.i.l.bf16.f32 v3  }
0x1a1: {  	v10 =	vld.idx.msk [tilespmem:v2+s2+$0x60 ss:$0x1], $0xffff;
	s3 =	sand.u32 $0x7FFFFF80, s0;
	s0 =	sshll.u32 s22, $0x8;
	v27 =	vunpack.i.u.bf16.f32 v4;
	v4 =	vunpack.i.l.bf16.f32 v4;
	v3 =	vpsel p2, v8, v3  }
0x1a2: {  	v29 =	vld.idx.msk [tilespmem:v2+s2+$0x70 ss:$0x1], $0xffff;
	s29 =	sor.u32 $0x80, s3;
	v28 =	vunpack.i.u.bf16.f32 v5;
	v5 =	vunpack.i.l.bf16.f32 v5;
	[tilespmem:s0+$0x208] =	vst v3;
	v3 =	vpsel p2, v27, v4  }
0x1a3: {  	s30 =	sor.u32 $0x90, s3;
	v32 =	vld.idx.msk [tilespmem:v2+s29+$0x0 ss:$0x1], $0xffff;
	v30 =	vunpack.i.u.bf16.f32 v6;
	v31 =	vunpack.i.l.bf16.f32 v6;
	[tilespmem:s0+$0x218] =	vst v3;
	v3 =	vpsel p2, v28, v5  }
0x1a4: {  	s31 =	sor.u32 $0xA0, s3;
	v35 =	vld.idx.msk [tilespmem:v2+s30+$0x0 ss:$0x1], $0xffff;
	v33 =	vunpack.i.u.bf16.f32 v7;
	v34 =	vunpack.i.l.bf16.f32 v7;
	[tilespmem:s0+$0x228] =	vst v3;
	v3 =	vpsel p2, v30, v31  }
0x1a5: {  	s4 =	sor.u32 $0xB0, s3;
	v38 =	vld.idx.msk [tilespmem:v2+s31+$0x0 ss:$0x1], $0xffff;
	v36 =	vunpack.i.u.bf16.f32 v9;
	v37 =	vunpack.i.l.bf16.f32 v9;
	[tilespmem:s0+$0x238] =	vst v3;
	v3 =	vpsel p2, v33, v34  }
0x1a6: {  	s9 =	sor.u32 $0xC0, s3;
	v41 =	vld.idx.msk [tilespmem:v2+s4+$0x0 ss:$0x1], $0xffff;
	v39 =	vunpack.i.u.bf16.f32 v10;
	v40 =	vunpack.i.l.bf16.f32 v10;
	[tilespmem:s0+$0x248] =	vst v3;
	v3 =	vpsel p2, v36, v37  }
0x1a7: {  	v44 =	vld.idx.msk [tilespmem:v2+s9+$0x0 ss:$0x1], $0xffff;
	s29 =	sor.u32 $0xD0, s3;
	v42 =	vunpack.i.u.bf16.f32 v29;
	v43 =	vunpack.i.l.bf16.f32 v29;
	[tilespmem:s0+$0x258] =	vst v3;
	v3 =	vpsel p2, v39, v40  }
0x1a8: {  	s30 =	sor.u32 $0xE0, s3;
	v47 =	vld.idx.msk [tilespmem:v2+s29+$0x0 ss:$0x1], $0xffff;
	v45 =	vunpack.i.u.bf16.f32 v32;
	v46 =	vunpack.i.l.bf16.f32 v32;
	[tilespmem:s0+$0x268] =	vst v3;
	v3 =	vpsel p2, v42, v43  }
0x1a9: {  	s31 =	sor.u32 $0xF0, s3;
	v50 =	vld.idx.msk [tilespmem:v2+s30+$0x0 ss:$0x1], $0xffff;
	v48 =	vunpack.i.u.bf16.f32 v35;
	v49 =	vunpack.i.l.bf16.f32 v35;
	[tilespmem:s0+$0x278] =	vst v3;
	v3 =	vpsel p2, v45, v46  }
0x1aa: {  	v53 =	vld.idx.msk [tilespmem:v2+s31+$0x0 ss:$0x1], $0xffff;
	v51 =	vunpack.i.u.bf16.f32 v38;
	v52 =	vunpack.i.l.bf16.f32 v38;
	[tilespmem:s0+$0x288] =	vst v3;
	v3 =	vpsel p2, v48, v49  }
0x1ab: {  	v54 =	vunpack.i.u.bf16.f32 v41;
	v55 =	vunpack.i.l.bf16.f32 v41;
	[tilespmem:s0+$0x298] =	vst v3;
	v3 =	vpsel p2, v51, v52  }
0x1ac: {  	v56 =	vunpack.i.u.bf16.f32 v44;
	v57 =	vunpack.i.l.bf16.f32 v44;
	[tilespmem:s0+$0x2A8] =	vst v3;
	v3 =	vpsel p2, v54, v55  }
.Ltmp23:
0x1ad: {  	v58 =	vunpack.i.u.bf16.f32 v47;
	v59 =	vunpack.i.l.bf16.f32 v47;
	[tilespmem:s0+$0x2B8] =	vst v3;
	v3 =	vpsel p2, v56, v57;
	(pc) =	sbr.rel .LBB2_28-.Ltmp23, $4  }
0x1ae: {  	v60 =	vunpack.i.u.bf16.f32 v50;
	v61 =	vunpack.i.l.bf16.f32 v50;
	[tilespmem:s0+$0x2C8] =	vst v3;
	v3 =	vpsel p2, v58, v59  }
0x1af: {  	v62 =	vunpack.i.u.bf16.f32 v53;
	v63 =	vunpack.i.l.bf16.f32 v53;
	[tilespmem:s0+$0x2D8] =	vst v3;
	v3 =	vpsel p2, v60, v61  }
0x1b0: {  	[tilespmem:s0+$0x2E8] =	vst v3;
	v3 =	vpsel p2, v62, v63  }
0x1b1: {  	s23 =	sadd.s32 $0x1, s23;
	s28 =	simm.s32 $0x1;
	[tilespmem:s0+$0x2F8] =	vst v3  }
.LBB2_30:
.Ltmp24:
0x1b2: {  	(pc) =	sbr.rel .LBB2_31-.Ltmp24, $4  }
0x1b3: {  	_ = 	snop  }
0x1b4: {  	s0 =	simm.s32 $0x2  }
0x1b5: {  	_ =	swait.ge [sflag:s0], $0x0  }
0x1b6: {  	[sflag:s0] =	ssyncset.done $0x0;
	s0 =	simm.s32 $0x0  }
.LBB2_33:
0x1b7: {  	_ =	sfence.sel $0x180000  }
0x1b8: {  	s0 =	simm.s32 $0x9;
	[bflag:$0x0] =	sbarrier.arrive $0xFFFF  }
0x1b9: {  	s5 =	simm.s32 $0x2;
	[sflag:s0] =	ssyncpa.u1 $0x1  }
0x1ba: {  	[sflag:s5] =	ssyncpa.u1 $0x1  }
0x1bb: {  	v0 =	vld [tilespmem:$0x12408];
	_ =	sdelay $0x4  }
0x1bc: {  	(v2sf) =	vpush v0, $0x0  }
0x1bd: {  	(v2sf) =	vpush v0, $0x1;
	_ =	sdelay $0x2  }
0x1be: {  	(v2sf) =	vpush v0, $0x2;
	_ =	sdelay $0xa  }
0x1bf: {  	s3 =	spop (v2sf)  }
0x1c0: {  	s30 =	spop (v2sf)  }
0x1c1: {  	s0 =	sxor.u32 s30, s3  }
0x1c2: {  	p0 =	sgt.u32 s0, $0x1;
	s0 =	smov.u32 s3  }
0x1c3: {  	s2 =	spop (v2sf);
	s0 =	simm.s32 @!p0 $0xFFFFFFFF  }
0x1c4: {  	v2 =	vimm.s32 $0x1;
	v3 =	vlaneseq.u32;
	p1 =	seq.s32 s2, $0xFFFFFFFF;
	v1 =	vmov s0  }
.Ltmp25:
0x1c5: {  	v2 =	vperm.xlane v0, v2;
	v1 =	vperm.xlane v1, v3;
	(pc) =	sbr.rel @p1 .LBB2_38-.Ltmp25, $4  }
0x1c6: {  	vm0 =	vcmask $0x3F04;
	s16 =	stileid.u32  }
0x1c7: {  	s6 =	simm.s32 $0x12408;
	s4 =	sshll.u32 s16, $0x1;
	v1 =	vsel vm0, v1, v2  }
0x1c8: {  	s31 =	sor.u32 $0x2000, s4;
	s17 =	rddreg [dreg:$0x1];
	s0 =	simm.s32 $0x1;
	[tilespmem:$0x12408] =	vst v1  }
0x1c9: {  	[spmem:s31] =	stream.linear.scatter [tilespmem:s6], [sflag:$0x1], $0x2, $0x38;
	[tilespmem:$0x1D568] =	vst v63  }
0x1ca: {  	(v2sf) =	vpush v0, $0x3;
	_ =	sdelay $0xe  }
0x1cb: {  	s5 =	simm.s32 $0x1;
	s6 =	spop (v2sf)  }
0x1cc: {  	s5 =	simm.s32 @!p0 $0x0;
	p0 =	sne.s32 s6, $0x2  }
.Ltmp26:
0x1cd: {  	_ = 	snop;
	(pc) =	sbr.rel @p0 .LBB2_36-.Ltmp26, $2  }
0x1ce: {  	_ =	sdelay $0x2  }
0x1cf: {  	s5 =	sor.u32 s5, s4  }
0x1d0: {  	s3 =	sadd.s32 $0x8F, s2  }
0x1d1: {  	s4 =	smulhi.u32 $0x38E38E39, s3;
	_ =	sdelay $0x1  }
0x1d2: {  	s4 =	sshrl.u32 s4, $0x5  }
0x1d3: {  	s4 =	smul.u32 $0x90, s4  }
0x1d4: {  	s6 =	sshll.u32 s2, $0xA  }
0x1d5: {  	s7 =	sshra.s32 s6, $0x2;
	s3 =	ssub.s32 s3, s4  }
0x1d6: {  	v1 =	vld [tilespmem:s7+$0x208];
	s3 =	sshll.u32 s3, $0x8  }
0x1d7: {  	v0 =	vld [tilespmem:s3+$0x208];
	_ =	sdelay $0x4  }
0x1d8: {  	v0 =	vpack.i.f32.bf16 v1, v0  }
0x1d9: {  	v49 =	vld [tilespmem:s7+$0x218];
	[tilespmem:s7+$0x208] =	vst v0  }
0x1da: {  	v0 =	vld [tilespmem:s3+$0x218];
	_ =	sdelay $0x4  }
0x1db: {  	v0 =	vpack.i.f32.bf16 v49, v0  }
0x1dc: {  	v50 =	vld [tilespmem:s7+$0x228];
	[tilespmem:s7+$0x218] =	vst v0  }
0x1dd: {  	v0 =	vld [tilespmem:s3+$0x228];
	_ =	sdelay $0x4  }
0x1de: {  	v0 =	vpack.i.f32.bf16 v50, v0  }
0x1df: {  	v51 =	vld [tilespmem:s7+$0x238];
	[tilespmem:s7+$0x228] =	vst v0  }
0x1e0: {  	v0 =	vld [tilespmem:s3+$0x238];
	_ =	sdelay $0x4  }
0x1e1: {  	v0 =	vpack.i.f32.bf16 v51, v0  }
0x1e2: {  	v52 =	vld [tilespmem:s7+$0x248];
	[tilespmem:s7+$0x238] =	vst v0  }
0x1e3: {  	v0 =	vld [tilespmem:s3+$0x248];
	_ =	sdelay $0x4  }
0x1e4: {  	v0 =	vpack.i.f32.bf16 v52, v0  }
0x1e5: {  	v53 =	vld [tilespmem:s7+$0x258];
	[tilespmem:s7+$0x248] =	vst v0  }
0x1e6: {  	v0 =	vld [tilespmem:s3+$0x258];
	_ =	sdelay $0x4  }
0x1e7: {  	v0 =	vpack.i.f32.bf16 v53, v0  }
0x1e8: {  	v54 =	vld [tilespmem:s7+$0x268];
	[tilespmem:s7+$0x258] =	vst v0  }
0x1e9: {  	v0 =	vld [tilespmem:s3+$0x268];
	_ =	sdelay $0x4  }
0x1ea: {  	v0 =	vpack.i.f32.bf16 v54, v0  }
0x1eb: {  	v55 =	vld [tilespmem:s7+$0x278];
	[tilespmem:s7+$0x268] =	vst v0  }
0x1ec: {  	v0 =	vld [tilespmem:s3+$0x278];
	_ =	sdelay $0x4  }
0x1ed: {  	v0 =	vpack.i.f32.bf16 v55, v0  }
0x1ee: {  	v56 =	vld [tilespmem:s7+$0x288];
	[tilespmem:s7+$0x278] =	vst v0  }
0x1ef: {  	v0 =	vld [tilespmem:s3+$0x288];
	_ =	sdelay $0x4  }
0x1f0: {  	v0 =	vpack.i.f32.bf16 v56, v0  }
0x1f1: {  	v57 =	vld [tilespmem:s7+$0x298];
	[tilespmem:s7+$0x288] =	vst v0  }
0x1f2: {  	v0 =	vld [tilespmem:s3+$0x298];
	_ =	sdelay $0x4  }
0x1f3: {  	v0 =	vpack.i.f32.bf16 v57, v0  }
0x1f4: {  	v58 =	vld [tilespmem:s7+$0x2A8];
	[tilespmem:s7+$0x298] =	vst v0  }
0x1f5: {  	v0 =	vld [tilespmem:s3+$0x2A8];
	_ =	sdelay $0x4  }
0x1f6: {  	v0 =	vpack.i.f32.bf16 v58, v0  }
0x1f7: {  	v59 =	vld [tilespmem:s7+$0x2B8];
	[tilespmem:s7+$0x2A8] =	vst v0  }
0x1f8: {  	v0 =	vld [tilespmem:s3+$0x2B8];
	_ =	sdelay $0x4  }
0x1f9: {  	v0 =	vpack.i.f32.bf16 v59, v0  }
0x1fa: {  	v60 =	vld [tilespmem:s7+$0x2C8];
	[tilespmem:s7+$0x2B8] =	vst v0  }
0x1fb: {  	v0 =	vld [tilespmem:s3+$0x2C8];
	_ =	sdelay $0x4  }
0x1fc: {  	v0 =	vpack.i.f32.bf16 v60, v0  }
0x1fd: {  	v61 =	vld [tilespmem:s7+$0x2D8];
	[tilespmem:s7+$0x2C8] =	vst v0  }
0x1fe: {  	v0 =	vld [tilespmem:s3+$0x2D8];
	_ =	sdelay $0x4  }
0x1ff: {  	v0 =	vpack.i.f32.bf16 v61, v0  }
0x200: {  	v62 =	vld [tilespmem:s7+$0x2E8];
	[tilespmem:s7+$0x2D8] =	vst v0  }
0x201: {  	v0 =	vld [tilespmem:s3+$0x2E8];
	_ =	sdelay $0x4  }
0x202: {  	v0 =	vpack.i.f32.bf16 v62, v0  }
0x203: {  	v63 =	vld [tilespmem:s7+$0x2F8];
	[tilespmem:s7+$0x2E8] =	vst v0  }
0x204: {  	v0 =	vld [tilespmem:s3+$0x2F8];
	_ =	sdelay $0x1  }
.Ltmp27:
0x205: {  	_ = 	snop;
	(pc) =	sbr.rel .LBB2_37-.Ltmp27, $3  }
0x206: {  	_ =	sdelay $0x1  }
0x207: {  	v0 =	vpack.i.f32.bf16 v63, v0  }
0x208: {  	[tilespmem:s7+$0x2F8] =	vst v0  }
.LBB2_36:
0x209: {  	s6 =	sshll.u32 s2, $0xA  }
0x20a: {  	s31 =	sand.u32 $0x1, s3;
	s7 =	sshra.s32 s6, $0x2  }
0x20b: {  	p0 =	seq.s32 s31, $0x0;
	v0 =	vld [tilespmem:s7+$0x208]  }
0x20c: {  	v1 =	vld @p0 [tilespmem:s7+$0x218]  }
0x20d: {  	v2 =	vld @p0 [tilespmem:s7+$0x228]  }
0x20e: {  	v3 =	vld @p0 [tilespmem:s7+$0x238]  }
0x20f: {  	v4 =	vimm.f32 @p0 $0.0e+00;
	v5 =	vld @p0 [tilespmem:s7+$0x248]  }
0x210: {  	v7 =	vld @p0 [tilespmem:s7+$0x258];
	v6 =	vpack.i.f32.bf16 @p0 v4, v0  }
0x211: {  	v1 =	vpack.i.f32.bf16 @p0 v4, v1;
	[tilespmem:s7+$0x208] =	vst @p0 v6;
	v6 =	vld @p0 [tilespmem:s7+$0x268]  }
0x212: {  	[tilespmem:s7+$0x218] =	vst @p0 v1;
	v1 =	vpack.i.f32.bf16 @p0 v4, v2;
	v2 =	vld @p0 [tilespmem:s7+$0x278]  }
0x213: {  	[tilespmem:s7+$0x228] =	vst @p0 v1;
	v1 =	vpack.i.f32.bf16 @p0 v4, v3;
	v3 =	vld @p0 [tilespmem:s7+$0x288]  }
0x214: {  	[tilespmem:s7+$0x238] =	vst @p0 v1;
	v1 =	vpack.i.f32.bf16 @p0 v4, v5;
	v5 =	vld @p0 [tilespmem:s7+$0x298]  }
0x215: {  	[tilespmem:s7+$0x248] =	vst @p0 v1;
	v1 =	vpack.i.f32.bf16 @p0 v4, v7;
	v7 =	vld @p0 [tilespmem:s7+$0x2A8]  }
0x216: {  	[tilespmem:s7+$0x258] =	vst @p0 v1;
	v1 =	vpack.i.f32.bf16 @p0 v4, v6;
	v6 =	vld @p0 [tilespmem:s7+$0x2B8]  }
0x217: {  	[tilespmem:s7+$0x268] =	vst @p0 v1;
	v1 =	vpack.i.f32.bf16 @p0 v4, v2;
	v2 =	vld @p0 [tilespmem:s7+$0x2C8]  }
0x218: {  	[tilespmem:s7+$0x278] =	vst @p0 v1;
	v1 =	vpack.i.f32.bf16 @p0 v4, v3;
	v3 =	vld @p0 [tilespmem:s7+$0x2D8]  }
0x219: {  	[tilespmem:s7+$0x288] =	vst @p0 v1;
	v1 =	vpack.i.f32.bf16 @p0 v4, v5;
	v5 =	vld @p0 [tilespmem:s7+$0x2E8]  }
0x21a: {  	[tilespmem:s7+$0x298] =	vst @p0 v1;
	v1 =	vpack.i.f32.bf16 @p0 v4, v7;
	v7 =	vld @p0 [tilespmem:s7+$0x2F8]  }
0x21b: {  	[tilespmem:s7+$0x2A8] =	vst @p0 v1;
	v1 =	vpack.i.f32.bf16 @p0 v4, v6  }
0x21c: {  	[tilespmem:s7+$0x2B8] =	vst @p0 v1;
	v1 =	vpack.i.f32.bf16 @p0 v4, v2;
	v2 =	vld @!p0 [tilespmem:s7+$0x218]  }
0x21d: {  	[tilespmem:s7+$0x2C8] =	vst @p0 v1;
	v1 =	vpack.i.f32.bf16 @p0 v4, v3;
	v3 =	vld @!p0 [tilespmem:s7+$0x228]  }
0x21e: {  	[tilespmem:s7+$0x2D8] =	vst @p0 v1;
	v1 =	vpack.i.f32.bf16 @p0 v4, v5;
	v5 =	vld @!p0 [tilespmem:s7+$0x238]  }
0x21f: {  	v6 =	vld @!p0 [tilespmem:s7+$0x248];
	[tilespmem:s7+$0x2E8] =	vst @p0 v1;
	v1 =	vpack.i.f32.bf16 @p0 v4, v7;
	v4 =	vimm.f32 @!p0 $0.0e+00  }
0x220: {  	[tilespmem:s7+$0x2F8] =	vst @p0 v1;
	v0 =	vpack.i.f32.bf16 @!p0 v0, v4;
	v1 =	vld @!p0 [tilespmem:s7+$0x258]  }
0x221: {  	[tilespmem:s7+$0x208] =	vst @!p0 v0;
	v0 =	vpack.i.f32.bf16 @!p0 v2, v4;
	v2 =	vld @!p0 [tilespmem:s7+$0x268]  }
0x222: {  	[tilespmem:s7+$0x218] =	vst @!p0 v0;
	v0 =	vpack.i.f32.bf16 @!p0 v3, v4;
	v3 =	vld @!p0 [tilespmem:s7+$0x278]  }
0x223: {  	[tilespmem:s7+$0x228] =	vst @!p0 v0;
	v0 =	vpack.i.f32.bf16 @!p0 v5, v4;
	v5 =	vld @!p0 [tilespmem:s7+$0x288]  }
0x224: {  	[tilespmem:s7+$0x238] =	vst @!p0 v0;
	v0 =	vpack.i.f32.bf16 @!p0 v6, v4;
	v6 =	vld @!p0 [tilespmem:s7+$0x298]  }
0x225: {  	[tilespmem:s7+$0x248] =	vst @!p0 v0;
	v0 =	vpack.i.f32.bf16 @!p0 v1, v4;
	v1 =	vld @!p0 [tilespmem:s7+$0x2A8]  }
0x226: {  	[tilespmem:s7+$0x258] =	vst @!p0 v0;
	v0 =	vpack.i.f32.bf16 @!p0 v2, v4;
	v2 =	vld @!p0 [tilespmem:s7+$0x2B8]  }
0x227: {  	[tilespmem:s7+$0x268] =	vst @!p0 v0;
	v0 =	vpack.i.f32.bf16 @!p0 v3, v4;
	v3 =	vld @!p0 [tilespmem:s7+$0x2C8]  }
0x228: {  	[tilespmem:s7+$0x278] =	vst @!p0 v0;
	v0 =	vpack.i.f32.bf16 @!p0 v5, v4;
	v5 =	vld @!p0 [tilespmem:s7+$0x2D8]  }
0x229: {  	[tilespmem:s7+$0x288] =	vst @!p0 v0;
	v0 =	vpack.i.f32.bf16 @!p0 v6, v4;
	v6 =	vld @!p0 [tilespmem:s7+$0x2E8]  }
0x22a: {  	[tilespmem:s7+$0x298] =	vst @!p0 v0;
	v0 =	vpack.i.f32.bf16 @!p0 v1, v4;
	v1 =	vld @!p0 [tilespmem:s7+$0x2F8]  }
0x22b: {  	[tilespmem:s7+$0x2A8] =	vst @!p0 v0;
	v0 =	vpack.i.f32.bf16 @!p0 v2, v4  }
0x22c: {  	[tilespmem:s7+$0x2B8] =	vst @!p0 v0;
	v0 =	vpack.i.f32.bf16 @!p0 v3, v4  }
0x22d: {  	[tilespmem:s7+$0x2C8] =	vst @!p0 v0;
	v0 =	vpack.i.f32.bf16 @!p0 v5, v4  }
0x22e: {  	[tilespmem:s7+$0x2D8] =	vst @!p0 v0;
	v0 =	vpack.i.f32.bf16 @!p0 v6, v4  }
0x22f: {  	[tilespmem:s7+$0x2E8] =	vst @!p0 v0;
	v0 =	vpack.i.f32.bf16 @!p0 v1, v4  }
0x230: {  	[tilespmem:s7+$0x2F8] =	vst @!p0 v0  }
.LBB2_37:
0x231: {  	s2 =	sshra.s32 s6, $0x2  }
0x232: {  	s3 =	sshll.u32 s5, $0x8;
	s5 =	simm.s32 $0x102;
	s2 =	sadd.s32 $0x208, s2  }
0x233: {  	[spmem:s3] =	stream.linear.scatter [tilespmem:s2], [sflag:$0x1], $0x100, $0x38;
	[tilespmem:$0x1D568] =	vst v63  }
.LBB2_38:
0x234: {  	_ =	swait.ge [sflag:s0], s5  }
0x235: {  	s2 =	ssub.s32 $0x0, s5;
	[sflag:s0] =	ssyncset.done $0x0  }
0x236: {  	p0 =	sne.s32 s16, $0x0;
	[sflag:s0] =	ssyncadd.s32 s2  }
.Ltmp28:
0x237: {  	_ =	sfence.stream.spmem;
	(pc) =	sbr.rel @p0 .LBB2_61-.Ltmp28, $4  }
0x238: {  	s29 =	simm.s32 $0x3;
	[bflag:$0x0] =	sbarrier.arrive $0xFFFF  }
0x239: {  	s30 =	simm.s32 $0x4;
	[sflag:s29] =	ssyncpa.u1 $0x1  }
0x23a: {  	s31 =	simm.s32 $0x3C;
	[sflag:s30] =	ssyncpa.u1 $0x1  }
0x23b: {  	s5 =	sand.u32 $0x1, s17;
	[sflag:s31] =	ssyncpa.u1 $0x1  }
0x23c: {  	_ =	sfence.stream.spmem;
	s0 =	simm.s32 $0x5  }
0x23d: {  	s2 =	simm.s32 $0x2000;
	s3 =	simm.s32 $0x12418;
	[sflag:s0] =	ssyncpa.u1 $0x0  }
0x23e: {  	[tilespmem:s3], [sflag:$0x5] =	stream.linear.gather [spmem:s2], $0x20, $0x38;
	[tilespmem:$0x1D568] =	vst v63  }
0x23f: {  	s26 =	simm.s32 $0x0;
	s28 =	simm.s32 $0x12438  }
0x240: {  	[tilespmem:s28], [sflag:$0x5] =	stream.linear.gather [spmem:s26], $0x2000, $0x38;
	[tilespmem:$0x1D568] =	vst v63  }
0x241: {  	_ =	swait.ge [sflag:s0], $0x2020  }
0x242: {  	[sflag:s0] =	ssyncset.done $0x0  }
0x243: {  	s29 =	simm.s32 $0x0;
	[sflag:s0] =	ssyncadd.s32 $0xFFFFDFE0  }
0x244: {  	v0 =	vld.msk [tilespmem:s29+$0x12418], $0x1;
	_ =	sdelay $0x1  }
0x245: {  	s30 =	simm.s32 $0x1  }
0x246: {  	v1 =	vld.msk [tilespmem:s30+$0x12418], $0x1;
	_ =	sdelay $0x1  }
0x247: {  	(v2sf) =	vpush v0, $0x0;
	_ =	sdelay $0x2  }
0x248: {  	(v2sf) =	vpush v1, $0x0;
	_ =	sdelay $0x2  }
0x249: {  	s31 =	simm.s32 $0x2  }
0x24a: {  	v0 =	vld.msk [tilespmem:s31+$0x12418], $0x1;
	_ =	sdelay $0x2  }
0x24b: {  	s3 =	simm.s32 $0xFFFFFFFF;
	s2 =	simm.s32 $0xC;
	s0 =	simm.s32 $0xFFFFFFFF  }
.LBB2_40:
0x24c: {  	s4 =	smov.u32 s0;
	s6 =	smov.u32 s3  }
0x24d: {  	s0 =	sshra.s32 s2, $0x2;
	p1 =	sne.s32 s2, $0x7C;
	s2 =	sadd.s32 $0x4, s2;
	(v2sf) =	vpush v0, $0x0  }
0x24e: {  	v0 =	vld.msk [tilespmem:s0+$0x12418], $0x1  }
.Ltmp29:
0x24f: {  	(pc) =	sbr.rel @p1 .LBB2_40-.Ltmp29, $4  }
0x250: {  	s0 =	spop (v2sf)  }
0x251: {  	p2 =	sne.s32 s3, $0xFFFFFFFF;
	s3 =	smov.u32 s0  }
0x252: {  	p3 =	seq.s32 s0, $0xFFFFFFFF;
	s3 =	smov.u32 @p2 s6  }
0x253: {  	s0 =	smov.u32 @p3 s4;
	s3 =	smov.u32 @p3 s6  }
0x254: {  	(v2sf) =	vpush v0, $0x0;
	_ =	sdelay $0x8  }
0x255: {  	s2 =	spop (v2sf)  }
0x256: {  	p1 =	sne.s32 s3, $0xFFFFFFFF;
	s4 =	smov.u32 s2  }
0x257: {  	s9 =	simm.s32 $0x12438;
	p2 =	seq.s32 s2, $0xFFFFFFFF;
	s4 =	smov.u32 @p1 s3  }
0x258: {  	s10 =	simm.s32 $0x12388;
	s4 =	smov.u32 @p2 s3;
	s3 =	spop (v2sf)  }
0x259: {  	s11 =	simm.s32 $0x0;
	p1 =	sne.s32 s4, $0xFFFFFFFF;
	s6 =	smov.u32 s3  }
0x25a: {  	s2 =	smov.u32 @p2 s0;
	p3 =	seq.s32 s3, $0xFFFFFFFF;
	s6 =	smov.u32 @p1 s4  }
.Ltmp30:
0x25b: {  	s6 =	smov.u32 @p3 s4;
	s4 =	spop (v2sf);
	(pc) =	sbr.rel .LBB2_42-.Ltmp30, $4  }
0x25c: {  	s0 =	simm.s32 $0x6;
	p1 =	sne.s32 s6, $0xFFFFFFFF;
	s7 =	smov.u32 s4  }
0x25d: {  	s3 =	smov.u32 @p3 s2;
	s7 =	smov.u32 @p1 s6;
	p1 =	seq.s32 s4, $0xFFFFFFFF  }
0x25e: {  	[sflag:s0] =	ssyncpa.u1 $0x0;
	s7 =	smov.u32 @p1 s6;
	s4 =	smov.u32 @p1 s3  }
0x25f: {  	s6 =	simm.s32 $0x0;
	s7 =	sand.u32 $0xFFFFFFFE, s7;
	s8 =	sand.u32 $0xFFFFFFFE, s4  }
.LBB2_50:
0x260: {  	s3 =	sshll.u32 s11, $0xA  }
.LBB2_54:
0x261: {  	[tilespmem:s6+$0x12418] =	vst.msk $0x1, v0;
	s2 =	sshrl.u32 s3, $0x2  }
0x262: {  	v0 =	vld [tilespmem:s2+$0x12438];
	_ =	sdelay $0x2  }
0x263: {  	s31 =	sshll.u32 s6, $0xA  }
0x264: {  	s3 =	sshra.s32 s31, $0x2  }
0x265: {  	[tilespmem:s3+$0x12438] =	vst v0  }
0x266: {  	v0 =	vld [tilespmem:s2+$0x12448];
	_ =	sdelay $0x4  }
0x267: {  	[tilespmem:s3+$0x12448] =	vst v0  }
0x268: {  	v0 =	vld [tilespmem:s2+$0x12458];
	_ =	sdelay $0x4  }
0x269: {  	[tilespmem:s3+$0x12458] =	vst v0  }
0x26a: {  	v0 =	vld [tilespmem:s2+$0x12468];
	_ =	sdelay $0x4  }
0x26b: {  	[tilespmem:s3+$0x12468] =	vst v0  }
0x26c: {  	v0 =	vld [tilespmem:s2+$0x12478];
	_ =	sdelay $0x4  }
0x26d: {  	[tilespmem:s3+$0x12478] =	vst v0  }
0x26e: {  	v0 =	vld [tilespmem:s2+$0x12488];
	_ =	sdelay $0x4  }
0x26f: {  	[tilespmem:s3+$0x12488] =	vst v0  }
0x270: {  	v0 =	vld [tilespmem:s2+$0x12498];
	_ =	sdelay $0x4  }
0x271: {  	[tilespmem:s3+$0x12498] =	vst v0  }
0x272: {  	v0 =	vld [tilespmem:s2+$0x124A8];
	_ =	sdelay $0x4  }
0x273: {  	[tilespmem:s3+$0x124A8] =	vst v0  }
0x274: {  	v0 =	vld [tilespmem:s2+$0x124B8];
	_ =	sdelay $0x4  }
0x275: {  	[tilespmem:s3+$0x124B8] =	vst v0  }
0x276: {  	v0 =	vld [tilespmem:s2+$0x124C8];
	_ =	sdelay $0x4  }
0x277: {  	[tilespmem:s3+$0x124C8] =	vst v0  }
0x278: {  	v0 =	vld [tilespmem:s2+$0x124D8];
	_ =	sdelay $0x4  }
0x279: {  	[tilespmem:s3+$0x124D8] =	vst v0  }
0x27a: {  	v0 =	vld [tilespmem:s2+$0x124E8];
	_ =	sdelay $0x4  }
0x27b: {  	[tilespmem:s3+$0x124E8] =	vst v0  }
0x27c: {  	v0 =	vld [tilespmem:s2+$0x124F8];
	_ =	sdelay $0x4  }
0x27d: {  	[tilespmem:s3+$0x124F8] =	vst v0  }
0x27e: {  	v0 =	vld [tilespmem:s2+$0x12508];
	_ =	sdelay $0x4  }
0x27f: {  	[tilespmem:s3+$0x12508] =	vst v0  }
0x280: {  	v0 =	vld [tilespmem:s2+$0x12518];
	_ =	sdelay $0x4  }
0x281: {  	[tilespmem:s3+$0x12518] =	vst v0  }
0x282: {  	v0 =	vld [tilespmem:s2+$0x12528];
	_ =	sdelay $0x4  }
0x283: {  	s6 =	sadd.s32 $0x1, s6;
	[tilespmem:s3+$0x12528] =	vst v0  }
.LBB2_55:
0x284: {  	s11 =	sadd.s32 $0x1, s11  }
0x285: {  	p1 =	sne.s32 s11, $0x20  }
.Ltmp31:
0x286: {  	_ = 	snop;
	(pc) =	sbr.rel @!p1 .LBB2_56-.Ltmp31, $2  }
0x287: {  	_ =	sdelay $0x2  }
0x288: {  	s9 =	sadd.s32 $0x100, s9  }
.LBB2_42:
0x289: {  	v0 =	vld.msk [tilespmem:s11+$0x12418], $0x1;
	_ =	sdelay $0x4  }
0x28a: {  	(v2sf) =	vpush v0, $0x0;
	_ =	sdelay $0xe  }
0x28b: {  	s12 =	spop (v2sf)  }
0x28c: {  	p1 =	seq.s32 s12, $0xFFFFFFFF  }
.Ltmp32:
0x28d: {  	_ = 	snop;
	(pc) =	sbr.rel @p1 .LBB2_55-.Ltmp32, $1  }
0x28e: {  	_ =	sdelay $0x3  }
0x28f: {  	p1 =	slt.s32 s6, $0x1  }
.Ltmp33:
0x290: {  	_ = 	snop;
	(pc) =	sbr.rel @p1 .LBB2_49-.Ltmp33, $2  }
0x291: {  	_ =	sdelay $0x2  }
0x292: {  	s13 =	sand.u32 $0xFFFFFFFE, s12  }
0x293: {  	s3 =	simm.s32 $0x12418;
	p1 =	por $0x0, $0x0  }
0x294: {  	v1 =	vld.msk @!p1 [tilespmem:s3+$0x0], $0x1;
	_ =	sdelay $0x4  }
0x295: {  	(v2sf) =	vpush @!p1 v1, $0x0;
	_ =	sdelay $0xe  }
0x296: {  	p3 =	sne.s32 s6, $0x1;
	s2 =	spop @!p1 (v2sf)  }
.Ltmp34:
0x297: {  	s2 =	sand.u32 @!p1 $0xFFFFFFFE, s2;
	(pc) =	sbr.rel @!p3 .LBB2_46-.Ltmp34, $4  }
0x298: {  	p2 =	seq.s32 @!p1 s13, s2  }
0x299: {  	s14 =	simm.s32 $0x0;
	p2 =	por !p2, p1  }
0x29a: {  	s2 =	simm.s32 $0xFFFFFFFF;
	s14 =	simm.s32 @p2 $0xFFFFFFFF  }
0x29b: {  	s15 =	simm.s32 $0x1;
	s14 =	smov.u32 @p1 s2  }
.LBB2_45:
0x29c: {  	s2 =	smov.u32 s14;
	p1 =	sne.s32 s14, $0xFFFFFFFF  }
0x29d: {  	s3 =	sadd.s32 $0x1, s3;
	s14 =	smov.u32 s15;
	s15 =	sadd.s32 $0x1, s15  }
0x29e: {  	p2 =	sne.s32 s6, s15;
	v1 =	vld.msk @!p1 [tilespmem:s3+$0x0], $0x1;
	_ =	sdelay $0x4  }
0x29f: {  	(v2sf) =	vpush @!p1 v1, $0x0;
	_ =	sdelay $0xe  }
0x2a0: {  	s4 =	spop @!p1 (v2sf)  }
.Ltmp35:
0x2a1: {  	s4 =	sand.u32 @!p1 $0xFFFFFFFE, s4;
	(pc) =	sbr.rel @p2 .LBB2_45-.Ltmp35, $4  }
0x2a2: {  	p3 =	seq.s32 @!p1 s13, s4  }
0x2a3: {  	p3 =	por !p3, p1  }
0x2a4: {  	s14 =	simm.s32 @p3 $0xFFFFFFFF  }
0x2a5: {  	s14 =	smov.u32 @p1 s2  }
.LBB2_46:
0x2a6: {  	p1 =	seq.s32 s14, $0xFFFFFFFF  }
.Ltmp36:
0x2a7: {  	_ = 	snop;
	(pc) =	sbr.rel @p1 .LBB2_49-.Ltmp36, $1  }
0x2a8: {  	_ =	sdelay $0x3  }
0x2a9: {  	s2 =	sshll.u32 s14, $0xA  }
0x2aa: {  	s2 =	sshra.s32 s2, $0x2  }
0x2ab: {  	v0 =	vld [tilespmem:s9+$0x0];
	s3 =	sadd.s32 $0x12438, s2  }
0x2ac: {  	v1 =	vld [tilespmem:s3+$0x0];
	_ =	sdelay $0x3  }
0x2ad: {  	v2 =	vunpack.i.u.bf16.f32 v0  }
0x2ae: {  	v0 =	vunpack.i.l.bf16.f32 v0;
	v3 =	vunpack.i.u.bf16.f32 v1;
	v1 =	vunpack.i.l.bf16.f32 v1  }
0x2af: {  	v2 =	vadd.f32 v3, v2;
	v0 =	vadd.f32 v1, v0;
	_ =	sdelay $0x1  }
0x2b0: {  	v0 =	vpack.i.f32.bf16 v2, v0  }
0x2b1: {  	s12 =	simm.s32 $0x0;
	s2 =	sadd.s32 $0x10, s9;
	[tilespmem:s3+$0x0] =	vst v0  }
.LBB2_48:
0x2b2: {  	v0 =	vld [tilespmem:s2+$0x0];
	s3 =	sadd.s32 $0x10, s3  }
0x2b3: {  	s12 =	sadd.s32 $0x10, s12;
	v1 =	vld [tilespmem:s3+$0x0]  }
0x2b4: {  	p1 =	slt.u32 s12, $0xF0;
	_ =	sdelay $0x2  }
0x2b5: {  	v2 =	vunpack.i.u.bf16.f32 v0  }
.Ltmp37:
0x2b6: {  	v0 =	vunpack.i.l.bf16.f32 v0;
	v3 =	vunpack.i.u.bf16.f32 v1;
	v1 =	vunpack.i.l.bf16.f32 v1;
	(pc) =	sbr.rel @p1 .LBB2_48-.Ltmp37, $3  }
0x2b7: {  	v2 =	vadd.f32 v3, v2;
	v0 =	vadd.f32 v1, v0;
	_ =	sdelay $0x1  }
0x2b8: {  	v0 =	vpack.i.f32.bf16 v2, v0  }
0x2b9: {  	s2 =	sadd.s32 $0x10, s2;
	[tilespmem:s3+$0x0] =	vst v0  }
.Ltmp38:
0x2ba: {  	_ = 	snop;
	(pc) =	sbr.rel .LBB2_55-.Ltmp38, $1  }
0x2bb: {  	_ =	sdelay $0x3  }
.LBB2_49:
0x2bc: {  	p1 =	sgt.u32 s12, $0x27FB01  }
0x2bd: {  	p2 =	seq.s32 @!p1 s13, s7  }
0x2be: {  	p1 =	por p1, p2  }
0x2bf: {  	p2 =	sne.s32 @!p1 s13, s8  }
0x2c0: {  	p1 =	por p1, !p2  }
.Ltmp39:
0x2c1: {  	_ = 	snop;
	(pc) =	sbr.rel @p1 .LBB2_50-.Ltmp39, $1  }
0x2c2: {  	_ =	sdelay $0x3  }
0x2c3: {  	s2 =	sshrl.u32 s12, $0x1;
	s3 =	sshrl.u32 s12, $0x4  }
0x2c4: {  	s4 =	simm.s32 $0x12308;
	s3 =	sadd.s32 s1, s3;
	s2 =	sand.u32 $0x7, s2  }
0x2c5: {  	[tilespmem:s4], [sflag:$0x6] =	stream.linear.gather [hbm4b:s3+s2], $0x80, $0x38;
	[tilespmem:$0x1D568] =	vst v63  }
0x2c6: {  	s3 =	sadd.s32 $0x40, s3  }
0x2c7: {  	[tilespmem:s10], [sflag:$0x6] =	stream.linear.gather [hbm4b:s3+s2], $0x80, $0x38;
	[tilespmem:$0x1D568] =	vst v63  }
0x2c8: {  	_ =	swait.ge [sflag:s0], $0x100  }
0x2c9: {  	[sflag:s0] =	ssyncset.done $0x0  }
0x2ca: {  	[sflag:s0] =	ssyncadd.s32 $0xFFFFFF00  }
0x2cb: {  	v1 =	vld [tilespmem:s4+$0x0]  }
0x2cc: {  	v2 =	vld [tilespmem:s9+$0x0];
	_ =	sdelay $0x3  }
0x2cd: {  	v3 =	vunpack.i.u.bf16.f32 v1  }
0x2ce: {  	v1 =	vunpack.i.l.bf16.f32 v1;
	v4 =	vunpack.i.u.bf16.f32 v2;
	v2 =	vunpack.i.l.bf16.f32 v2  }
0x2cf: {  	v3 =	vadd.f32 v4, v3;
	v1 =	vadd.f32 v2, v1  }
0x2d0: {  	s12 =	simm.s32 $0x0  }
0x2d1: {  	s3 =	sshll.u32 s11, $0xA;
	s2 =	simm.s32 $0x12318;
	s4 =	smov.u32 s9;
	v1 =	vpack.i.f32.bf16 v3, v1  }
.LBB2_52:
0x2d2: {  	v2 =	vld [tilespmem:s2+$0x0];
	[tilespmem:s4+$0x0] =	vst v1;
	s4 =	sadd.s32 $0x10, s4  }
0x2d3: {  	s12 =	sadd.s32 $0x10, s12;
	v1 =	vld [tilespmem:s4+$0x0]  }
0x2d4: {  	p1 =	slt.u32 s12, $0xF0;
	_ =	sdelay $0x2  }
.Ltmp40:
0x2d5: {  	v3 =	vunpack.i.u.bf16.f32 v2;
	(pc) =	sbr.rel @p1 .LBB2_52-.Ltmp40, $3  }
0x2d6: {  	v2 =	vunpack.i.l.bf16.f32 v2;
	v4 =	vunpack.i.u.bf16.f32 v1;
	v1 =	vunpack.i.l.bf16.f32 v1  }
0x2d7: {  	v3 =	vadd.f32 v4, v3;
	v1 =	vadd.f32 v1, v2;
	_ =	sdelay $0x1  }
0x2d8: {  	s2 =	sadd.s32 $0x10, s2;
	v1 =	vpack.i.f32.bf16 v3, v1  }
.Ltmp41:
0x2d9: {  	(pc) =	sbr.rel .LBB2_54-.Ltmp41, $2  }
0x2da: {  	_ =	sdelay $0x2  }
0x2db: {  	[tilespmem:s4+$0x0] =	vst v1  }
.LBB2_56:
0x2dc: {  	s0 =	simm.s32 $0x6;
	p1 =	seq.s32 s6, $0x0  }
0x2dd: {  	[sflag:s0] =	ssyncpa.u1 $0x1;
	v0 =	vimm.s32 @p1 $0xFFFFFFFF  }
0x2de: {  	s0 =	sadd.s32 $0xFFFFFFFF, s6;
	[tilespmem:$0x14438] =	vst @p1 v0  }
0x2df: {  	v0 =	vld.msk @!p1 [tilespmem:s0+$0x12418], $0x1;
	_ =	sdelay $0x1  }
0x2e0: {  	v1 =	vld.msk @!p1 [tilespmem:$0x12418], $0x1;
	_ =	sdelay $0x2  }
0x2e1: {  	p2 =	seq.s32 @!p1 s0, $0x0;
	v0 =	vbroadcast @!p1 v0, $0x0  }
0x2e2: {  	vm0 =	vmmov @!p1 $0x1;
	p2 =	por !p2, p1  }
0x2e3: {  	v1 =	vnsel @!p1 vm0, $0xFFFFFFFF, v1;
	vm0 =	vcmask @!p1 $0x308;
	v0 =	vpsel !p2, $0xFFFFFFFF, v0  }
0x2e4: {  	p2 =	sne.s32 @!p1 s7, s8;
	v0 =	vsel @!p1 vm0, v1, v0  }
0x2e5: {  	s2 =	simm.s32 @!p1 $0x12438;
	s3 =	simm.s32 @!p1 $0x0;
	p3 =	por !p2, p1;
	[tilespmem:$0x14438] =	vst @!p1 v0  }
0x2e6: {  	[spmem:s3] =	stream.linear.scatter @!p1 [tilespmem:s2], [sflag:$0x1], $0x100, $0x38;
	[tilespmem:$0x1D568] =	vst v63  }
0x2e7: {  	s2 =	sshll.u32 @!p3 s0, $0xA  }
0x2e8: {  	s2 =	sshra.s32 @!p3 s2, $0x2  }
0x2e9: {  	s3 =	simm.s32 @!p3 $0x100;
	s2 =	sadd.s32 @!p3 $0x12438, s2  }
0x2ea: {  	[spmem:s3] =	stream.linear.scatter @!p3 [tilespmem:s2], [sflag:$0x1], $0x100, $0x38;
	[tilespmem:$0x1D568] =	vst v63  }
0x2eb: {  	s2 =	simm.s32 @!p3 $0x1  }
0x2ec: {  	_ =	swait.ge @!p3 [sflag:s2], $0x200  }
0x2ed: {  	p1 =	por p2, p1;
	[sflag:s2] =	ssyncset.done @!p3 $0x0  }
0x2ee: {  	[sflag:s2] =	ssyncadd.s32 @!p3 $0xFFFFFE00;
	s2 =	simm.s32 @!p1 $0x1  }
0x2ef: {  	_ =	swait.ge @!p1 [sflag:s2], $0x100  }
0x2f0: {  	s29 =	simm.s32 $0x14438;
	[sflag:s2] =	ssyncset.done @!p1 $0x0  }
0x2f1: {  	s30 =	simm.s32 $0x2000;
	s31 =	simm.s32 $0x1;
	[sflag:s2] =	ssyncadd.s32 @!p1 $0xFFFFFF00  }
0x2f2: {  	[spmem:s30] =	stream.linear.scatter [tilespmem:s29], [sflag:$0x1], $0x10, $0x38;
	[tilespmem:$0x1D568] =	vst v63  }
0x2f3: {  	_ =	swait.ge [sflag:s31], $0x10  }
0x2f4: {  	[sflag:s31] =	ssyncset.done $0x0  }
0x2f5: {  	p1 =	seq.s32 s5, $0x0;
	[sflag:s31] =	ssyncadd.s32 $0xFFFFFFF0  }
0x2f6: {  	s3 =	sshll.u32 @p1 s17, $0xE;
	s9 =	rddreg [dreg:$0x2]  }
0x2f7: {  	s2 =	sadd.s32 @p1 $0x15C3C, s3;
	s3 =	sshll.u32 @p1 s9, $0x11  }
0x2f8: {  	_ =	sfence.stream.spmem;
	s2 =	sor.u32 @p1 s3, s2  }
0x2f9: {  	[sflag:s2] =	ssyncadd.remote.s32 @p1 $0x1;
	s2 =	simm.s32 @p1 $0x4  }
0x2fa: {  	s4 =	simm.s32 @!p1 $0x3C;
	s3 =	sand.u32 $0xFFFFFFFE, s17;
	_ =	swait.ge @p1 [sflag:s2], $0x42  }
0x2fb: {  	s7 =	simm.s32 @!p1 $0x0;
	s3 =	sadd.s32 @!p1 $0x4, s3;
	[sflag:s2] =	ssyncset.done @p1 $0x0  }
0x2fc: {  	s8 =	simm.s32 @!p1 $0x200;
	[sflag:s2] =	ssyncadd.s32 @p1 $0xFFFFFFBE;
	s2 =	sshll.u32 @!p1 s3, $0x1A  }
0x2fd: {  	s3 =	sshll.u32 @!p1 s3, $0xD;
	s2 =	sor.u32 @!p1 s2, s9;
	_ =	swait.eq @!p1 [sflag:s4], $0x1  }
0x2fe: {  	s3 =	sor.u32 @!p1 $0x1C04, s3;
	s4 =	simm.s32 @!p1 $0x1C03;
	s2 =	sor.u32 @!p1 $0x80004000, s2  }
0x2ff: {  	[spmem:s8], [sflag:s3] =	dma.general @!p1 [spmem:s7], [sflag:s4], length:$0x40, [dreg:$0x0], stride_count:$0x0, ici_dest:s2, dma_misc:DstOpCode:WRITE  }
0x300: {  	p2 =	slt.s32 s0, $0x2;
	s7 =	simm.s32 @!p1 $0x400;
	s8 =	simm.s32 @!p1 $0x402  }
0x301: {  	[spmem:s8], [sflag:s3] =	dma.general @!p1 [spmem:s7], [sflag:s4], length:$0x2, [dreg:$0x0], stride_count:$0x0, ici_dest:s2, dma_misc:DstOpCode:WRITE  }
.Ltmp42:
0x302: {  	s2 =	simm.s32 @!p1 $0x3;
	(pc) =	sbr.rel @p2 .LBB2_60-.Ltmp42, $4  }
0x303: {  	s3 =	sshll.u32 @!p1 s17, $0xE;
	_ =	swait.ge @!p1 [sflag:s2], $0x42  }
0x304: {  	s4 =	sshll.u32 @!p1 s9, $0x11;
	s3 =	sadd.s32 @!p1 $0x11C3C, s3;
	[sflag:s2] =	ssyncset.done @!p1 $0x0  }
0x305: {  	[sflag:s2] =	ssyncadd.s32 @!p1 $0xFFFFFFBE;
	s2 =	sor.u32 @!p1 s4, s3  }
0x306: {  	s0 =	simm.s32 $0x0;
	[sflag:s2] =	ssyncadd.remote.s32 @!p1 $0xFFFFFFFF  }
0x307: {  	s0 =	simm.s32 $0x12419  }
0x308: {  	v0 =	vld.msk [tilespmem:s0+$0x0], $0x1;
	_ =	sdelay $0x4  }
0x309: {  	(v2sf) =	vpush v0, $0x0;
	_ =	sdelay $0xe  }
0x30a: {  	s0 =	spop (v2sf)  }
0x30b: {  	p1 =	sgt.u32 s0, $0x27FB01  }
0x30c: {  	s2 =	sadd.s32 $0xFFFFFFFE, s6;
	s3 =	sshrl.u32 @!p1 s0, $0x1  }
0x30d: {  	s7 =	sand.u32 @!p1 $0x7, s3;
	s3 =	sadd.s32 $0xFFFFFFFF, s2  }
0x30e: {  	s4 =	simm.s32 $0x0;
	s6 =	sshrl.u32 @!p1 s0, $0x4;
	p2 =	sne.s32 s3, $0x0  }
.Ltmp43:
0x30f: {  	s0 =	simm.s32 $0x12538;
	s6 =	sadd.s32 @!p1 s1, s6;
	(pc) =	sbr.rel @!p2 .LBB2_59-.Ltmp43, $4  }
0x310: {  	[hbm4b:s6+s7] =	stream.linear.scatter @!p1 [tilespmem:s0], [sflag:$0x5], $0x80, $0x38;
	[tilespmem:$0x1D568] =	vst v63  }
0x311: {  	s4 =	simm.s32 @!p1 $0x400;
	s2 =	simm.s32 @!p1 $0x125B8;
	s6 =	sadd.s32 @!p1 $0x40, s6  }
0x312: {  	[hbm4b:s6+s7] =	stream.linear.scatter @!p1 [tilespmem:s2], [sflag:$0x5], $0x80, $0x38;
	[tilespmem:$0x1D568] =	vst v63  }
0x313: {  	s4 =	sadd.s32 $0x0, s4;
	s6 =	simm.s32 $0x1241A  }
.LBB2_58:
0x314: {  	v0 =	vld.msk [tilespmem:s6+$0x0], $0x1;
	s3 =	sadd.s32 $0xFFFFFFFF, s3  }
0x315: {  	p1 =	sne.s32 s3, $0x0;
	_ =	sdelay $0x3  }
0x316: {  	(v2sf) =	vpush v0, $0x0;
	_ =	sdelay $0xe  }
0x317: {  	s2 =	spop (v2sf)  }
0x318: {  	p2 =	sgt.u32 s2, $0x27FB01  }
0x319: {  	s0 =	sadd.s32 $0x100, s0;
	s9 =	simm.s32 $0x0;
	s7 =	sshrl.u32 @!p2 s2, $0x1  }
.Ltmp44:
0x31a: {  	s2 =	sshrl.u32 @!p2 s2, $0x4;
	s8 =	sadd.s32 @!p2 $0x80, s0;
	(pc) =	sbr.rel @p1 .LBB2_58-.Ltmp44, $4  }
0x31b: {  	s9 =	simm.s32 @!p2 $0x400;
	s2 =	sadd.s32 @!p2 s1, s2;
	s7 =	sand.u32 @!p2 $0x7, s7  }
0x31c: {  	[hbm4b:s2+s7] =	stream.linear.scatter @!p2 [tilespmem:s0], [sflag:$0x5], $0x80, $0x38;
	[tilespmem:$0x1D568] =	vst v63  }
0x31d: {  	s6 =	sadd.s32 $0x1, s6;
	s4 =	sadd.s32 s4, s9;
	s2 =	sadd.s32 @!p2 $0x40, s2  }
0x31e: {  	[hbm4b:s2+s7] =	stream.linear.scatter @!p2 [tilespmem:s8], [sflag:$0x5], $0x80, $0x38;
	[tilespmem:$0x1D568] =	vst v63  }
.LBB2_59:
0x31f: {  	s0 =	sshrl.u32 s4, $0x2  }
.LBB2_60:
0x320: {  	s2 =	simm.s32 $0x5  }
0x321: {  	_ =	swait.ge [sflag:s2], s0  }
0x322: {  	s31 =	ssub.s32 $0x0, s0;
	[sflag:s2] =	ssyncset.done $0x0  }
0x323: {  	[sflag:s2] =	ssyncadd.s32 s31  }
0x324: {  	[sflag:s2] =	ssyncpa.u1 $0x1  }
.LBB2_61:
0x325: {  	s0 =	sor.u32 s5, s16  }
0x326: {  	p1 =	sne.s32 s0, $0x0  }
.Ltmp45:
0x327: {  	_ = 	snop;
	(pc) =	sbr.rel @p1 .LBB2_82-.Ltmp45, $3  }
0x328: {  	_ =	sdelay $0x1  }
0x329: {  	[bflag:$0x0] =	sbarrier.arrive $0xFFFF  }
0x32a: {  	_ =	sfence  }
0x32b: {  	s3 =	simm.s32 $0x7  }
0x32c: {  	s0 =	simm.s32 $0x2000;
	s2 =	simm.s32 $0x12418;
	[sflag:s3] =	ssyncpa.u1 $0x0  }
0x32d: {  	[tilespmem:s2], [sflag:$0x7] =	stream.linear.gather [spmem:s0], $0x20, $0x38;
	[tilespmem:$0x1D568] =	vst v63  }
0x32e: {  	s2 =	simm.s32 $0x0;
	s0 =	simm.s32 $0x12438  }
0x32f: {  	[tilespmem:s0], [sflag:$0x7] =	stream.linear.gather [spmem:s2], $0x2000, $0x38;
	[tilespmem:$0x1D568] =	vst v63  }
.Ltmp46:
0x330: {  	_ = 	snop;
	(pc) =	sbr.rel .LBB2_63-.Ltmp46, $4  }
0x331: {  	_ =	swait.ge [sflag:s3], $0x2020  }
0x332: {  	[sflag:s3] =	ssyncset.done $0x0  }
0x333: {  	[sflag:s3] =	ssyncadd.s32 $0xFFFFDFE0;
	s3 =	simm.s32 $0x8  }
0x334: {  	s4 =	simm.s32 $0x12388;
	s5 =	simm.s32 $0x0;
	[sflag:s3] =	ssyncpa.u1 $0x0  }
.LBB2_71:
0x335: {  	s6 =	sshll.u32 s5, $0xA  }
.LBB2_75:
0x336: {  	[tilespmem:s2+$0x12418] =	vst.msk $0x1, v0;
	s6 =	sshrl.u32 s6, $0x2  }
0x337: {  	v0 =	vld [tilespmem:s6+$0x12438];
	_ =	sdelay $0x2  }
0x338: {  	s7 =	sshll.u32 s2, $0xA  }
0x339: {  	s7 =	sshra.s32 s7, $0x2  }
0x33a: {  	[tilespmem:s7+$0x12438] =	vst v0  }
0x33b: {  	v0 =	vld [tilespmem:s6+$0x12448];
	_ =	sdelay $0x4  }
0x33c: {  	[tilespmem:s7+$0x12448] =	vst v0  }
0x33d: {  	v0 =	vld [tilespmem:s6+$0x12458];
	_ =	sdelay $0x4  }
0x33e: {  	[tilespmem:s7+$0x12458] =	vst v0  }
0x33f: {  	v0 =	vld [tilespmem:s6+$0x12468];
	_ =	sdelay $0x4  }
0x340: {  	[tilespmem:s7+$0x12468] =	vst v0  }
0x341: {  	v0 =	vld [tilespmem:s6+$0x12478];
	_ =	sdelay $0x4  }
0x342: {  	[tilespmem:s7+$0x12478] =	vst v0  }
0x343: {  	v0 =	vld [tilespmem:s6+$0x12488];
	_ =	sdelay $0x4  }
0x344: {  	[tilespmem:s7+$0x12488] =	vst v0  }
0x345: {  	v0 =	vld [tilespmem:s6+$0x12498];
	_ =	sdelay $0x4  }
0x346: {  	[tilespmem:s7+$0x12498] =	vst v0  }
0x347: {  	v0 =	vld [tilespmem:s6+$0x124A8];
	_ =	sdelay $0x4  }
0x348: {  	[tilespmem:s7+$0x124A8] =	vst v0  }
0x349: {  	v0 =	vld [tilespmem:s6+$0x124B8];
	_ =	sdelay $0x4  }
0x34a: {  	[tilespmem:s7+$0x124B8] =	vst v0  }
0x34b: {  	v0 =	vld [tilespmem:s6+$0x124C8];
	_ =	sdelay $0x4  }
0x34c: {  	[tilespmem:s7+$0x124C8] =	vst v0  }
0x34d: {  	v0 =	vld [tilespmem:s6+$0x124D8];
	_ =	sdelay $0x4  }
0x34e: {  	[tilespmem:s7+$0x124D8] =	vst v0  }
0x34f: {  	v0 =	vld [tilespmem:s6+$0x124E8];
	_ =	sdelay $0x4  }
0x350: {  	[tilespmem:s7+$0x124E8] =	vst v0  }
0x351: {  	v0 =	vld [tilespmem:s6+$0x124F8];
	_ =	sdelay $0x4  }
0x352: {  	[tilespmem:s7+$0x124F8] =	vst v0  }
0x353: {  	v0 =	vld [tilespmem:s6+$0x12508];
	_ =	sdelay $0x4  }
0x354: {  	[tilespmem:s7+$0x12508] =	vst v0  }
0x355: {  	v0 =	vld [tilespmem:s6+$0x12518];
	_ =	sdelay $0x4  }
0x356: {  	[tilespmem:s7+$0x12518] =	vst v0  }
0x357: {  	v0 =	vld [tilespmem:s6+$0x12528];
	_ =	sdelay $0x4  }
0x358: {  	s2 =	sadd.s32 $0x1, s2;
	[tilespmem:s7+$0x12528] =	vst v0  }
.LBB2_76:
0x359: {  	s5 =	sadd.s32 $0x1, s5  }
0x35a: {  	p1 =	sne.s32 s5, $0x20  }
.Ltmp47:
0x35b: {  	_ = 	snop;
	(pc) =	sbr.rel @!p1 .LBB2_77-.Ltmp47, $2  }
0x35c: {  	_ =	sdelay $0x2  }
0x35d: {  	s0 =	sadd.s32 $0x100, s0  }
.LBB2_63:
0x35e: {  	v0 =	vld.msk [tilespmem:s5+$0x12418], $0x1;
	_ =	sdelay $0x4  }
0x35f: {  	(v2sf) =	vpush v0, $0x0;
	_ =	sdelay $0xe  }
0x360: {  	s6 =	spop (v2sf)  }
0x361: {  	p1 =	seq.s32 s6, $0xFFFFFFFF  }
.Ltmp48:
0x362: {  	_ = 	snop;
	(pc) =	sbr.rel @p1 .LBB2_76-.Ltmp48, $1  }
0x363: {  	_ =	sdelay $0x3  }
0x364: {  	p1 =	slt.s32 s2, $0x1  }
.Ltmp49:
0x365: {  	_ = 	snop;
	(pc) =	sbr.rel @p1 .LBB2_70-.Ltmp49, $1  }
0x366: {  	_ =	sdelay $0x3  }
0x367: {  	s7 =	simm.s32 $0x12418;
	p1 =	por $0x0, $0x0  }
0x368: {  	v1 =	vld.msk @!p1 [tilespmem:s7+$0x0], $0x1;
	_ =	sdelay $0x4  }
0x369: {  	(v2sf) =	vpush @!p1 v1, $0x0;
	_ =	sdelay $0xe  }
0x36a: {  	p3 =	sne.s32 s2, $0x1;
	s8 =	spop @!p1 (v2sf)  }
.Ltmp50:
0x36b: {  	s8 =	sxor.u32 @!p1 s6, s8;
	(pc) =	sbr.rel @!p3 .LBB2_67-.Ltmp50, $4  }
0x36c: {  	p2 =	slt.u32 @!p1 s8, $0x2  }
0x36d: {  	s8 =	simm.s32 $0x0;
	p2 =	por !p2, p1  }
0x36e: {  	s10 =	simm.s32 $0xFFFFFFFF;
	s8 =	simm.s32 @p2 $0xFFFFFFFF  }
0x36f: {  	s9 =	simm.s32 $0x1;
	s8 =	smov.u32 @p1 s10  }
.LBB2_66:
0x370: {  	s10 =	smov.u32 s8;
	p1 =	sne.s32 s8, $0xFFFFFFFF  }
0x371: {  	s7 =	sadd.s32 $0x1, s7;
	s8 =	smov.u32 s9;
	s9 =	sadd.s32 $0x1, s9  }
0x372: {  	p2 =	sne.s32 s2, s9;
	v1 =	vld.msk @!p1 [tilespmem:s7+$0x0], $0x1;
	_ =	sdelay $0x4  }
0x373: {  	(v2sf) =	vpush @!p1 v1, $0x0;
	_ =	sdelay $0xe  }
0x374: {  	s11 =	spop @!p1 (v2sf)  }
.Ltmp51:
0x375: {  	s11 =	sxor.u32 @!p1 s6, s11;
	(pc) =	sbr.rel @p2 .LBB2_66-.Ltmp51, $4  }
0x376: {  	p3 =	slt.u32 @!p1 s11, $0x2  }
0x377: {  	p3 =	por !p3, p1  }
0x378: {  	s8 =	simm.s32 @p3 $0xFFFFFFFF  }
0x379: {  	s8 =	smov.u32 @p1 s10  }
.LBB2_67:
0x37a: {  	p1 =	seq.s32 s8, $0xFFFFFFFF  }
.Ltmp52:
0x37b: {  	_ = 	snop;
	(pc) =	sbr.rel @p1 .LBB2_70-.Ltmp52, $1  }
0x37c: {  	_ =	sdelay $0x3  }
0x37d: {  	s6 =	sshll.u32 s8, $0xA  }
0x37e: {  	s6 =	sshra.s32 s6, $0x2  }
0x37f: {  	v0 =	vld [tilespmem:s0+$0x0];
	s6 =	sadd.s32 $0x12438, s6  }
0x380: {  	v1 =	vld [tilespmem:s6+$0x0];
	_ =	sdelay $0x3  }
0x381: {  	v2 =	vunpack.i.u.bf16.f32 v0  }
0x382: {  	v0 =	vunpack.i.l.bf16.f32 v0;
	v3 =	vunpack.i.u.bf16.f32 v1;
	v1 =	vunpack.i.l.bf16.f32 v1  }
0x383: {  	v2 =	vadd.f32 v3, v2;
	v0 =	vadd.f32 v1, v0;
	_ =	sdelay $0x1  }
0x384: {  	v0 =	vpack.i.f32.bf16 v2, v0  }
0x385: {  	s7 =	simm.s32 $0x0;
	s8 =	sadd.s32 $0x10, s0;
	[tilespmem:s6+$0x0] =	vst v0  }
.LBB2_69:
0x386: {  	v0 =	vld [tilespmem:s8+$0x0];
	s6 =	sadd.s32 $0x10, s6  }
0x387: {  	s7 =	sadd.s32 $0x10, s7;
	v1 =	vld [tilespmem:s6+$0x0]  }
0x388: {  	p1 =	slt.u32 s7, $0xF0;
	_ =	sdelay $0x2  }
0x389: {  	v2 =	vunpack.i.u.bf16.f32 v0  }
.Ltmp53:
0x38a: {  	v0 =	vunpack.i.l.bf16.f32 v0;
	v3 =	vunpack.i.u.bf16.f32 v1;
	v1 =	vunpack.i.l.bf16.f32 v1;
	(pc) =	sbr.rel @p1 .LBB2_69-.Ltmp53, $3  }
0x38b: {  	v2 =	vadd.f32 v3, v2;
	v0 =	vadd.f32 v1, v0;
	_ =	sdelay $0x1  }
0x38c: {  	v0 =	vpack.i.f32.bf16 v2, v0  }
0x38d: {  	s8 =	sadd.s32 $0x10, s8;
	[tilespmem:s6+$0x0] =	vst v0  }
.Ltmp54:
0x38e: {  	_ = 	snop;
	(pc) =	sbr.rel .LBB2_76-.Ltmp54, $1  }
0x38f: {  	_ =	sdelay $0x3  }
.LBB2_70:
0x390: {  	p1 =	slt.u32 s6, $0x27FB02  }
.Ltmp55:
0x391: {  	_ = 	snop;
	(pc) =	sbr.rel @!p1 .LBB2_71-.Ltmp55, $1  }
0x392: {  	_ =	sdelay $0x3  }
0x393: {  	s7 =	sshrl.u32 s6, $0x1;
	s31 =	sshrl.u32 s6, $0x4  }
0x394: {  	s8 =	simm.s32 $0x12308;
	s6 =	sadd.s32 s1, s31;
	s7 =	sand.u32 $0x7, s7  }
0x395: {  	[tilespmem:s8], [sflag:$0x8] =	stream.linear.gather [hbm4b:s6+s7], $0x80, $0x38;
	[tilespmem:$0x1D568] =	vst v63  }
0x396: {  	s6 =	sadd.s32 $0x40, s6  }
0x397: {  	[tilespmem:s4], [sflag:$0x8] =	stream.linear.gather [hbm4b:s6+s7], $0x80, $0x38;
	[tilespmem:$0x1D568] =	vst v63  }
0x398: {  	_ =	swait.ge [sflag:s3], $0x100  }
0x399: {  	[sflag:s3] =	ssyncset.done $0x0  }
0x39a: {  	[sflag:s3] =	ssyncadd.s32 $0xFFFFFF00  }
0x39b: {  	v1 =	vld [tilespmem:s8+$0x0]  }
0x39c: {  	v2 =	vld [tilespmem:s0+$0x0];
	_ =	sdelay $0x3  }
0x39d: {  	v3 =	vunpack.i.u.bf16.f32 v1  }
0x39e: {  	v1 =	vunpack.i.l.bf16.f32 v1;
	v4 =	vunpack.i.u.bf16.f32 v2;
	v2 =	vunpack.i.l.bf16.f32 v2  }
0x39f: {  	v3 =	vadd.f32 v4, v3;
	v1 =	vadd.f32 v2, v1  }
0x3a0: {  	s9 =	simm.s32 $0x12318  }
0x3a1: {  	s6 =	sshll.u32 s5, $0xA;
	s7 =	simm.s32 $0x0;
	s8 =	smov.u32 s0;
	v1 =	vpack.i.f32.bf16 v3, v1  }
.LBB2_73:
0x3a2: {  	v2 =	vld [tilespmem:s9+$0x0];
	[tilespmem:s8+$0x0] =	vst v1;
	s8 =	sadd.s32 $0x10, s8  }
0x3a3: {  	s7 =	sadd.s32 $0x10, s7;
	v1 =	vld [tilespmem:s8+$0x0]  }
0x3a4: {  	p1 =	slt.u32 s7, $0xF0;
	_ =	sdelay $0x2  }
.Ltmp56:
0x3a5: {  	v3 =	vunpack.i.u.bf16.f32 v2;
	(pc) =	sbr.rel @p1 .LBB2_73-.Ltmp56, $3  }
0x3a6: {  	v2 =	vunpack.i.l.bf16.f32 v2;
	v4 =	vunpack.i.u.bf16.f32 v1;
	v1 =	vunpack.i.l.bf16.f32 v1  }
0x3a7: {  	v3 =	vadd.f32 v4, v3;
	v1 =	vadd.f32 v1, v2;
	_ =	sdelay $0x1  }
0x3a8: {  	s9 =	sadd.s32 $0x10, s9;
	v1 =	vpack.i.f32.bf16 v3, v1  }
.Ltmp57:
0x3a9: {  	(pc) =	sbr.rel .LBB2_75-.Ltmp57, $2  }
0x3aa: {  	_ =	sdelay $0x2  }
0x3ab: {  	[tilespmem:s8+$0x0] =	vst v1  }
.LBB2_77:
0x3ac: {  	p1 =	slt.s32 s2, $0x1  }
.Ltmp58:
0x3ad: {  	_ = 	snop;
	(pc) =	sbr.rel @p1 .LBB2_81-.Ltmp58, $3  }
0x3ae: {  	_ =	sdelay $0x1  }
0x3af: {  	s0 =	simm.s32 $0x8  }
0x3b0: {  	s3 =	simm.s32 $0x0;
	[sflag:s0] =	ssyncpa.u1 $0x1  }
0x3b1: {  	s0 =	simm.s32 $0x12418  }
0x3b2: {  	v0 =	vld.msk [tilespmem:s0+$0x0], $0x1;
	_ =	sdelay $0x4  }
0x3b3: {  	(v2sf) =	vpush v0, $0x0;
	_ =	sdelay $0xe  }
0x3b4: {  	s2 =	sadd.s32 $0xFFFFFFFF, s2;
	s0 =	spop (v2sf)  }
0x3b5: {  	p2 =	sne.s32 s2, $0x0;
	p1 =	sgt.u32 s0, $0x27FB01  }
0x3b6: {  	s4 =	sshrl.u32 @!p1 s0, $0x1;
	s5 =	sshrl.u32 @!p1 s0, $0x4;
	s0 =	simm.s32 $0x12438  }
.Ltmp59:
0x3b7: {  	s5 =	sadd.s32 @!p1 s1, s5;
	s4 =	sand.u32 @!p1 $0x7, s4;
	(pc) =	sbr.rel @!p2 .LBB2_80-.Ltmp59, $4  }
0x3b8: {  	[hbm4b:s5+s4] =	stream.linear.scatter @!p1 [tilespmem:s0], [sflag:$0x7], $0x80, $0x38;
	[tilespmem:$0x1D568] =	vst v63  }
0x3b9: {  	s6 =	simm.s32 @!p1 $0x124B8;
	s3 =	simm.s32 @!p1 $0x400;
	s5 =	sadd.s32 @!p1 $0x40, s5  }
0x3ba: {  	[hbm4b:s5+s4] =	stream.linear.scatter @!p1 [tilespmem:s6], [sflag:$0x7], $0x80, $0x38;
	[tilespmem:$0x1D568] =	vst v63  }
0x3bb: {  	s3 =	sadd.s32 $0x0, s3;
	s4 =	simm.s32 $0x12419  }
.LBB2_79:
0x3bc: {  	v0 =	vld.msk [tilespmem:s4+$0x0], $0x1;
	s2 =	sadd.s32 $0xFFFFFFFF, s2  }
0x3bd: {  	p1 =	sne.s32 s2, $0x0;
	_ =	sdelay $0x3  }
0x3be: {  	(v2sf) =	vpush v0, $0x0;
	_ =	sdelay $0xe  }
0x3bf: {  	s5 =	spop (v2sf)  }
0x3c0: {  	p2 =	sgt.u32 s5, $0x27FB01  }
0x3c1: {  	s0 =	sadd.s32 $0x100, s0;
	s8 =	simm.s32 $0x0;
	s6 =	sshrl.u32 @!p2 s5, $0x1  }
.Ltmp60:
0x3c2: {  	s5 =	sshrl.u32 @!p2 s5, $0x4;
	s7 =	sadd.s32 @!p2 $0x80, s0;
	(pc) =	sbr.rel @p1 .LBB2_79-.Ltmp60, $4  }
0x3c3: {  	s8 =	simm.s32 @!p2 $0x400;
	s5 =	sadd.s32 @!p2 s1, s5;
	s6 =	sand.u32 @!p2 $0x7, s6  }
0x3c4: {  	[hbm4b:s5+s6] =	stream.linear.scatter @!p2 [tilespmem:s0], [sflag:$0x7], $0x80, $0x38;
	[tilespmem:$0x1D568] =	vst v63  }
0x3c5: {  	s4 =	sadd.s32 $0x1, s4;
	s3 =	sadd.s32 s3, s8;
	s5 =	sadd.s32 @!p2 $0x40, s5  }
0x3c6: {  	[hbm4b:s5+s6] =	stream.linear.scatter @!p2 [tilespmem:s7], [sflag:$0x7], $0x80, $0x38;
	[tilespmem:$0x1D568] =	vst v63  }
.LBB2_80:
0x3c7: {  	s3 =	sshrl.u32 s3, $0x2  }
.LBB2_81:
0x3c8: {  	s0 =	simm.s32 $0x7  }
0x3c9: {  	_ =	swait.ge [sflag:s0], s3  }
0x3ca: {  	s1 =	ssub.s32 $0x0, s3;
	[sflag:s0] =	ssyncset.done $0x0  }
0x3cb: {  	[sflag:s0] =	ssyncadd.s32 s1  }
0x3cc: {  	[sflag:s0] =	ssyncpa.u1 $0x1  }
.LBB2_82:
0x3cd: {  	_ =	sfence;
	s0 =	simm.s32 $0x1  }
0x3ce: {  	[sflag:s0] =	ssyncpa.u1 $0x1  }
0x3cf: {  	_ =	strace $0x9000004D  }
0x3d0: {  	[bflag:$0x2] =	sbarrier.arrive $0xFFFF  }
0x3d1: {  	s0 =	rddreg [dreg:$0x3]  }
0x3d2: {  	s0 =	sadd.s32 @!p0 $0x100000, s0  }
0x3d3: {  	[sflag:s0] =	ssyncadd.tile.s32 @!p0 $0x1;
	_ =	shalt  }
.Lfunc_end2:
_tile_overlayer_lowered:
.L_overlay_start_2:
0x3d4: {  	(tag) =	ssettag $0x2  }
0x3d5: {  	s0 =	rddreg [dreg:$0x0];
	s2 =	stileid.u32  }
0x3d6: {  	s1 =	rddreg [dreg:$0x1];
	p0 =	sne.s32 s2, $0x0  }
0x3d7: {  	s3 =	rddreg [dreg:$0x2];
	[bflag:$0x3] =	sbarrier.arrive $0xFFFF;
	s2 =	simm.s32 @!p0 $0x1C01  }
0x3d8: {  	[timem:s3], [sflag:s2] =	dma.local @!p0 [hbm:s0], s1  }
0x3d9: {  	s0 =	simm.s32 @!p0 $0x1  }
0x3da: {  	_ =	swait.ge @!p0 [sflag:s0], s1  }
0x3db: {  	s1 =	ssub.s32 @!p0 $0x0, s1;
	[sflag:s0] =	ssyncset.done @!p0 $0x0  }
0x3dc: {  	[sflag:s0] =	ssyncadd.s32 @!p0 s1  }
0x3dd: {  	[bflag:$0x3] =	sbarrier.arrive $0xFFFF  }
0x3de: {  	_ =	shalt  }

// kernel: scatter_offload_async_start
scs
__scs_entry_jumppad:
0x0: {  	(pc) =	sbr.rel $0x88, $3  }
0x1: {  	(tag) =	ssettag $0x0;
	lr =	simm.s32 $0x1  }
0x2: {  	[smem:$0x3F9A] =	sst lr;
	_ =	strace $0xD0000000  }
0x3: {  	_ = 	snop  }
0x4: {  	_ = 	snop  }
0x5: {  	_ = 	snop  }
0x6: {  	_ = 	snop  }
0x7: {  	_ = 	snop  }
__scs_overlays_trampoline_lowered:
0x8: {  	[smem:$0x3FA9] =	sst s0  }
0x9: {  	[smem:$0x3FAA] =	sst s1  }
0xa: {  	[smem:$0x3FAB] =	sst s2  }
0xb: {  	[smem:$0x3FAC] =	sst s3  }
0xc: {  	[smem:$0x3FAD] =	sst s4  }
0xd: {  	[smem:$0x3FAE] =	sst s5  }
0xe: {  	[smem:$0x3FAF] =	sst s6  }
0xf: {  	[smem:$0x3FB0] =	sst s7  }
0x10: {  	[smem:$0x3FB1] =	sst s8  }
0x11: {  	[smem:$0x3FB2] =	sst s9;
	s0 =	simm.s32 @!p0 $0x0  }
0x12: {  	s1 =	sld [smem:$0x3F98];
	s0 =	simm.s32 @p0 $0x1  }
0x13: {  	[smem:$0x3FB3] =	sst s0;
	s0 =	simm.s32 @!p1 $0x0  }
0x14: {  	s2 =	sld [smem:$0x3F97];
	s0 =	simm.s32 @p1 $0x1  }
0x15: {  	[smem:$0x3FB4] =	sst s0;
	s0 =	simm.s32 @!p2 $0x0  }
0x16: {  	s3 =	sld [smem:$0x3FDB];
	s0 =	simm.s32 @p2 $0x1  }
0x17: {  	s4 =	simm.s32 $0x1BF5;
	[smem:$0x3FB6] =	sst s0  }
0x18: {  	s0 =	sld [smem:$0x3F99];
	_ =	swait.ge [sflag:s4], $0x0  }
0x19: {  	s7 =	sld [smem:$0x3F9A]  }
0x1a: {  	s8 =	sadd.s32 $0xFFFFE003, lr  }
0x1b: {  	s9 =	sadd.s32 $0xFFFFFEF7, lr;
	s5 =	simm.s32 $0xFFFFFFFF;
	p2 =	slt.u32 s8, $0xFFFFF086  }
0x1c: {  	p1 =	slt.u32 s9, $0xF7A;
	s5 =	simm.s32 @!p2 $0x0  }
0x1d: {  	s5 =	simm.s32 @p1 $0x1;
	p0 =	seq.s32 s7, s2  }
0x1e: {  	s7 =	smul.u32 @!p0 $0xF7A, s2;
	p2 =	seq.s32 @!p0 s5, $0x0  }
0x1f: {  	s9 =	smul.u32 $0xF7A, s1;
	s8 =	simm.s32 @!p0 $0x1BF5;
	p2 =	por !p2, p0  }
0x20: {  	[sflag:s8] =	ssyncset.s32 @!p0 $0xFFFFF086;
	s6 =	sadd.s32 @!p0 s3, s7;
	s7 =	simm.s32 @!p0 $0x108  }
0x21: {  	s3 =	sadd.s32 s3, s9;
	s6 =	sadd.s32 @!p0 $0x88, s6;
	s7 =	simm.s32 @p2 $0x1082  }
0x22: {  	[simem:s7], [sflag:s8] =	dma.local @!p0 [hbm:s6], $0xF7A  }
0x23: {  	s9 =	sor.u32 $0xD0000000, s2;
	s6 =	simm.s32 $0x108;
	_ =	swait.ge @!p0 [sflag:s8], $0x0  }
0x24: {  	s3 =	sadd.s32 $0x88, s3;
	s6 =	simm.s32 @!p1 $0x1082;
	[sflag:s4] =	ssyncset.s32 $0xFFFFF086  }
0x25: {  	[simem:s6], [sflag:s4] =	dma.local [hbm:s3], $0xF7A  }
0x26: {  	[smem:$0x3F9A] =	sst s1;
	(tag) =	ssettag s2;
	_ =	strace s9  }
0x27: {  	s1 =	sld [smem:$0x3FAA]  }
0x28: {  	s2 =	sld [smem:$0x3FAB]  }
0x29: {  	s4 =	sld [smem:$0x3FAD]  }
0x2a: {  	p0 =	seq.s32 s5, $0x0;
	s5 =	sld [smem:$0x3FAE]  }
0x2b: {  	s6 =	sld [smem:$0x3FAF]  }
0x2c: {  	s7 =	sld [smem:$0x3FB0]  }
0x2d: {  	s3 =	simm.s32 $0x108;
	s8 =	sld [smem:$0x3FB1]  }
0x2e: {  	s3 =	simm.s32 @!p0 $0x1082;
	s9 =	sld [smem:$0x3FB2]  }
0x2f: {  	lr =	sadd.s32 s0, s3;
	s0 =	sld [smem:$0x3FA9]  }
0x30: {  	s3 =	sld [smem:$0x3FAC]  }
0x31: {  	[smem:$0x3FB5] =	sst s10  }
0x32: {  	s10 =	sld [smem:$0x3FB3];
	_ =	sdelay $0x3  }
0x33: {  	p0 =	seq.s32 s10, $0x1;
	s10 =	sld [smem:$0x3FB5];
	_ =	sdelay $0x3  }
0x34: {  	[smem:$0x3FB5] =	sst s10  }
0x35: {  	s10 =	sld [smem:$0x3FB4];
	_ =	sdelay $0x3  }
0x36: {  	p1 =	seq.s32 s10, $0x1;
	s10 =	sld [smem:$0x3FB5];
	_ =	sdelay $0x3  }
0x37: {  	[smem:$0x3FB5] =	sst s10  }
0x38: {  	s10 =	sld [smem:$0x3FB6]  }
0x39: {  	_ = 	snop;
	(pc) =	sbr.ind lr, $3  }
0x3a: {  	_ = 	snop  }
0x3b: {  	_ = 	snop  }
0x3c: {  	p2 =	seq.s32 s10, $0x1;
	s10 =	sld [smem:$0x3FB5]  }
0x3d: {  	_ =	shalt  }
0x3e: {  	_ =	shalt  }
0x3f: {  	_ =	shalt  }
0x40: {  	_ =	shalt  }
0x41: {  	_ =	shalt  }
0x42: {  	_ =	shalt  }
0x43: {  	_ =	shalt  }
0x44: {  	_ =	shalt  }
0x45: {  	_ =	shalt  }
0x46: {  	_ =	shalt  }
0x47: {  	_ =	shalt  }
0x48: {  	_ =	shalt  }
0x49: {  	_ =	shalt  }
0x4a: {  	_ =	shalt  }
0x4b: {  	_ =	shalt  }
0x4c: {  	_ =	shalt  }
0x4d: {  	_ =	shalt  }
0x4e: {  	_ =	shalt  }
0x4f: {  	_ =	shalt  }
0x50: {  	_ =	shalt  }
0x51: {  	_ =	shalt  }
0x52: {  	_ =	shalt  }
0x53: {  	_ =	shalt  }
0x54: {  	_ =	shalt  }
0x55: {  	_ =	shalt  }
0x56: {  	_ =	shalt  }
0x57: {  	_ =	shalt  }
0x58: {  	_ =	shalt  }
0x59: {  	_ =	shalt  }
0x5a: {  	_ =	shalt  }
0x5b: {  	_ =	shalt  }
0x5c: {  	_ =	shalt  }
0x5d: {  	_ =	shalt  }
0x5e: {  	_ =	shalt  }
0x5f: {  	_ =	shalt  }
0x60: {  	_ =	shalt  }
0x61: {  	_ =	shalt  }
0x62: {  	_ =	shalt  }
0x63: {  	_ =	shalt  }
0x64: {  	_ =	shalt  }
0x65: {  	_ =	shalt  }
0x66: {  	_ =	shalt  }
0x67: {  	_ =	shalt  }
0x68: {  	_ =	shalt  }
0x69: {  	_ =	shalt  }
0x6a: {  	_ =	shalt  }
0x6b: {  	_ =	shalt  }
0x6c: {  	_ =	shalt  }
0x6d: {  	_ =	shalt  }
0x6e: {  	_ =	shalt  }
0x6f: {  	_ =	shalt  }
0x70: {  	_ =	shalt  }
0x71: {  	_ =	shalt  }
0x72: {  	_ =	shalt  }
0x73: {  	_ =	shalt  }
0x74: {  	_ =	shalt  }
0x75: {  	_ =	shalt  }
0x76: {  	_ =	shalt  }
0x77: {  	_ =	shalt  }
0x78: {  	_ =	shalt  }
0x79: {  	_ =	shalt  }
0x7a: {  	_ =	shalt  }
0x7b: {  	_ =	shalt  }
0x7c: {  	_ =	shalt  }
0x7d: {  	_ =	shalt  }
0x7e: {  	_ =	shalt  }
0x7f: {  	_ =	shalt  }
0x80: {  	_ =	shalt  }
0x81: {  	_ =	shalt  }
0x82: {  	_ =	shalt  }
0x83: {  	_ =	shalt  }
0x84: {  	_ =	shalt  }
0x85: {  	_ =	shalt  }
0x86: {  	_ =	shalt  }
0x87: {  	_ =	shalt  }
.Lfunc_end0:
.L_simem_size_0:
called_computation_lowered:
.L_overlay_start_0:
0x88: {  	s0 =	sld [smem:$0x3FD9]  }
0x89: {  	s1 =	sld [smem:$0x3FFE];
	_ =	sdelay $0x3  }
0x8a: {  	s0 =	sadd.s32 s1, s0  }
0x8b: {  	[smem:$0x3FC1] =	sst s0  }
0x8c: {  	_ = 	snop  }
0x8d: {  	(tm) =	ssettm $0x1  }
0x8e: {  	s15 =	sld [smem:$0x3FFB];
	_ =	sdelay $0x3  }
0x8f: {  	_ =	strace s15  }
0x90: {  	s0 =	sld [smem:$0x3FFC];
	_ =	sdelay $0x3  }
0x91: {  	_ =	strace s0  }
0x92: {  	s0 =	sld [smem:$0x3FFD];
	_ =	sdelay $0x3  }
0x93: {  	_ =	strace s0  }
0x94: {  	_ =	strace $0x8FFFFFFF  }
0x95: {  	s16 =	sld [smem:$0x3FDB];
	_ =	sdelay $0x1  }
0x96: {  	s17 =	simm.s32 $_scs_section_size  }
0x97: {  	s2 =	simm.s32 $_size__tile_overlayer_lowered;
	s3 =	simm.s32 $_tile_overlayer_lowered  }
0x98: {  	s20 =	simm.s32 $0x1BFF;
	s19 =	sshll.u32 s3, $0x1;
	s0 =	sadd.s32 s17, s16  }
0x99: {  	s4 =	simm.s32 $0x0;
	s18 =	sshll.u32 s2, $0x1;
	s2 =	sadd.s32 s19, s0  }
0x9a: {  	[timem:s4], [sflag:s20] =	dma.local [hbm:s2], s18  }
0x9b: {  	_ =	swait.ge [sflag:s20], s18  }
0x9c: {  	s1 =	ssub.s32 $0x0, s18;
	[sflag:s20] =	ssyncset.done $0x0  }
0x9d: {  	[sflag:s20] =	ssyncadd.s32 s1;
	_ =	sdelay $0x1  }
0x9e: {  	s21 =	simm.s32 $0x1B8B  }
0x9f: {  	_ =	swait.ge [sflag:s21], $0x1  }
0xa0: {  	[sflag:s21] =	ssyncset.done $0x0  }
0xa1: {  	s23 =	simm.s32 $0x1B8E;
	s22 =	sld [smem:$0x3FFE];
	[sflag:s21] =	ssyncadd.s32 $0xFFFFFFFF  }
0xa2: {  	s24 =	simm.s32 $execute0_lowered;
	[smem:$0x3FD2] =	sst s23  }
0xa3: {  	s2 =	sshll.u32 s24, $0x1;
	_ =	strace $0x80000046;
	[dreg:$0x1] =	wrdreg $0xFFFFFFFF  }
0xa4: {  	s25 =	simm.s32 $_size_execute0_lowered;
	s0 =	sadd.s32 s0, s2;
	[dreg:$0x0] =	wrdreg $0x0  }
0xa5: {  	s2 =	sshll.u32 s25, $0x1;
	[dreg:$0x2] =	wrdreg s0  }
0xa6: {  	[dreg:$0x3] =	wrdreg s2  }
0xa7: {  	[dreg:$0x4] =	wrdreg $0xC0  }
0xa8: {  	_ =	task [dreg:s4], $0x5FFFF  }
0xa9: {  	[dreg:$0x1] =	wrdreg $0xFFFFFFFF  }
0xaa: {  	[dreg:$0x0] =	wrdreg $0x60  }
0xab: {  	[dreg:$0x2] =	wrdreg s22  }
0xac: {  	[dreg:$0x3] =	wrdreg $0x9  }
0xad: {  	_ =	task.clear_ibuf [dreg:s4], $0x4FFFF;
	_ =	strace $0x90000046  }
0xae: {  	s26 =	simm.s32 $0x9;
	_ =	strace $0x80000048  }
0xaf: {  	_ =	swait.ge [sflag:s26], $0x1  }
0xb0: {  	[sflag:s26] =	ssyncadd.s32 $0xFFFFFFFF  }
0xb1: {  	_ =	strace $0x90000048  }
0xb2: {  	_ =	sfence  }
0xb3: {  	s28 =	sld [smem:$0x0];
	_ =	sdelay $0x1  }
0xb4: {  	s29 =	srdreg.scid  }
0xb5: {  	s30 =	sshll.u32 s29, $0xD;
	s31 =	sshrl.u32 s29, $0x2  }
0xb6: {  	s1 =	sand.u32 $0x1, s29;
	s2 =	sand.u32 $0x4000, s30;
	s0 =	sadd.s32 s31, s28  }
0xb7: {  	s1 =	sor.u32 s2, s1;
	s0 =	sshll.u32 s0, $0x11  }
0xb8: {  	s0 =	sor.u32 s0, s1  }
0xb9: {  	s0 =	sadd.s32 $0x8F2B, s0  }
0xba: {  	[sflag:s0] =	ssyncadd.remote.s32 $0x1  }
0xbb: {  	_ =	sfence.sel $0xFFFF  }
0xbc: {  	[dreg:$0x0] =	wrdreg $0xFFFFFFFF;
	(pc) =	sbr.abs _section_cstart, $3  }
0xbd: {  	[dreg:$0x1] =	wrdreg $0xFFFFFFFF  }
0xbe: {  	_ =	task.clear_ibuf [dreg:s4], $0x2FFFF;
	_ =	strace $0x9FFFFFFF  }
0xbf: {  	(tm) =	ssettm $0x7FFFFFFF  }
tec
execute0_lowered:
.L_overlay_start_1:
0x0: {  	(tag) =	ssettag $0x1  }
0x1: {  	s0 =	rddreg [dreg:$0x0]  }
0x2: {  	s14 =	stileid.u32;
	_ =	strace $0x80000047;
	s2 =	simm.s32 $0x1  }
0x3: {  	v1 =	vimm.s32 $0xFFFFFFFF;
	s1 =	smin.u32 s14, $0x4;
	[sflag:s2] =	ssyncpa.u1 $0x0  }
0x4: {  	s1 =	sadd.s32 s14, s1;
	[tilespmem:$0x10] =	vst v1  }
0x5: {  	v0 =	vimm.f32 $0.0e+00;
	p0 =	slt.u32 s14, $0x4;
	[tilespmem:$0x20] =	vst v1;
	s3 =	smul.u32 $0x1F40, s1;
	s1 =	simm.s32 $0x3E80  }
0x6: {  	[tilespmem:$0x30] =	vst v0;
	s1 =	simm.s32 @!p0 $0x1F40  }
0x7: {  	[tilespmem:$0x40] =	vst v0;
	s1 =	sadd.s32 s1, s3  }
0x8: {  	[tilespmem:$0x50] =	vst v0;
	s4 =	smin.u32 s1, $0x27100  }
0x9: {  	[tilespmem:$0x60] =	vst v1;
	s9 =	ssub.s32 s4, s3  }
0xa: {  	s7 =	simm.s32 $0x2;
	s8 =	simm.s32 $0x8;
	[tilespmem:$0x70] =	vst v1;
	p0 =	sgt.s32 s9, $0x0  }
0xb: {  	s31 =	simm.s32 $0x9;
	s16 =	simm.s32 $0x0;
	[tilespmem:$0x80] =	vst v1;
	s9 =	simm.s32 @!p0 $0x0  }
0xc: {  	s17 =	simm.s32 $0xF0;
	s18 =	simm.s32 $0xFFFFFFFF;
	v1 =	vimm.s32 $0x0;
	[tilespmem:$0xB0] =	vst v0;
	s5 =	smulhi.u32 $0x10624DD3, s9  }
0xd: {  	s19 =	simm.s32 $0xFFFFC280;
	s20 =	simm.s32 $0xFFFFFFFE;
	s21 =	simm.s32 $0xF;
	[tilespmem:$0x90] =	vst v1  }
0xe: {  	[tilespmem:$0xA0] =	vst v1;
	[sflag:s7] =	ssyncpa.u1 $0x0;
	s7 =	simm.s32 $0x7;
	s10 =	sshrl.u32 s5, $0x9  }
0xf: {  	s25 =	simm.s32 $0x0;
	[sflag:s7] =	ssyncpa.u1 $0x0;
	s11 =	smul.u32 $0x1F40, s10  }
0x10: {  	s24 =	simm.s32 $0x0;
	s6 =	sadd.s32 $0xA000, s0;
	[sflag:s8] =	ssyncpa.u1 $0x0  }
.Ltmp0:
0x11: {  	s23 =	smov.u32 s3;
	p0 =	sne.s32 s9, s11;
	(pc) =	sbr.rel .LBB2_1-.Ltmp0, $4  }
0x12: {  	s1 =	sadd.s32 $0x19000, s0;
	[sflag:s31] =	ssyncpa.u1 $0x0;
	s2 =	simm.s32 @!p0 $0x0  }
0x13: {  	s5 =	sadd.s32 $0x5000, s0;
	p0 =	por $0x0, $0x0;
	s9 =	sadd.s32 s2, s10  }
0x14: {  	vm0 =	vmmov $0xffff;
	v2 =	vlaneseq.u32;
	s10 =	sshll.u32 s14, $0x1;
	s14 =	sshllo.u32 s14, $0x1;
	s11 =	sadd.s32 $0x1, s9  }
0x15: {  	vm1 =	vmxor vm1, vm1;
	vm2 =	vmmov $0x1;
	vm3 =	vcmask $0x3F3C;
	s12 =	sadd.s32 $0x2, s9;
	s13 =	sor.u32 $0x81, s10;
	s15 =	sor.u32 $0x80, s10  }
.LBB2_9:
0x16: {  	p1 =	slt.u32 s24, $0x3  }
0x17: {  	s0 =	simm.s32 @!p1 $0x2  }
0x18: {  	_ =	swait.ge @!p1 [sflag:s0], $0x1F40  }
0x19: {  	[sflag:s0] =	ssyncset.done @!p1 $0x0  }
0x1a: {  	[sflag:s0] =	ssyncadd.s32 @!p1 $0xFFFFE0C0;
	s0 =	simm.s32 @!p1 $0x9  }
0x1b: {  	_ =	swait.ge @!p1 [sflag:s0], $0x10  }
0x1c: {  	[sflag:s0] =	ssyncset.done @!p1 $0x0  }
0x1d: {  	[sflag:s0] =	ssyncadd.s32 @!p1 $0xFFFFFFF0;
	p1 =	sne.s32 s24, s12  }
.Ltmp1:
0x1e: {  	s2 =	sadd.s32 $0x1F40, s23;
	(pc) =	sbr.rel @!p1 .LBB2_10-.Ltmp1, $4  }
0x1f: {  	s22 =	smov.u32 s3;
	s31 =	sadd.s32 $0x1, s24;
	s17 =	sadd.s32 $0x1F40, s17  }
0x20: {  	s18 =	sadd.s32 $0x1, s18;
	s25 =	smov.u32 s23;
	p2 =	slt.s32 s2, s4  }
0x21: {  	p0 =	por !p0, !p0;
	s19 =	sadd.s32 $0x1F40, s19;
	s22 =	smov.u32 @p2 s2  }
0x22: {  	s20 =	sadd.s32 $0x1, s20;
	s23 =	smov.u32 s22;
	s24 =	smov.u32 s31  }
.LBB2_1:
0x23: {  	p1 =	sge.u32 s24, s9  }
0x24: {  	s0 =	smulhi.u32 @!p1 $0xAAAAAAAB, s24;
	_ =	sdelay $0x1  }
0x25: {  	s0 =	sshrl.u32 @!p1 s0, $0x1  }
0x26: {  	s0 =	smul.u32 @!p1 $0x3, s0;
	_ =	sdelay $0x1  }
0x27: {  	s0 =	ssub.s32 @!p1 s24, s0  }
0x28: {  	s0 =	smul.u32 @!p1 $0x7D00, s0;
	_ =	sdelay $0x1  }
0x29: {  	s2 =	sshrl.u32 @!p1 s23, $0x3;
	s0 =	sshrl.u32 @!p1 s0, $0x2  }
0x2a: {  	s22 =	sand.u32 @!p1 $0x7, s23;
	s2 =	sadd.s32 @!p1 s5, s2;
	s0 =	sadd.s32 @!p1 $0x100, s0  }
0x2b: {  	[tilespmem:s0], [sflag:$0x7] =	stream.linear.gather @!p1 [hbm4b:s2+s22], $0x1F40, $0x38;
	[tilespmem:$0x11A60] =	vst v63  }
0x2c: {  	s0 =	sadd.s32 $0xFFFFFFFF, s24  }
0x2d: {  	p1 =	sge.u32 s0, s9  }
.Ltmp2:
0x2e: {  	_ = 	snop;
	(pc) =	sbr.rel @p1 .LBB2_5-.Ltmp2, $1  }
0x2f: {  	_ =	sdelay $0x3  }
0x30: {  	s2 =	smulhi.u32 $0xAAAAAAAB, s0;
	_ =	sdelay $0x1  }
0x31: {  	s2 =	sshrl.u32 s2, $0x1  }
0x32: {  	s2 =	smul.u32 $0x3, s2;
	_ =	sdelay $0x1  }
0x33: {  	s2 =	ssub.s32 s0, s2  }
0x34: {  	s2 =	smul.u32 $0x7D00, s2  }
0x35: {  	_ =	swait.ge [sflag:s7], $0x1F40  }
0x36: {  	[sflag:s7] =	ssyncset.done $0x0;
	s2 =	sshrl.u32 s2, $0x2  }
0x37: {  	[sflag:s7] =	ssyncadd.s32 $0xFFFFE0C0;
	(ifvalue) =	ssetifvalue $0xFFFFFFFF;
	v3 =	vld.msk [tilespmem:s2+$0x100 ss:$0x1], $0xffff;
	_ =	sdelay $0x2  }
0x38: {  	s30 =	smulhi.u32 $0xAAAAAAAB, s18;
	p1 =	sne.s32 s24, $0x1  }
0x39: {  	v4 =	vimm.s32 @!p1 $0x0  }
0x3a: {  	s2 =	sshrl.u32 s30, $0x1;
	v4 =	vperm.xlane @!p1 v3, v4  }
0x3b: {  	s22 =	sshll.u32 s24, $0x4;
	s2 =	smul.u32 $0xFFFE8900, s2;
	vm4 =	vlt.u32 v3, $0x2800  }
0x3c: {  	s22 =	sand.u32 $0x10, s22;
	v3 =	vnsel vm4, $0xFFFFFFFE, v3;
	vm4 =	vlt.u32 @!p1 v4, $0x2800  }
0x3d: {  	s2 =	sshra.s32 s2, $0x2;
	[tilespmem:s22+$0x60] =	vst v3;
	v3 =	vnsel @!p1 vm4, $0xFFFFFFFE, v4  }
0x3e: {  	s28 =	sadd.s32 s2, s17;
	[tilespmem:$0x80] =	vst @!p1 v3  }
0x3f: {  	v3 =	vld.msk [tilespmem:s28+$0x0 ss:$0x1], $0xffff;
	_ =	sdelay $0x4  }
0x40: {  	(xrf1) =	vunique.msk.u32 $0xffff, v3;
	_ =	sdelay $0xd  }
0x41: {  	v4 =	vimm.s32 $0xFFFFFFFF;
	v5, _, _ =	vpop (xrf1)  }
0x42: {  	vm5 =	vne.s32 v3, v4;
	vm4 =	veq.s32 v5, v2  }
0x43: {  	vm6 =	vlt.u32 v3, $0x2800;
	vm4 =	vmand vm5, vm4  }
0x44: {  	vm4 =	vmand vm6, vm4  }
0x45: {  	v4 =	vnsel vm4, $0xFFFFFFFF, v3  }
0x46: {  	s31 =	sand.u32 $0x1, s0  }
0x47: {  	s0 =	simm.s32 $0x1F40;
	p1 =	seq.s32 s31, $0x1  }
0x48: {  	s0 =	simm.s32 @!p1 $0x0  }
0x49: {  	s26 =	sadd.s32 $0x7DF0, s0;
	(ifvalue) =	ssetifvalue $0xFFFFFFFF  }
0x4a: {  	v3 =	vperm.xlane v3, v1;
	[tilespmem:s26], [sflag:$0x8] =	stream.indirect_vreg.gather [hbm4b:s1+s16], $0x1, v4, vm0, $0x4038;
	v4 =	vnsel vm6, $0xFFFFFFFE, v4;
	[tilespmem:$0x11A60] =	vst v63  }
0x4b: {  	s2 =	simm.s32 $0x0;
	s22 =	sadd.s32 $0xFFFFFFF0, s28;
	[tilespmem:s28+$0x0] =	vst v4  }
.LBB2_3:
0x4c: {  	v4 =	vld.msk [tilespmem:s22+$0x0 ss:$0x1], $0xffff;
	s2 =	sadd.s32 $0x10, s2;
	v5 =	vmov v3;
	s28 =	smov.u32 s22  }
0x4d: {  	p1 =	slt.u32 s2, $0x1F30;
	_ =	sdelay $0x4  }
0x4e: {  	v3 =	vperm.xlane v4, v1;
	(xrf1) =	vunique.msk.u32 $0xffff, v4;
	_ =	sdelay $0xd  }
0x4f: {  	v6, _, _ =	vpop (xrf1)  }
0x50: {  	vm5 =	vne.s32 v4, v5;
	vm4 =	veq.s32 v6, v2  }
0x51: {  	vm6 =	vlt.u32 v4, $0x2800;
	vm4 =	vmand vm5, vm4  }
0x52: {  	vm4 =	vmand vm6, vm4  }
0x53: {  	v4 =	vnsel vm4, $0xFFFFFFFF, v4  }
.Ltmp3:
0x54: {  	v5 =	vnsel vm6, $0xFFFFFFFE, v4;
	(pc) =	sbr.rel @p1 .LBB2_3-.Ltmp3, $3  }
0x55: {  	_ =	sdelay $0x1  }
0x56: {  	s22 =	sadd.s32 $0xFFFFFFF0, s22;
	s26 =	sadd.s32 $0xFFFFFFF0, s26;
	(ifvalue) =	ssetifvalue $0xFFFFFFFF  }
0x57: {  	[tilespmem:s26], [sflag:$0x8] =	stream.indirect_vreg.gather [hbm4b:s1+s16], $0x1, v4, vm0, $0x4038;
	[tilespmem:s28+$0x0] =	vst v5  }
0x58: {  	s2 =	sshrl.u32 s25, $0x3  }
0x59: {  	s0 =	sadd.s32 $0x9D40, s0;
	s2 =	sadd.s32 s6, s2  }
0x5a: {  	[tilespmem:s0], [sflag:$0x8] =	stream.linear.gather [hbm:s2], $0x1F40, $0x38;
	[tilespmem:$0x11A60] =	vst v63  }
.LBB2_5:
0x5b: {  	p1 =	slt.u32 s24, $0x2  }
0x5c: {  	p2 =	sge.u32 @!p1 s24, s12  }
0x5d: {  	p1 =	por p1, p2  }
.Ltmp4:
0x5e: {  	_ = 	snop;
	(pc) =	sbr.rel @p1 .LBB2_9-.Ltmp4, $1  }
0x5f: {  	_ =	sdelay $0x3  }
0x60: {  	s0 =	sadd.s32 $0xFFFFFFFE, s24  }
0x61: {  	s2 =	smulhi.u32 $0xAAAAAAAB, s0;
	_ =	sdelay $0x1  }
0x62: {  	s2 =	sshrl.u32 s2, $0x1  }
0x63: {  	s2 =	smul.u32 $0x3, s2;
	_ =	sdelay $0x1  }
0x64: {  	s0 =	ssub.s32 s0, s2  }
0x65: {  	_ =	swait.ge [sflag:s8], $0x3E80;
	s0 =	smul.u32 $0x1F40, s0  }
0x66: {  	p1 =	sne.s32 s24, s11;
	[sflag:s8] =	ssyncset.done $0x0  }
0x67: {  	[sflag:s8] =	ssyncadd.s32 $0xFFFFC180;
	s2 =	sadd.s32 @!p1 $0x203F, s0  }
0x68: {  	[spmem:s13] =	stream.linear.scatter @!p1 [tilespmem:s2], [sflag:$0x1], $0x1, $0x38;
	[tilespmem:$0x11A60] =	vst v63  }
0x69: {  	s2 =	simm.s32 @!p1 $0x1  }
0x6a: {  	_ =	swait.ge @!p1 [sflag:s2], $0x1  }
0x6b: {  	s22 =	sshll.u32 s24, $0x4;
	[sflag:s2] =	ssyncset.done @!p1 $0x0  }
0x6c: {  	s25 =	sand.u32 $0x10, s22;
	[sflag:s2] =	ssyncadd.s32 @!p1 $0xFFFFFFFF  }
0x6d: {  	s2 =	sxor.u32 $0x10, s25;
	v4 =	vld [tilespmem:s25+$0x10]  }
0x6e: {  	v5 =	vld [tilespmem:s2+$0x60]  }
0x6f: {  	v3 =	vld [tilespmem:$0x80];
	_ =	sdelay $0x2  }
0x70: {  	(v2sf) =	vpush v4, $0x0  }
0x71: {  	(v2sf) =	vpush v5, $0x0  }
0x72: {  	(v2sf) =	vpush v3, $0x0;
	_ =	sdelay $0xc  }
0x73: {  	s22 =	spop (v2sf)  }
0x74: {  	s26 =	spop (v2sf)  }
0x75: {  	s28 =	spop (v2sf)  }
0x76: {  	p2 =	seq.s32 s22, s26;
	p3 =	seq.s32 s28, s22  }
0x77: {  	p3 =	por p2, p3  }
0x78: {  	s26 =	sand.u32 $0x1, s24;
	v4 =	vpsel p3, $0xFFFFFFFF, v4  }
0x79: {  	s29 =	smul.u32 $0x1F40, s26;
	[tilespmem:s25+$0x10] =	vst.msk $0x1, v4  }
0x7a: {  	v4 =	vld [tilespmem:$0x30]  }
0x7b: {  	v5 =	vld [tilespmem:s29+$0x9D40]  }
0x7c: {  	v6 =	vld [tilespmem:s25+$0x40];
	_ =	sdelay $0x3  }
0x7d: {  	vm4 =	vmmov vm1;
	v5 =	vadd.f32 v5, v4  }
0x7e: {  	vm5 =	vmmov vm2;
	vm4 =	vmmov @p2 vm2;
	s22 =	sshll.u32 s26, $0x4;
	v4 =	vadd.f32 v6, v4  }
0x7f: {  	s26 =	sor.u32 $0x11A40, s22;
	vm5 =	vmmov @p3 vm1;
	[tilespmem:s29+$0x9D40] =	vst.msk vm4, v5  }
0x80: {  	[tilespmem:s26+$0x0] =	vst.msk vm5, v4  }
0x81: {  	v4 =	vld [tilespmem:s29+$0x7DF0];
	_ =	sdelay $0x3  }
0x82: {  	v5 =	vimm.f32 $0.0e+00  }
0x83: {  	v4 =	vshift.insert v4, v5, s21  }
0x84: {  	s22 =	sor.u32 $0x40, s2  }
0x85: {  	[tilespmem:s22+$0x0] =	vst.msk $0x1, v4  }
0x86: {  	[tilespmem:s29+$0x7DFF] =	vst.msk $0x1, v5  }
0x87: {  	v4 =	vld [tilespmem:s0+$0x2030];
	_ =	sdelay $0x1  }
0x88: {  	s22 =	smulhi.u32 $0xAAAAAAAB, s20;
	s0 =	simm.s32 $0x1  }
0x89: {  	s0 =	simm.s32 @!p0 $0x0  }
0x8a: {  	s22 =	sshrl.u32 s22, $0x1;
	s0 =	smul.u32 $0x7D00, s0  }
0x8b: {  	s22 =	smul.u32 $0xFFFE8900, s22;
	v4 =	vshift.insert v4, v1, s21  }
0x8c: {  	s0 =	sshrl.u32 s0, $0x2  }
0x8d: {  	s22 =	sshra.s32 s22, $0x2;
	s30 =	sadd.s32 $0x9D40, s0;
	[tilespmem:s2+$0x10] =	vst.msk $0x1, v4  }
0x8e: {  	s22 =	sadd.s32 s22, s19;
	v6 =	vld [tilespmem:s30+$0x0]  }
0x8f: {  	v7 =	vld [tilespmem:s22+$0x0];
	_ =	sdelay $0x3  }
0x90: {  	v5 =	vadd.f32 v6, v5  }
0x91: {  	vm4 =	vne.s32 v7, $0xFFFFFFFF  }
0x92: {  	(xrf2) =	vadd.seg.scan.f32 vm4, v5;
	_ =	sdelay $0x3  }
0x93: {  	s31 =	sadd.s32 $0x5EC0, s0;
	v5 =	vperm.xlane v4, v1  }
0x94: {  	v6 =	vld [tilespmem:s31+$0x0]  }
0x95: {  	vm5 =	veq.s32 v7, v3;
	vm6 =	veq.s32 v7, v5  }
0x96: {  	vm7 =	vgt.u32 v7, $0xFFFFFFFD;
	vm6 =	vmor vm6, vm5  }
0x97: {  	vm6 =	vmor vm6, vm7  }
0x98: {  	v9 =	vld [tilespmem:$0xA0];
	v7 =	vsel vm6, $0xFFFFFFFF, v7  }
0x99: {  	v10 =	vld [tilespmem:$0x90];
	v6 =	vsel vm5, $0x0, v6;
	v8, _, _ =	vpop (xrf2)  }
0x9a: {  	v6 =	vadd.f32 v8, v6  }
0x9b: {  	s0 =	sadd.s32 $0xDBC0, s0  }
0x9c: {  	vm4 =	vmand vm4, vm3;
	[tilespmem:s0+$0x0] =	vst v6;
	(ifvalue) =	ssetifvalue $0xFFFFFFFF  }
0x9d: {  	vm6 =	veq.s32 v9, $0x1;
	[hbm4b:s1+s16] =	stream.indirect_vreg.scatter [tilespmem:s0], [sflag:$0x2], $0x1, v7, vm0, $0x4038;
	v7 =	vsel vm4, $0x0, v8;
	[tilespmem:$0x11A60] =	vst v63  }
0x9e: {  	s2 =	simm.s32 $0x0;
	s22 =	sadd.s32 $0x10, s22;
	vm4 =	vmor vm6, vm5;
	v6 =	vsel vm5, v8, v10;
	v7 =	vshift.insert v7, v0, s21  }
.LBB2_7:
0x9f: {  	v8 =	vld [tilespmem:s22+$0x0];
	s30 =	sadd.s32 $0x10, s30  }
0xa0: {  	s31 =	sadd.s32 $0x10, s31;
	v9 =	vld [tilespmem:s30+$0x0]  }
0xa1: {  	s2 =	sadd.s32 $0x10, s2;
	v10 =	vld [tilespmem:s31+$0x0]  }
0xa2: {  	p2 =	slt.u32 s2, $0x1F30;
	_ =	sdelay $0x2  }
0xa3: {  	v7 =	vadd.f32 v9, v7  }
0xa4: {  	vm5 =	vne.s32 v8, $0xFFFFFFFF  }
0xa5: {  	vm6 =	vmand vm5, vm3;
	(xrf2) =	vadd.seg.scan.f32 vm5, v7;
	_ =	sdelay $0x5  }
0xa6: {  	vm7 =	veq.s32 v8, v5;
	vm5 =	veq.s32 v8, v3  }
0xa7: {  	vm8 =	vgt.u32 v8, $0xFFFFFFFD;
	vm4 =	vmor vm4, vm5;
	vm7 =	vmor vm7, vm5  }
0xa8: {  	vm7 =	vmor vm7, vm8  }
0xa9: {  	v8 =	vsel vm7, $0xFFFFFFFF, v8  }
.Ltmp5:
0xaa: {  	v7 =	vsel vm5, $0x0, v10;
	v9, _, _ =	vpop (xrf2);
	(pc) =	sbr.rel @p2 .LBB2_7-.Ltmp5, $4  }
0xab: {  	v6 =	vsel vm5, v9, v6;
	v10 =	vadd.f32 v9, v7;
	v7 =	vsel vm6, $0x0, v9  }
0xac: {  	s0 =	sadd.s32 $0x10, s0;
	v7 =	vshift.insert v7, v0, s21  }
0xad: {  	s22 =	sadd.s32 $0x10, s22;
	[tilespmem:s0+$0x0] =	vst v10;
	(ifvalue) =	ssetifvalue $0xFFFFFFFF  }
0xae: {  	[hbm4b:s1+s16] =	stream.indirect_vreg.scatter [tilespmem:s0], [sflag:$0x2], $0x1, v8, vm0, $0x4038;
	[tilespmem:$0x11A60] =	vst v63  }
0xaf: {  	v3 =	vld [tilespmem:s29+$0xFAF0];
	_ =	sdelay $0x4  }
0xb0: {  	v3 =	vshift.insert v3, v0, s21  }
0xb1: {  	s0 =	simm.s32 $0x30  }
0xb2: {  	[tilespmem:s0+$0x0] =	vst.msk $0x1, v3  }
0xb3: {  	v3 =	vsel vm4, $0x1, v1;
	[tilespmem:$0x90] =	vst v6  }
0xb4: {  	s0 =	sadd.s32 @!p1 $0xFAFF, s29;
	[tilespmem:$0xA0] =	vst v3  }
0xb5: {  	[spmem:s14] =	stream.linear.scatter @!p1 [tilespmem:s0], [sflag:$0x1], $0x1, $0x38;
	[tilespmem:$0x11A60] =	vst v63  }
0xb6: {  	s0 =	simm.s32 @!p1 $0x1  }
0xb7: {  	v3 =	vmctz.xlane @!p1 vm4;
	_ =	swait.ge @!p1 [sflag:s0], $0x1  }
0xb8: {  	(v2sf) =	vpush @!p1 v4, $0x0  }
0xb9: {  	(v2sf) =	vpush @!p1 v3, $0x0;
	_ =	sdelay $0xd  }
0xba: {  	s2 =	spop @!p1 (v2sf)  }
0xbb: {  	s22 =	spop @!p1 (v2sf)  }
0xbc: {  	p2 =	sne.s32 @!p1 s28, s2;
	p3 =	slt.s32 @!p1 s22, $0xF  }
0xbd: {  	[sflag:s0] =	ssyncset.done @!p1 $0x0;
	p2 =	por p2, p1;
	p3 =	por !p3, p1  }
0xbe: {  	[sflag:s0] =	ssyncadd.s32 @!p1 $0xFFFFFFFF;
	v3 =	vimm.s32 @!p2 $0xFFFFFFFF;
	s22 =	simm.s32 @p3 $0xF  }
0xbf: {  	[tilespmem:$0x80] =	vst @!p2 v3;
	s2 =	sadd.s32 @!p1 $0x90, s22  }
0xc0: {  	[spmem:s10] =	stream.linear.scatter @!p1 [tilespmem:s2], [sflag:$0x1], $0x1, $0x38;
	[tilespmem:$0x11A60] =	vst v63  }
0xc1: {  	_ =	swait.ge @!p1 [sflag:s0], $0x1  }
0xc2: {  	[sflag:s0] =	ssyncset.done @!p1 $0x0  }
0xc3: {  	s2 =	simm.s32 @!p1 $0x80;
	[sflag:s0] =	ssyncadd.s32 @!p1 $0xFFFFFFFF  }
0xc4: {  	[spmem:s15] =	stream.linear.scatter @!p1 [tilespmem:s2], [sflag:$0x1], $0x1, $0x38;
	[tilespmem:$0x11A60] =	vst v63  }
0xc5: {  	_ =	swait.ge @!p1 [sflag:s0], $0x1  }
0xc6: {  	[sflag:s0] =	ssyncset.done @!p1 $0x0  }
0xc7: {  	[sflag:s0] =	ssyncadd.s32 @!p1 $0xFFFFFFFF;
	(ifvalue) =	ssetifvalue $0xFFFFFFFF;
	v3 =	vld [tilespmem:s25+$0x10];
	_ =	sdelay $0x3  }
.Ltmp6:
0xc8: {  	_ = 	snop;
	(pc) =	sbr.rel .LBB2_9-.Ltmp6, $3  }
0xc9: {  	_ =	sdelay $0x1  }
0xca: {  	(ifvalue) =	ssetifvalue $0xFFFFFFFF  }
0xcb: {  	[hbm4b:s1+s16] =	stream.indirect_vreg.scatter [tilespmem:s26], [sflag:$0x9], $0x1, v3, vm0, $0x4038;
	[tilespmem:$0x11A60] =	vst v63  }
.LBB2_10:
0xcc: {  	_ =	sfence.sel $0x180000  }
0xcd: {  	s0 =	simm.s32 $0x7;
	[bflag:$0x0] =	sbarrier.arrive $0xFFFF  }
0xce: {  	s26 =	simm.s32 $0x8;
	[sflag:s0] =	ssyncpa.u1 $0x1  }
0xcf: {  	s28 =	simm.s32 $0x9;
	[sflag:s26] =	ssyncpa.u1 $0x1  }
0xd0: {  	[sflag:s28] =	ssyncpa.u1 $0x1  }
0xd1: {  	_ =	sfence.stream.spmem  }
0xd2: {  	s29 =	simm.s32 $0x3;
	[bflag:$0x0] =	sbarrier.arrive $0xFFFF  }
0xd3: {  	s30 =	simm.s32 $0x4;
	[sflag:s29] =	ssyncpa.u1 $0x1  }
0xd4: {  	s31 =	simm.s32 $0x3C;
	s2 =	stileid.u32;
	[sflag:s30] =	ssyncpa.u1 $0x1  }
0xd5: {  	p0 =	sne.s32 s2, $0x0;
	[sflag:s31] =	ssyncpa.u1 $0x1  }
0xd6: {  	s0 =	simm.s32 @p0 $0x1;
	_ =	sfence @p0  }
0xd7: {  	[sflag:s0] =	ssyncpa.u1 @p0 $0x1;
	s0 =	simm.s32 @p0 $0x2  }
0xd8: {  	[sflag:s0] =	ssyncpa.u1 @p0 $0x1  }
0xd9: {  	_ =	strace @p0 $0x90000047  }
0xda: {  	[bflag:$0x2] =	sbarrier.arrive @p0 $0xFFFF  }
0xdb: {  	_ =	shalt @p0  }
.LBB2_11:
0xdc: {  	_ =	sfence.stream.spmem;
	s0 =	simm.s32 $0x5  }
0xdd: {  	s2 =	simm.s32 $0x80;
	s3 =	simm.s32 $0xC0;
	[sflag:s0] =	ssyncpa.u1 $0x0  }
0xde: {  	[tilespmem:s3], [sflag:$0x5] =	stream.linear.gather [spmem:s2], $0x20, $0x38;
	[tilespmem:$0x11A60] =	vst v63  }
0xdf: {  	s2 =	simm.s32 $0x0;
	s3 =	simm.s32 $0xE0  }
0xe0: {  	[tilespmem:s3], [sflag:$0x5] =	stream.linear.gather [spmem:s2], $0x20, $0x38;
	[tilespmem:$0x11A60] =	vst v63  }
.Ltmp7:
0xe1: {  	_ = 	snop;
	(pc) =	sbr.rel .LBB2_12-.Ltmp7, $4  }
0xe2: {  	_ =	swait.ge [sflag:s0], $0x40  }
0xe3: {  	[sflag:s0] =	ssyncset.done $0x0  }
0xe4: {  	s31 =	simm.s32 $0x6;
	[sflag:s0] =	ssyncadd.s32 $0xFFFFFFC0  }
0xe5: {  	s4 =	simm.s32 $0x0;
	[sflag:s31] =	ssyncpa.u1 $0x0  }
.LBB2_17:
0xe6: {  	p0 =	sgt.u32 s5, $0x27FF  }
0xe7: {  	s0 =	sshrl.u32 @!p0 s5, $0x3  }
0xe8: {  	s5 =	sand.u32 @!p0 $0x7, s5;
	s6 =	simm.s32 @!p0 $0xB0;
	s0 =	sadd.s32 @!p0 s1, s0  }
0xe9: {  	[tilespmem:s6], [sflag:$0x6] =	stream.linear.gather @!p0 [hbm4b:s0+s5], $0x1, $0x38;
	[tilespmem:$0x11A60] =	vst v63  }
0xea: {  	s0 =	simm.s32 @!p0 $0x6  }
0xeb: {  	_ =	swait.ge @!p0 [sflag:s0], $0x1  }
0xec: {  	[sflag:s0] =	ssyncset.done @!p0 $0x0  }
0xed: {  	[sflag:s0] =	ssyncadd.s32 @!p0 $0xFFFFFFFF  }
0xee: {  	v2 =	vmov @!p0 s4;
	v1 =	vld.msk @!p0 [tilespmem:$0xB0], $0x1;
	_ =	sdelay $0x3  }
0xef: {  	s0 =	simm.s32 @!p0 $0xE0  }
0xf0: {  	[tilespmem:v2+s0+$0x0], v1 =	vst.idx.ret.add.f32.msk @!p0 $0x1, v1  }
0xf1: {  	[tilespmem:s2+$0xC0] =	vst.msk $0x1, v0  }
0xf2: {  	v0 =	vld.msk [tilespmem:s4+$0xE0], $0x1;
	_ =	sdelay $0x4  }
0xf3: {  	[tilespmem:s2+$0xE0] =	vst.msk $0x1, v0;
	s2 =	sadd.s32 $0x1, s2  }
.LBB2_19:
0xf4: {  	s4 =	sadd.s32 $0x1, s4  }
0xf5: {  	p0 =	sne.s32 s4, $0x20  }
.Ltmp8:
0xf6: {  	_ = 	snop;
	(pc) =	sbr.rel @!p0 .LBB2_20-.Ltmp8, $1  }
0xf7: {  	_ =	sdelay $0x3  }
.LBB2_12:
0xf8: {  	v0 =	vld.msk [tilespmem:s4+$0xC0], $0x1;
	_ =	sdelay $0x4  }
0xf9: {  	(v2sf) =	vpush v0, $0x0;
	_ =	sdelay $0xe  }
0xfa: {  	s5 =	spop (v2sf)  }
0xfb: {  	p0 =	seq.s32 s5, $0xFFFFFFFF  }
.Ltmp9:
0xfc: {  	_ = 	snop;
	(pc) =	sbr.rel @p0 .LBB2_19-.Ltmp9, $1  }
0xfd: {  	_ =	sdelay $0x3  }
0xfe: {  	p0 =	slt.s32 s2, $0x1  }
.Ltmp10:
0xff: {  	_ = 	snop;
	(pc) =	sbr.rel @p0 .LBB2_17-.Ltmp10, $1  }
0x100: {  	_ =	sdelay $0x3  }
0x101: {  	s0 =	simm.s32 $0xC0;
	p0 =	por $0x0, $0x0  }
0x102: {  	v1 =	vld.msk @!p0 [tilespmem:s0+$0x0], $0x1;
	_ =	sdelay $0x4  }
0x103: {  	(v2sf) =	vpush @!p0 v1, $0x0;
	_ =	sdelay $0xd  }
0x104: {  	p2 =	sne.s32 s2, $0x1  }
.Ltmp11:
0x105: {  	s6 =	spop @!p0 (v2sf);
	(pc) =	sbr.rel @!p2 .LBB2_16-.Ltmp11, $4  }
0x106: {  	p1 =	seq.s32 @!p0 s5, s6  }
0x107: {  	s6 =	simm.s32 $0x0;
	p1 =	por !p1, p0  }
0x108: {  	s8 =	simm.s32 $0xFFFFFFFF;
	s6 =	simm.s32 @p1 $0xFFFFFFFF  }
0x109: {  	s7 =	simm.s32 $0x1;
	s6 =	smov.u32 @p0 s8  }
.LBB2_15:
0x10a: {  	s8 =	smov.u32 s6;
	p0 =	sne.s32 s6, $0xFFFFFFFF  }
0x10b: {  	s0 =	sadd.s32 $0x1, s0;
	s6 =	smov.u32 s7;
	s7 =	sadd.s32 $0x1, s7  }
0x10c: {  	p1 =	sne.s32 s2, s7;
	v1 =	vld.msk @!p0 [tilespmem:s0+$0x0], $0x1;
	_ =	sdelay $0x4  }
0x10d: {  	(v2sf) =	vpush @!p0 v1, $0x0;
	_ =	sdelay $0xe  }
.Ltmp12:
0x10e: {  	s9 =	spop @!p0 (v2sf);
	(pc) =	sbr.rel @p1 .LBB2_15-.Ltmp12, $4  }
0x10f: {  	p2 =	seq.s32 @!p0 s5, s9  }
0x110: {  	p2 =	por !p2, p0  }
0x111: {  	s6 =	simm.s32 @p2 $0xFFFFFFFF  }
0x112: {  	s6 =	smov.u32 @p0 s8  }
.LBB2_16:
0x113: {  	p0 =	sne.s32 s6, $0xFFFFFFFF  }
.Ltmp13:
0x114: {  	_ = 	snop;
	(pc) =	sbr.rel @!p0 .LBB2_17-.Ltmp13, $1  }
0x115: {  	_ =	sdelay $0x3  }
0x116: {  	v0 =	vld.msk [tilespmem:s4+$0xE0], $0x1;
	v1 =	vmov s6  }
.Ltmp14:
0x117: {  	_ = 	snop;
	(pc) =	sbr.rel .LBB2_19-.Ltmp14, $2  }
0x118: {  	_ =	sdelay $0x2  }
0x119: {  	[tilespmem:v1+s3+$0x0], v0 =	vst.idx.ret.add.f32.msk $0x1, v0  }
.LBB2_20:
0x11a: {  	p0 =	slt.s32 s2, $0x1  }
.Ltmp15:
0x11b: {  	_ = 	snop;
	(pc) =	sbr.rel @p0 .LBB2_24-.Ltmp15, $3  }
0x11c: {  	_ =	sdelay $0x1  }
0x11d: {  	s0 =	simm.s32 $0x6  }
0x11e: {  	s3 =	simm.s32 $0x0;
	[sflag:s0] =	ssyncpa.u1 $0x1  }
0x11f: {  	s0 =	simm.s32 $0xC0  }
0x120: {  	v0 =	vld.msk [tilespmem:s0+$0x0], $0x1;
	_ =	sdelay $0x4  }
0x121: {  	(v2sf) =	vpush v0, $0x0;
	_ =	sdelay $0xe  }
0x122: {  	s2 =	sadd.s32 $0xFFFFFFFF, s2;
	s4 =	spop (v2sf)  }
0x123: {  	p1 =	sne.s32 s2, $0x0;
	p0 =	sgt.u32 s4, $0x27FF  }
.Ltmp16:
0x124: {  	s5 =	sshrl.u32 @!p0 s4, $0x3;
	(pc) =	sbr.rel @!p1 .LBB2_23-.Ltmp16, $4  }
0x125: {  	s0 =	simm.s32 $0xE0;
	s4 =	sand.u32 @!p0 $0x7, s4;
	s5 =	sadd.s32 @!p0 s1, s5  }
0x126: {  	[hbm4b:s5+s4] =	stream.linear.scatter @!p0 [tilespmem:s0], [sflag:$0x5], $0x1, $0x38;
	[tilespmem:$0x11A60] =	vst v63  }
0x127: {  	s5 =	simm.s32 $0x0  }
0x128: {  	s4 =	simm.s32 $0xC1;
	s5 =	simm.s32 @!p0 $0x4  }
.LBB2_22:
0x129: {  	v0 =	vld.msk [tilespmem:s4+$0x0], $0x1;
	s2 =	sadd.s32 $0xFFFFFFFF, s2;
	s3 =	sadd.s32 s3, s5  }
0x12a: {  	p0 =	sne.s32 s2, $0x0;
	_ =	sdelay $0x3  }
0x12b: {  	(v2sf) =	vpush v0, $0x0;
	_ =	sdelay $0xe  }
.Ltmp17:
0x12c: {  	s6 =	spop (v2sf);
	(pc) =	sbr.rel @p0 .LBB2_22-.Ltmp17, $4  }
0x12d: {  	s5 =	simm.s32 $0x0;
	p1 =	sgt.u32 s6, $0x27FF  }
0x12e: {  	s0 =	sadd.s32 $0x1, s0;
	s5 =	simm.s32 @!p1 $0x4;
	s7 =	sshrl.u32 @!p1 s6, $0x3  }
0x12f: {  	s4 =	sadd.s32 $0x1, s4;
	s6 =	sand.u32 @!p1 $0x7, s6;
	s7 =	sadd.s32 @!p1 s1, s7  }
0x130: {  	[hbm4b:s7+s6] =	stream.linear.scatter @!p1 [tilespmem:s0], [sflag:$0x5], $0x1, $0x38;
	[tilespmem:$0x11A60] =	vst v63  }
.LBB2_23:
0x131: {  	s0 =	sadd.s32 s3, s5  }
0x132: {  	s3 =	sshrl.u32 s0, $0x2  }
.LBB2_24:
0x133: {  	s0 =	simm.s32 $0x5  }
0x134: {  	_ =	swait.ge [sflag:s0], s3  }
0x135: {  	s1 =	ssub.s32 $0x0, s3;
	[sflag:s0] =	ssyncset.done $0x0  }
0x136: {  	[sflag:s0] =	ssyncadd.s32 s1  }
0x137: {  	[sflag:s0] =	ssyncpa.u1 $0x1  }
0x138: {  	s29 =	simm.s32 $0x1;
	_ =	sfence  }
0x139: {  	s30 =	simm.s32 $0x2;
	[sflag:s29] =	ssyncpa.u1 $0x1  }
0x13a: {  	[sflag:s30] =	ssyncpa.u1 $0x1  }
0x13b: {  	_ =	strace $0x90000047  }
0x13c: {  	[bflag:$0x2] =	sbarrier.arrive $0xFFFF  }
0x13d: {  	s31 =	rddreg [dreg:$0x1]  }
0x13e: {  	s0 =	sadd.s32 $0x100000, s31  }
0x13f: {  	[sflag:s0] =	ssyncadd.tile.s32 $0x1;
	_ =	shalt  }
.Lfunc_end2:
_tile_overlayer_lowered:
.L_overlay_start_2:
0x140: {  	(tag) =	ssettag $0x2  }
0x141: {  	s0 =	rddreg [dreg:$0x0];
	s2 =	stileid.u32  }
0x142: {  	s1 =	rddreg [dreg:$0x1];
	p0 =	sne.s32 s2, $0x0  }
0x143: {  	s3 =	rddreg [dreg:$0x2];
	[bflag:$0x3] =	sbarrier.arrive $0xFFFF;
	s2 =	simm.s32 @!p0 $0x1C01  }
0x144: {  	[timem:s3], [sflag:s2] =	dma.local @!p0 [hbm:s0], s1  }
0x145: {  	s0 =	simm.s32 @!p0 $0x1  }
0x146: {  	_ =	swait.ge @!p0 [sflag:s0], s1  }
0x147: {  	s1 =	ssub.s32 @!p0 $0x0, s1;
	[sflag:s0] =	ssyncset.done @!p0 $0x0  }
0x148: {  	[sflag:s0] =	ssyncadd.s32 @!p0 s1  }
0x149: {  	[bflag:$0x3] =	sbarrier.arrive $0xFFFF  }
0x14a: {  	_ =	shalt  }

</sc_bundles>
